<compile_context>
chip_gen: v7x
topology: tpu7x:2x2x1
jax: 0.10.2.dev20260603
libtpu: 0.0.44.dev20260713+nightly
codegen_flags: <defaults>
</compile_context>

<pallas_src>
import functools

import jax
import jax.numpy as jnp
from jax import lax
from jax.experimental import pallas as pl
from jax.experimental.pallas import tpu as pltpu
from jax.experimental.pallas import tpu_sc as plsc

NC = 1
NS = 16
SUPER = 2048
CHUNK = 128
LANES = 16


def _sc_segment_sum(n_pad, e_pad, d, x_pad, src2, dst2, zidx, zc, zcnt):
    tile_e = e_pad // (NC * NS)
    n_super = tile_e // SUPER
    rows_per_tile = n_pad // NS
    n_io = rows_per_tile // CHUNK
    mesh = plsc.VectorSubcoreMesh(
        core_axis_name="c", subcore_axis_name="s", num_cores=NC, num_subcores=NS
    )

    @functools.partial(
        pl.kernel,
        out_type=[
            jax.ShapeDtypeStruct((n_pad, d), jnp.float32),
            jax.ShapeDtypeStruct((NS, n_pad), jnp.float32),
        ],
        mesh=mesh,
        compiler_params=pltpu.CompilerParams(needs_layout_passes=False),
        scratch_types=[
            pltpu.VMEM((SUPER // 128, 128), jnp.int32),
            pltpu.VMEM((SUPER // 128, 128), jnp.int32),
            pltpu.VMEM((CHUNK, d), jnp.float32),
            pltpu.VMEM((CHUNK, d), jnp.float32),
            pltpu.VMEM((n_pad,), jnp.float32),
            pltpu.VMEM((n_pad // (NS * 128), 128), jnp.int32),
            pltpu.VMEM_SHARED((n_pad, d), jnp.float32),
            pltpu.SemaphoreType.DMA,
            pltpu.SemaphoreType.DMA,
            pltpu.SemaphoreType.DMA,
            pltpu.SemaphoreType.DMA,
        ],
    )
    def seg_kernel(x_hbm, src_hbm, dst_hbm, zidx_hbm, zc_hbm, zcnt_hbm,
                   psum_hbm, pcnt_hbm,
                   idx_src, idx_dst, rows, rows2, cnt_v, zidx_v, acc,
                   sem, sem2, ssem, ssem2):
        c = lax.axis_index("c")
        s = lax.axis_index("s")
        wid = c * NS + s

        r0 = pl.multiple_of(s * rows_per_tile, 8)
        pltpu.sync_copy(zc_hbm, rows)
        pltpu.sync_copy(zcnt_hbm, cnt_v)
        pltpu.sync_copy(zidx_hbm.at[s], zidx_v)
        for t in range(n_io):
            pltpu.sync_copy(rows, acc.at[zidx_v.at[t]])
        row0 = pl.multiple_of(wid * (tile_e // 128), 8)
        plsc.subcore_barrier()

        ones16 = jnp.ones((LANES,), jnp.float32)
        bufs = (rows, rows2)
        sems = (sem, sem2)
        ssems = (ssem, ssem2)
        n_j = SUPER // 128

        def edge_pass(g, carry):
            srow = row0 + g * n_j
            pltpu.sync_copy(src_hbm.at[pl.ds(srow, n_j)], idx_src)
            pltpu.sync_copy(dst_hbm.at[pl.ds(srow, n_j)], idx_dst)
            pend_g = [None, None]
            pend_s = [None, None]
            pend_g[0] = pltpu.async_copy(x_hbm.at[idx_src.at[0]], bufs[0], sems[0])
            for j in range(n_j):
                b = j % 2
                nb = (j + 1) % 2
                pend_g[b].wait()
                if j + 1 < n_j:
                    if pend_s[nb] is not None:
                        pend_s[nb].wait()
                    pend_g[nb] = pltpu.async_copy(
                        x_hbm.at[idx_src.at[j + 1]], bufs[nb], sems[nb])
                pend_s[b] = pltpu.async_copy(
                    bufs[b], acc.at[idx_dst.at[j]], ssems[b], add=True)
                for k in range(128 // LANES):
                    idx16 = idx_dst[j, pl.ds(k * LANES, LANES)]
                    plsc.addupdate_scatter(cnt_v, [idx16], ones16)
            for p in pend_s:
                if p is not None:
                    p.wait()
            return carry

        lax.fori_loop(0, n_super, edge_pass, 0)
        plsc.subcore_barrier()

        for t in range(n_io):
            rt = r0 + t * CHUNK
            pltpu.async_copy(acc.at[zidx_v.at[t]], rows, sem).wait()
            pltpu.sync_copy(rows, psum_hbm.at[pl.ds(rt, CHUNK)])
        pltpu.sync_copy(cnt_v, pcnt_hbm.at[s])

    return seg_kernel(x_pad, src2, dst2, zidx, zc, zcnt)


def _tc_bundle(x_ref, psum_ref, pcnt_ref, w1_ref, w2_ref, b_ref, out_ref):
    cnt = lax.dot_general(
        pcnt_ref[...], jnp.ones((NS, 1), jnp.float32),
        (((0,), (0,)), ((), ())), preferred_element_type=jnp.float32)
    c = psum_ref[...] * (1.0 / jnp.maximum(cnt, 1.0))
    z = (
        jnp.dot(x_ref[...], w1_ref[...], preferred_element_type=jnp.float32)
        + jnp.dot(c, w2_ref[...], preferred_element_type=jnp.float32)
        + b_ref[...]
    )
    norm = jnp.sqrt(jnp.sum(z * z, axis=1, keepdims=True))
    out_ref[...] = jnp.maximum(z / jnp.maximum(norm, 1e-12), 0.0)


def kernel(x, edge_index, W, b):
    n, d = x.shape
    e = edge_index.shape[1]
    out_d = W.shape[1]

    block = 512
    n_pad = ((n + block - 1) // block) * block
    tile_e = ((e // (NC * NS) + SUPER - 1) // SUPER) * SUPER
    e_pad = tile_e * NC * NS

    x_pad = jnp.pad(x, ((0, n_pad - n), (0, 0)))
    pad_e = e_pad - e
    src = jnp.concatenate([edge_index[0], jnp.zeros((pad_e,), jnp.int32)])
    src2 = src.reshape(e_pad // 128, 128)
    sink = n + (jnp.arange(pad_e, dtype=jnp.int32) % (n_pad - n))
    dst = jnp.concatenate([edge_index[1], sink])
    dst2 = dst.reshape(e_pad // 128, 128)

    zidx = jnp.arange(n_pad, dtype=jnp.int32).reshape(NS, n_pad // (NS * 128), 128)
    zc = jnp.zeros((CHUNK, d), jnp.float32)
    zcnt = jnp.zeros((n_pad,), jnp.float32)

    psum, pcnt = _sc_segment_sum(n_pad, e_pad, d, x_pad, src2, dst2, zidx, zc, zcnt)

    grid = n_pad // block
    out = pl.pallas_call(
        _tc_bundle,
        grid=(grid,),
        in_specs=[
            pl.BlockSpec((block, d), lambda i: (i, 0)),
            pl.BlockSpec((block, d), lambda i: (i, 0)),
            pl.BlockSpec((NS, block), lambda i: (0, i)),
            pl.BlockSpec((d, out_d), lambda i: (0, 0)),
            pl.BlockSpec((d, out_d), lambda i: (0, 0)),
            pl.BlockSpec((1, out_d), lambda i: (0, 0)),
        ],
        out_specs=pl.BlockSpec((block, out_d), lambda i: (i, 0)),
        out_shape=jax.ShapeDtypeStruct((n_pad, out_d), jnp.float32),
    )(x_pad, psum, pcnt, W[:d], W[d:], b.reshape(1, out_d))
    return out[:n]

# --- scband reference (transcript-rebuilt; emitter-appended) ---
"""Pipeline reference for scband-graph-sage-layer-6957847019592 (READ-ONLY COPY).

The authoritative reference and input builder live on the scoring server;
editing this copy changes nothing except your own understanding.
"""

import jax, jax.numpy as jnp
import numpy as np

N = 10000
E = 320000
D = 128
OUT = 128


def _xavier_uniform(key, fan_in, fan_out, gain):
    limit = gain * np.sqrt(6.0 / (fan_in + fan_out))
    return jax.random.uniform(key, (fan_in, fan_out), dtype=jnp.float32, minval=-limit, maxval=limit)


def setup_inputs(seed: int = 0) -> dict:
    key = jax.random.key(seed)
    k1, k2, k3 = jax.random.split(key, 3)
    x = jax.random.normal(k1, (N, D), dtype=jnp.float32)
    edge_index = jax.random.randint(k2, (2, E), 0, N, dtype=jnp.int32)
    gain = np.sqrt(2.0)  # calculate_gain('relu')
    W = _xavier_uniform(k3, 2 * D, OUT, gain)  # stored transposed vs torch (in, out)
    b = jnp.zeros((OUT,), dtype=jnp.float32)
    return {"x": x, "edge_index": edge_index, "W": W, "b": b}


def reference(x, edge_index, W, b):
    # GraphSageLayer with mean aggregator, eval-mode dropout (identity).
    src = edge_index[0]
    dst = edge_index[1]
    # message passing: copy_u -> mailbox 'm'; mean aggregation over incoming edges
    msgs = jnp.take(x, src, axis=0)                      # gather: [E, D]
    summed = jax.ops.segment_sum(msgs, dst, num_segments=N)
    cnt = jax.ops.segment_sum(jnp.ones((E,), dtype=jnp.float32), dst, num_segments=N)
    c = summed / jnp.maximum(cnt, 1.0)[:, None]          # mean neighbour; 0 for isolated nodes
    # Bundler: linear(concat(h, c)) -> l2 normalize -> relu
    bundle = jnp.concatenate([x, c], axis=1) @ W + b
    norm = jnp.linalg.norm(bundle, axis=1, keepdims=True)
    bundle = bundle / jnp.maximum(norm, 1e-12)           # F.normalize(p=2, dim=1)
    h = jax.nn.relu(bundle)
    return h

if __name__ == "__main__":
    import jax
    _d = setup_inputs()
    print(jax.jit(kernel)(*tuple(_d.values())))

</pallas_src>

<mosaic_0001>
#map = affine_map<(d0, d1) -> (0, 0)>
#map1 = affine_map<(d0, d1) -> (0, 0, 0)>
#map2 = affine_map<(d0, d1) -> (0)>
module attributes {stable_mosaic.version = 14 : i64} {
  func.func @seg_kernel(%arg0: i32, %arg1: i32, %arg2: memref<10240x128xf32, #tpu.memory_space<hbm>>, %arg3: memref<2560x128xi32, #tpu.memory_space<hbm>>, %arg4: memref<2560x128xi32, #tpu.memory_space<hbm>>, %arg5: memref<16x5x128xi32, #tpu.memory_space<hbm>>, %arg6: memref<128x128xf32, #tpu.memory_space<hbm>>, %arg7: memref<10240xf32, #tpu.memory_space<hbm>>, %arg8: memref<10240x128xf32, #tpu.memory_space<hbm>>, %arg9: memref<16x10240xf32, #tpu.memory_space<hbm>>, %arg10: memref<16x128xi32, #tpu.memory_space<vmem>>, %arg11: memref<16x128xi32, #tpu.memory_space<vmem>>, %arg12: memref<128x128xf32, #tpu.memory_space<vmem>>, %arg13: memref<128x128xf32, #tpu.memory_space<vmem>>, %arg14: memref<10240xf32, #tpu.memory_space<vmem>>, %arg15: memref<5x128xi32, #tpu.memory_space<vmem>>, %arg16: memref<10240x128xf32, #tpu.memory_space<vmem_shared>>, %arg17: memref<!tpu.dma_semaphore, #tpu.memory_space<semaphore_mem>>, %arg18: memref<!tpu.dma_semaphore, #tpu.memory_space<semaphore_mem>>, %arg19: memref<!tpu.dma_semaphore, #tpu.memory_space<semaphore_mem>>, %arg20: memref<!tpu.dma_semaphore, #tpu.memory_space<semaphore_mem>>) attributes {dimension_semantics = [#tpu.dimension_semantics<core_parallel>, #tpu.dimension_semantics<subcore_parallel>], iteration_bounds = array<i64: 1, 16>, scalar_prefetch = 0 : i64, scratch_operands = 11 : i64, tpu.core_type = #tpu.core_type<sc_vector_subcore>, window_params = [{transform_indices = #map}, {transform_indices = #map}, {transform_indices = #map}, {transform_indices = #map1}, {transform_indices = #map}, {transform_indices = #map2}, {transform_indices = #map}, {transform_indices = #map}]} {
    %mul3A = arith.constant 16 : i32
    %mul3A_0 = arith.muli %arg0, %mul3A : i32
    %add3A = arith.addi %mul3A_0, %arg1 : i32
    %mul3A_1 = arith.constant 640 : i32
    %mul3A_2 = arith.muli %arg1, %mul3A_1 : i32
    %multiple_of3A = tpu.assume_multiple %mul3A_2, 8 : i32
    "tpu.region"() ({
      %run_scoped3A_95 = tpu.sem_alloc : memref<!tpu.dma_semaphore, #tpu.memory_space<semaphore_mem>>
      tpu.enqueue_dma source(%arg6 : memref<128x128xf32, #tpu.memory_space<hbm>>) target(%arg12 : memref<128x128xf32, #tpu.memory_space<vmem>>) target_semaphore(%run_scoped3A_95 : memref<!tpu.dma_semaphore, #tpu.memory_space<semaphore_mem>>)
      tpu.wait_dma2 semaphore(%run_scoped3A_95 : memref<!tpu.dma_semaphore, #tpu.memory_space<semaphore_mem>>) src(%arg6 : memref<128x128xf32, #tpu.memory_space<hbm>>) dst(%arg12 : memref<128x128xf32, #tpu.memory_space<vmem>>)
      tpu.yield
    }) : () -> ()
    "tpu.region"() ({
      %run_scoped3A_95 = tpu.sem_alloc : memref<!tpu.dma_semaphore, #tpu.memory_space<semaphore_mem>>
      tpu.enqueue_dma source(%arg7 : memref<10240xf32, #tpu.memory_space<hbm>>) target(%arg14 : memref<10240xf32, #tpu.memory_space<vmem>>) target_semaphore(%run_scoped3A_95 : memref<!tpu.dma_semaphore, #tpu.memory_space<semaphore_mem>>)
      tpu.wait_dma2 semaphore(%run_scoped3A_95 : memref<!tpu.dma_semaphore, #tpu.memory_space<semaphore_mem>>) src(%arg7 : memref<10240xf32, #tpu.memory_space<hbm>>) dst(%arg14 : memref<10240xf32, #tpu.memory_space<vmem>>)
      tpu.yield
    }) : () -> ()
    "tpu.region"() ({
      %run_scoped3A_95 = tpu.sem_alloc : memref<!tpu.dma_semaphore, #tpu.memory_space<semaphore_mem>>
      %dma_start3A_96 = arith.constant 0 : i32
      %dma_start3A_97 = arith.constant 0 : i32
      %dma_start3A_98 = tpu.memref_slice %arg5[%arg1, %dma_start3A_96, %dma_start3A_97] : memref<16x5x128xi32, #tpu.memory_space<hbm>> -> memref<1x5x128xi32, #tpu.memory_space<hbm>>
      %dma_start3A_99 = tpu.memref_squeeze %dma_start3A_98 : memref<1x5x128xi32, #tpu.memory_space<hbm>> -> memref<5x128xi32, #tpu.memory_space<hbm>>
      %dma_start3A_100 = arith.constant 0 : i32
      %dma_start3A_101 = arith.constant 0 : i32
      %dma_start3A_102 = tpu.memref_slice %arg5[%arg1, %dma_start3A_100, %dma_start3A_101] : memref<16x5x128xi32, #tpu.memory_space<hbm>> -> memref<1x5x128xi32, #tpu.memory_space<hbm>>
      %dma_start3A_103 = tpu.memref_squeeze %dma_start3A_102 : memref<1x5x128xi32, #tpu.memory_space<hbm>> -> memref<5x128xi32, #tpu.memory_space<hbm>>
      tpu.enqueue_dma source(%dma_start3A_103 : memref<5x128xi32, #tpu.memory_space<hbm>>) target(%arg15 : memref<5x128xi32, #tpu.memory_space<vmem>>) target_semaphore(%run_scoped3A_95 : memref<!tpu.dma_semaphore, #tpu.memory_space<semaphore_mem>>)
      %dma_wait3A_104 = arith.constant 0 : i32
      %dma_wait3A_105 = arith.constant 0 : i32
      %dma_wait3A_106 = tpu.memref_slice %arg5[%arg1, %dma_wait3A_104, %dma_wait3A_105] : memref<16x5x128xi32, #tpu.memory_space<hbm>> -> memref<1x5x128xi32, #tpu.memory_space<hbm>>
      %dma_wait3A_107 = tpu.memref_squeeze %dma_wait3A_106 : memref<1x5x128xi32, #tpu.memory_space<hbm>> -> memref<5x128xi32, #tpu.memory_space<hbm>>
      %dma_wait3A_108 = arith.constant 0 : i32
      %dma_wait3A_109 = arith.constant 0 : i32
      %dma_wait3A_110 = tpu.memref_slice %arg5[%arg1, %dma_wait3A_108, %dma_wait3A_109] : memref<16x5x128xi32, #tpu.memory_space<hbm>> -> memref<1x5x128xi32, #tpu.memory_space<hbm>>
      %dma_wait3A_111 = tpu.memref_squeeze %dma_wait3A_110 : memref<1x5x128xi32, #tpu.memory_space<hbm>> -> memref<5x128xi32, #tpu.memory_space<hbm>>
      tpu.wait_dma2 semaphore(%run_scoped3A_95 : memref<!tpu.dma_semaphore, #tpu.memory_space<semaphore_mem>>) src(%dma_wait3A_111 : memref<5x128xi32, #tpu.memory_space<hbm>>) dst(%arg15 : memref<5x128xi32, #tpu.memory_space<vmem>>)
      tpu.yield
    }) : () -> ()
    %run_scoped3A = arith.constant 0 : i32
    "tpu.region"() ({
      %run_scoped3A_95 = tpu.sem_alloc : memref<!tpu.dma_semaphore, #tpu.memory_space<semaphore_mem>>
      %dma_start3A_96 = arith.constant 0 : i32
      %dma_start3A_97 = tpu.memref_slice %arg15[%run_scoped3A, %dma_start3A_96] : memref<5x128xi32, #tpu.memory_space<vmem>> -> memref<1x128xi32, #tpu.memory_space<vmem>>
      %dma_start3A_98 = tpu.memref_squeeze %dma_start3A_97 : memref<1x128xi32, #tpu.memory_space<vmem>> -> memref<128xi32, #tpu.memory_space<vmem>>
      %dma_start3A_99 = arith.constant 0 : i32
      %dma_start3A_100 = arith.constant 0 : i32
      %dma_start3A_101 = tpu.memref_slice %arg16[%dma_start3A_99, %dma_start3A_100] : memref<10240x128xf32, #tpu.memory_space<vmem_shared>> -> memref<10240x128xf32, #tpu.memory_space<vmem_shared>>
      tpu.enqueue_indirect_dma source(%arg12 : memref<128x128xf32, #tpu.memory_space<vmem>>) target(%dma_start3A_101 : memref<10240x128xf32, #tpu.memory_space<vmem_shared>>) offsets(%dma_start3A_98 : memref<128xi32, #tpu.memory_space<vmem>>) semaphore(%run_scoped3A_95 : memref<!tpu.dma_semaphore, #tpu.memory_space<semaphore_mem>>)
      %dma_wait3A_102 = arith.constant 0 : i32
      %dma_wait3A_103 = tpu.memref_slice %arg15[%run_scoped3A, %dma_wait3A_102] : memref<5x128xi32, #tpu.memory_space<vmem>> -> memref<1x128xi32, #tpu.memory_space<vmem>>
      %dma_wait3A_104 = tpu.memref_squeeze %dma_wait3A_103 : memref<1x128xi32, #tpu.memory_space<vmem>> -> memref<128xi32, #tpu.memory_space<vmem>>
      %dma_wait3A_105 = arith.constant 0 : i32
      %dma_wait3A_106 = arith.constant 0 : i32
      %dma_wait3A_107 = tpu.memref_slice %arg16[%dma_wait3A_105, %dma_wait3A_106] : memref<10240x128xf32, #tpu.memory_space<vmem_shared>> -> memref<10240x128xf32, #tpu.memory_space<vmem_shared>>
      tpu.wait_indirect_dma semaphore(%run_scoped3A_95 : memref<!tpu.dma_semaphore, #tpu.memory_space<semaphore_mem>>) src(%arg12 : memref<128x128xf32, #tpu.memory_space<vmem>>) dst(%dma_wait3A_107 : memref<10240x128xf32, #tpu.memory_space<vmem_shared>>)
      tpu.yield
    }) : () -> ()
    %run_scoped3A_3 = arith.constant 1 : i32
    "tpu.region"() ({
      %run_scoped3A_95 = tpu.sem_alloc : memref<!tpu.dma_semaphore, #tpu.memory_space<semaphore_mem>>
      %dma_start3A_96 = arith.constant 0 : i32
      %dma_start3A_97 = tpu.memref_slice %arg15[%run_scoped3A_3, %dma_start3A_96] : memref<5x128xi32, #tpu.memory_space<vmem>> -> memref<1x128xi32, #tpu.memory_space<vmem>>
      %dma_start3A_98 = tpu.memref_squeeze %dma_start3A_97 : memref<1x128xi32, #tpu.memory_space<vmem>> -> memref<128xi32, #tpu.memory_space<vmem>>
      %dma_start3A_99 = arith.constant 0 : i32
      %dma_start3A_100 = arith.constant 0 : i32
      %dma_start3A_101 = tpu.memref_slice %arg16[%dma_start3A_99, %dma_start3A_100] : memref<10240x128xf32, #tpu.memory_space<vmem_shared>> -> memref<10240x128xf32, #tpu.memory_space<vmem_shared>>
      tpu.enqueue_indirect_dma source(%arg12 : memref<128x128xf32, #tpu.memory_space<vmem>>) target(%dma_start3A_101 : memref<10240x128xf32, #tpu.memory_space<vmem_shared>>) offsets(%dma_start3A_98 : memref<128xi32, #tpu.memory_space<vmem>>) semaphore(%run_scoped3A_95 : memref<!tpu.dma_semaphore, #tpu.memory_space<semaphore_mem>>)
      %dma_wait3A_102 = arith.constant 0 : i32
      %dma_wait3A_103 = tpu.memref_slice %arg15[%run_scoped3A_3, %dma_wait3A_102] : memref<5x128xi32, #tpu.memory_space<vmem>> -> memref<1x128xi32, #tpu.memory_space<vmem>>
      %dma_wait3A_104 = tpu.memref_squeeze %dma_wait3A_103 : memref<1x128xi32, #tpu.memory_space<vmem>> -> memref<128xi32, #tpu.memory_space<vmem>>
      %dma_wait3A_105 = arith.constant 0 : i32
      %dma_wait3A_106 = arith.constant 0 : i32
      %dma_wait3A_107 = tpu.memref_slice %arg16[%dma_wait3A_105, %dma_wait3A_106] : memref<10240x128xf32, #tpu.memory_space<vmem_shared>> -> memref<10240x128xf32, #tpu.memory_space<vmem_shared>>
      tpu.wait_indirect_dma semaphore(%run_scoped3A_95 : memref<!tpu.dma_semaphore, #tpu.memory_space<semaphore_mem>>) src(%arg12 : memref<128x128xf32, #tpu.memory_space<vmem>>) dst(%dma_wait3A_107 : memref<10240x128xf32, #tpu.memory_space<vmem_shared>>)
      tpu.yield
    }) : () -> ()
    %run_scoped3A_4 = arith.constant 2 : i32
    "tpu.region"() ({
      %run_scoped3A_95 = tpu.sem_alloc : memref<!tpu.dma_semaphore, #tpu.memory_space<semaphore_mem>>
      %dma_start3A_96 = arith.constant 0 : i32
      %dma_start3A_97 = tpu.memref_slice %arg15[%run_scoped3A_4, %dma_start3A_96] : memref<5x128xi32, #tpu.memory_space<vmem>> -> memref<1x128xi32, #tpu.memory_space<vmem>>
      %dma_start3A_98 = tpu.memref_squeeze %dma_start3A_97 : memref<1x128xi32, #tpu.memory_space<vmem>> -> memref<128xi32, #tpu.memory_space<vmem>>
      %dma_start3A_99 = arith.constant 0 : i32
      %dma_start3A_100 = arith.constant 0 : i32
      %dma_start3A_101 = tpu.memref_slice %arg16[%dma_start3A_99, %dma_start3A_100] : memref<10240x128xf32, #tpu.memory_space<vmem_shared>> -> memref<10240x128xf32, #tpu.memory_space<vmem_shared>>
      tpu.enqueue_indirect_dma source(%arg12 : memref<128x128xf32, #tpu.memory_space<vmem>>) target(%dma_start3A_101 : memref<10240x128xf32, #tpu.memory_space<vmem_shared>>) offsets(%dma_start3A_98 : memref<128xi32, #tpu.memory_space<vmem>>) semaphore(%run_scoped3A_95 : memref<!tpu.dma_semaphore, #tpu.memory_space<semaphore_mem>>)
      %dma_wait3A_102 = arith.constant 0 : i32
      %dma_wait3A_103 = tpu.memref_slice %arg15[%run_scoped3A_4, %dma_wait3A_102] : memref<5x128xi32, #tpu.memory_space<vmem>> -> memref<1x128xi32, #tpu.memory_space<vmem>>
      %dma_wait3A_104 = tpu.memref_squeeze %dma_wait3A_103 : memref<1x128xi32, #tpu.memory_space<vmem>> -> memref<128xi32, #tpu.memory_space<vmem>>
      %dma_wait3A_105 = arith.constant 0 : i32
      %dma_wait3A_106 = arith.constant 0 : i32
      %dma_wait3A_107 = tpu.memref_slice %arg16[%dma_wait3A_105, %dma_wait3A_106] : memref<10240x128xf32, #tpu.memory_space<vmem_shared>> -> memref<10240x128xf32, #tpu.memory_space<vmem_shared>>
      tpu.wait_indirect_dma semaphore(%run_scoped3A_95 : memref<!tpu.dma_semaphore, #tpu.memory_space<semaphore_mem>>) src(%arg12 : memref<128x128xf32, #tpu.memory_space<vmem>>) dst(%dma_wait3A_107 : memref<10240x128xf32, #tpu.memory_space<vmem_shared>>)
      tpu.yield
    }) : () -> ()
    %run_scoped3A_5 = arith.constant 3 : i32
    "tpu.region"() ({
      %run_scoped3A_95 = tpu.sem_alloc : memref<!tpu.dma_semaphore, #tpu.memory_space<semaphore_mem>>
      %dma_start3A_96 = arith.constant 0 : i32
      %dma_start3A_97 = tpu.memref_slice %arg15[%run_scoped3A_5, %dma_start3A_96] : memref<5x128xi32, #tpu.memory_space<vmem>> -> memref<1x128xi32, #tpu.memory_space<vmem>>
      %dma_start3A_98 = tpu.memref_squeeze %dma_start3A_97 : memref<1x128xi32, #tpu.memory_space<vmem>> -> memref<128xi32, #tpu.memory_space<vmem>>
      %dma_start3A_99 = arith.constant 0 : i32
      %dma_start3A_100 = arith.constant 0 : i32
      %dma_start3A_101 = tpu.memref_slice %arg16[%dma_start3A_99, %dma_start3A_100] : memref<10240x128xf32, #tpu.memory_space<vmem_shared>> -> memref<10240x128xf32, #tpu.memory_space<vmem_shared>>
      tpu.enqueue_indirect_dma source(%arg12 : memref<128x128xf32, #tpu.memory_space<vmem>>) target(%dma_start3A_101 : memref<10240x128xf32, #tpu.memory_space<vmem_shared>>) offsets(%dma_start3A_98 : memref<128xi32, #tpu.memory_space<vmem>>) semaphore(%run_scoped3A_95 : memref<!tpu.dma_semaphore, #tpu.memory_space<semaphore_mem>>)
      %dma_wait3A_102 = arith.constant 0 : i32
      %dma_wait3A_103 = tpu.memref_slice %arg15[%run_scoped3A_5, %dma_wait3A_102] : memref<5x128xi32, #tpu.memory_space<vmem>> -> memref<1x128xi32, #tpu.memory_space<vmem>>
      %dma_wait3A_104 = tpu.memref_squeeze %dma_wait3A_103 : memref<1x128xi32, #tpu.memory_space<vmem>> -> memref<128xi32, #tpu.memory_space<vmem>>
      %dma_wait3A_105 = arith.constant 0 : i32
      %dma_wait3A_106 = arith.constant 0 : i32
      %dma_wait3A_107 = tpu.memref_slice %arg16[%dma_wait3A_105, %dma_wait3A_106] : memref<10240x128xf32, #tpu.memory_space<vmem_shared>> -> memref<10240x128xf32, #tpu.memory_space<vmem_shared>>
      tpu.wait_indirect_dma semaphore(%run_scoped3A_95 : memref<!tpu.dma_semaphore, #tpu.memory_space<semaphore_mem>>) src(%arg12 : memref<128x128xf32, #tpu.memory_space<vmem>>) dst(%dma_wait3A_107 : memref<10240x128xf32, #tpu.memory_space<vmem_shared>>)
      tpu.yield
    }) : () -> ()
    %run_scoped3A_6 = arith.constant 4 : i32
    "tpu.region"() ({
      %run_scoped3A_95 = tpu.sem_alloc : memref<!tpu.dma_semaphore, #tpu.memory_space<semaphore_mem>>
      %dma_start3A_96 = arith.constant 0 : i32
      %dma_start3A_97 = tpu.memref_slice %arg15[%run_scoped3A_6, %dma_start3A_96] : memref<5x128xi32, #tpu.memory_space<vmem>> -> memref<1x128xi32, #tpu.memory_space<vmem>>
      %dma_start3A_98 = tpu.memref_squeeze %dma_start3A_97 : memref<1x128xi32, #tpu.memory_space<vmem>> -> memref<128xi32, #tpu.memory_space<vmem>>
      %dma_start3A_99 = arith.constant 0 : i32
      %dma_start3A_100 = arith.constant 0 : i32
      %dma_start3A_101 = tpu.memref_slice %arg16[%dma_start3A_99, %dma_start3A_100] : memref<10240x128xf32, #tpu.memory_space<vmem_shared>> -> memref<10240x128xf32, #tpu.memory_space<vmem_shared>>
      tpu.enqueue_indirect_dma source(%arg12 : memref<128x128xf32, #tpu.memory_space<vmem>>) target(%dma_start3A_101 : memref<10240x128xf32, #tpu.memory_space<vmem_shared>>) offsets(%dma_start3A_98 : memref<128xi32, #tpu.memory_space<vmem>>) semaphore(%run_scoped3A_95 : memref<!tpu.dma_semaphore, #tpu.memory_space<semaphore_mem>>)
      %dma_wait3A_102 = arith.constant 0 : i32
      %dma_wait3A_103 = tpu.memref_slice %arg15[%run_scoped3A_6, %dma_wait3A_102] : memref<5x128xi32, #tpu.memory_space<vmem>> -> memref<1x128xi32, #tpu.memory_space<vmem>>
      %dma_wait3A_104 = tpu.memref_squeeze %dma_wait3A_103 : memref<1x128xi32, #tpu.memory_space<vmem>> -> memref<128xi32, #tpu.memory_space<vmem>>
      %dma_wait3A_105 = arith.constant 0 : i32
      %dma_wait3A_106 = arith.constant 0 : i32
      %dma_wait3A_107 = tpu.memref_slice %arg16[%dma_wait3A_105, %dma_wait3A_106] : memref<10240x128xf32, #tpu.memory_space<vmem_shared>> -> memref<10240x128xf32, #tpu.memory_space<vmem_shared>>
      tpu.wait_indirect_dma semaphore(%run_scoped3A_95 : memref<!tpu.dma_semaphore, #tpu.memory_space<semaphore_mem>>) src(%arg12 : memref<128x128xf32, #tpu.memory_space<vmem>>) dst(%dma_wait3A_107 : memref<10240x128xf32, #tpu.memory_space<vmem_shared>>)
      tpu.yield
    }) : () -> ()
    %mul3A_7 = arith.constant 160 : i32
    %mul3A_8 = arith.muli %add3A, %mul3A_7 : i32
    %multiple_of3A_9 = tpu.assume_multiple %mul3A_8, 8 : i32
    %barrier3A = arith.constant 0 : index
    tpu.barrier barrier_id(%barrier3A)
    %broadcast_in_dim3A = arith.constant 1.000000e+00 : f32
    %broadcast_in_dim3A_10 = vector.broadcast %broadcast_in_dim3A : f32 to vector<16xf32>
    %scan3A = arith.constant 0 : i32
    %scan3A_11 = arith.constant 0 : i32
    %scan3A_12 = arith.constant 10 : i32
    %scan3A_13 = arith.addi %scan3A_11, %scan3A_12 : i32
    %scan3A_14 = arith.constant 1 : i32
    scf.for %scan3A_95 = %scan3A_11 to %scan3A_13 step %scan3A_14  : i32 {
      %mul3A_96 = arith.constant 16 : i32
      %mul3A_97 = arith.muli %scan3A_95, %mul3A_96 : i32
      %add3A_98 = arith.addi %multiple_of3A_9, %mul3A_97 : i32
      "tpu.region"() ({
        %run_scoped3A_1058 = tpu.sem_alloc : memref<!tpu.dma_semaphore, #tpu.memory_space<semaphore_mem>>
        %dma_start3A_1059 = arith.constant 0 : i32
        %dma_start3A_1060 = tpu.memref_slice %arg3[%add3A_98, %dma_start3A_1059] : memref<2560x128xi32, #tpu.memory_space<hbm>> -> memref<16x128xi32, #tpu.memory_space<hbm>>
        %dma_start3A_1061 = arith.constant 0 : i32
        %dma_start3A_1062 = tpu.memref_slice %arg3[%add3A_98, %dma_start3A_1061] : memref<2560x128xi32, #tpu.memory_space<hbm>> -> memref<16x128xi32, #tpu.memory_space<hbm>>
        tpu.enqueue_dma source(%dma_start3A_1062 : memref<16x128xi32, #tpu.memory_space<hbm>>) target(%arg10 : memref<16x128xi32, #tpu.memory_space<vmem>>) target_semaphore(%run_scoped3A_1058 : memref<!tpu.dma_semaphore, #tpu.memory_space<semaphore_mem>>)
        %dma_wait3A_1063 = arith.constant 0 : i32
        %dma_wait3A_1064 = tpu.memref_slice %arg3[%add3A_98, %dma_wait3A_1063] : memref<2560x128xi32, #tpu.memory_space<hbm>> -> memref<16x128xi32, #tpu.memory_space<hbm>>
        %dma_wait3A_1065 = arith.constant 0 : i32
        %dma_wait3A_1066 = tpu.memref_slice %arg3[%add3A_98, %dma_wait3A_1065] : memref<2560x128xi32, #tpu.memory_space<hbm>> -> memref<16x128xi32, #tpu.memory_space<hbm>>
        tpu.wait_dma2 semaphore(%run_scoped3A_1058 : memref<!tpu.dma_semaphore, #tpu.memory_space<semaphore_mem>>) src(%dma_wait3A_1066 : memref<16x128xi32, #tpu.memory_space<hbm>>) dst(%arg10 : memref<16x128xi32, #tpu.memory_space<vmem>>)
        tpu.yield
      }) : () -> ()
      "tpu.region"() ({
        %run_scoped3A_1058 = tpu.sem_alloc : memref<!tpu.dma_semaphore, #tpu.memory_space<semaphore_mem>>
        %dma_start3A_1059 = arith.constant 0 : i32
        %dma_start3A_1060 = tpu.memref_slice %arg4[%add3A_98, %dma_start3A_1059] : memref<2560x128xi32, #tpu.memory_space<hbm>> -> memref<16x128xi32, #tpu.memory_space<hbm>>
        %dma_start3A_1061 = arith.constant 0 : i32
        %dma_start3A_1062 = tpu.memref_slice %arg4[%add3A_98, %dma_start3A_1061] : memref<2560x128xi32, #tpu.memory_space<hbm>> -> memref<16x128xi32, #tpu.memory_space<hbm>>
        tpu.enqueue_dma source(%dma_start3A_1062 : memref<16x128xi32, #tpu.memory_space<hbm>>) target(%arg11 : memref<16x128xi32, #tpu.memory_space<vmem>>) target_semaphore(%run_scoped3A_1058 : memref<!tpu.dma_semaphore, #tpu.memory_space<semaphore_mem>>)
        %dma_wait3A_1063 = arith.constant 0 : i32
        %dma_wait3A_1064 = tpu.memref_slice %arg4[%add3A_98, %dma_wait3A_1063] : memref<2560x128xi32, #tpu.memory_space<hbm>> -> memref<16x128xi32, #tpu.memory_space<hbm>>
        %dma_wait3A_1065 = arith.constant 0 : i32
        %dma_wait3A_1066 = tpu.memref_slice %arg4[%add3A_98, %dma_wait3A_1065] : memref<2560x128xi32, #tpu.memory_space<hbm>> -> memref<16x128xi32, #tpu.memory_space<hbm>>
        tpu.wait_dma2 semaphore(%run_scoped3A_1058 : memref<!tpu.dma_semaphore, #tpu.memory_space<semaphore_mem>>) src(%dma_wait3A_1066 : memref<16x128xi32, #tpu.memory_space<hbm>>) dst(%arg11 : memref<16x128xi32, #tpu.memory_space<vmem>>)
        tpu.yield
      }) : () -> ()
      %dma_start3A_99 = arith.constant 0 : i32
      %dma_start3A_100 = arith.constant 0 : i32
      %dma_start3A_101 = tpu.memref_slice %arg10[%dma_start3A_99, %dma_start3A_100] : memref<16x128xi32, #tpu.memory_space<vmem>> -> memref<1x128xi32, #tpu.memory_space<vmem>>
      %dma_start3A_102 = tpu.memref_squeeze %dma_start3A_101 : memref<1x128xi32, #tpu.memory_space<vmem>> -> memref<128xi32, #tpu.memory_space<vmem>>
      %dma_start3A_103 = arith.constant 0 : i32
      %dma_start3A_104 = arith.constant 0 : i32
      %dma_start3A_105 = tpu.memref_slice %arg2[%dma_start3A_103, %dma_start3A_104] : memref<10240x128xf32, #tpu.memory_space<hbm>> -> memref<10240x128xf32, #tpu.memory_space<hbm>>
      tpu.enqueue_indirect_dma source(%dma_start3A_105 : memref<10240x128xf32, #tpu.memory_space<hbm>>) target(%arg12 : memref<128x128xf32, #tpu.memory_space<vmem>>) offsets(%dma_start3A_102 : memref<128xi32, #tpu.memory_space<vmem>>) semaphore(%arg17 : memref<!tpu.dma_semaphore, #tpu.memory_space<semaphore_mem>>)
      %dma_wait3A_106 = arith.constant 0 : i32
      %dma_wait3A_107 = arith.constant 0 : i32
      %dma_wait3A_108 = tpu.memref_slice %arg10[%dma_wait3A_106, %dma_wait3A_107] : memref<16x128xi32, #tpu.memory_space<vmem>> -> memref<1x128xi32, #tpu.memory_space<vmem>>
      %dma_wait3A_109 = tpu.memref_squeeze %dma_wait3A_108 : memref<1x128xi32, #tpu.memory_space<vmem>> -> memref<128xi32, #tpu.memory_space<vmem>>
      %dma_wait3A_110 = arith.constant 0 : i32
      %dma_wait3A_111 = arith.constant 0 : i32
      %dma_wait3A_112 = tpu.memref_slice %arg2[%dma_wait3A_110, %dma_wait3A_111] : memref<10240x128xf32, #tpu.memory_space<hbm>> -> memref<10240x128xf32, #tpu.memory_space<hbm>>
      tpu.wait_indirect_dma semaphore(%arg17 : memref<!tpu.dma_semaphore, #tpu.memory_space<semaphore_mem>>) src(%dma_wait3A_112 : memref<10240x128xf32, #tpu.memory_space<hbm>>) dst(%arg12 : memref<128x128xf32, #tpu.memory_space<vmem>>)
      %dma_start3A_113 = arith.constant 1 : i32
      %dma_start3A_114 = arith.constant 0 : i32
      %dma_start3A_115 = tpu.memref_slice %arg10[%dma_start3A_113, %dma_start3A_114] : memref<16x128xi32, #tpu.memory_space<vmem>> -> memref<1x128xi32, #tpu.memory_space<vmem>>
      %dma_start3A_116 = tpu.memref_squeeze %dma_start3A_115 : memref<1x128xi32, #tpu.memory_space<vmem>> -> memref<128xi32, #tpu.memory_space<vmem>>
      %dma_start3A_117 = arith.constant 0 : i32
      %dma_start3A_118 = arith.constant 0 : i32
      %dma_start3A_119 = tpu.memref_slice %arg2[%dma_start3A_117, %dma_start3A_118] : memref<10240x128xf32, #tpu.memory_space<hbm>> -> memref<10240x128xf32, #tpu.memory_space<hbm>>
      tpu.enqueue_indirect_dma source(%dma_start3A_119 : memref<10240x128xf32, #tpu.memory_space<hbm>>) target(%arg13 : memref<128x128xf32, #tpu.memory_space<vmem>>) offsets(%dma_start3A_116 : memref<128xi32, #tpu.memory_space<vmem>>) semaphore(%arg18 : memref<!tpu.dma_semaphore, #tpu.memory_space<semaphore_mem>>)
      %dma_start3A_120 = arith.constant 0 : i32
      %dma_start3A_121 = arith.constant 0 : i32
      %dma_start3A_122 = tpu.memref_slice %arg11[%dma_start3A_120, %dma_start3A_121] : memref<16x128xi32, #tpu.memory_space<vmem>> -> memref<1x128xi32, #tpu.memory_space<vmem>>
      %dma_start3A_123 = tpu.memref_squeeze %dma_start3A_122 : memref<1x128xi32, #tpu.memory_space<vmem>> -> memref<128xi32, #tpu.memory_space<vmem>>
      %dma_start3A_124 = arith.constant 0 : i32
      %dma_start3A_125 = arith.constant 0 : i32
      %dma_start3A_126 = tpu.memref_slice %arg16[%dma_start3A_124, %dma_start3A_125] : memref<10240x128xf32, #tpu.memory_space<vmem_shared>> -> memref<10240x128xf32, #tpu.memory_space<vmem_shared>>
      tpu.enqueue_indirect_dma source(%arg12 : memref<128x128xf32, #tpu.memory_space<vmem>>) target(%dma_start3A_126 : memref<10240x128xf32, #tpu.memory_space<vmem_shared>>) offsets(%dma_start3A_123 : memref<128xi32, #tpu.memory_space<vmem>>) semaphore(%arg19 : memref<!tpu.dma_semaphore, #tpu.memory_space<semaphore_mem>>) {add = true}
      %get3A = arith.constant 0 : i32
      %get3A_127 = arith.index_cast %get3A : i32 to index
      %get3A_128 = arith.constant 0 : index
      %get3A_129 = tpu.vector_load %arg11[%get3A_127, %get3A_128] {strides = array<i32>} : memref<16x128xi32, #tpu.memory_space<vmem>>, vector<16xi32>,
      tpu.vector_store_idx %arg14[%get3A_129], %broadcast_in_dim3A_10 {add = true} : memref<10240xf32, #tpu.memory_space<vmem>>[vector<16xi32>], vector<16xf32>,
      %get3A_130 = arith.constant 0 : i32
      %get3A_131 = arith.index_cast %get3A_130 : i32 to index
      %get3A_132 = arith.constant 16 : index
      %get3A_133 = tpu.vector_load %arg11[%get3A_131, %get3A_132] {strides = array<i32>} : memref<16x128xi32, #tpu.memory_space<vmem>>, vector<16xi32>,
      tpu.vector_store_idx %arg14[%get3A_133], %broadcast_in_dim3A_10 {add = true} : memref<10240xf32, #tpu.memory_space<vmem>>[vector<16xi32>], vector<16xf32>,
      %get3A_134 = arith.constant 0 : i32
      %get3A_135 = arith.index_cast %get3A_134 : i32 to index
      %get3A_136 = arith.constant 32 : index
      %get3A_137 = tpu.vector_load %arg11[%get3A_135, %get3A_136] {strides = array<i32>} : memref<16x128xi32, #tpu.memory_space<vmem>>, vector<16xi32>,
      tpu.vector_store_idx %arg14[%get3A_137], %broadcast_in_dim3A_10 {add = true} : memref<10240xf32, #tpu.memory_space<vmem>>[vector<16xi32>], vector<16xf32>,
      %get3A_138 = arith.constant 0 : i32
      %get3A_139 = arith.index_cast %get3A_138 : i32 to index
      %get3A_140 = arith.constant 48 : index
      %get3A_141 = tpu.vector_load %arg11[%get3A_139, %get3A_140] {strides = array<i32>} : memref<16x128xi32, #tpu.memory_space<vmem>>, vector<16xi32>,
      tpu.vector_store_idx %arg14[%get3A_141], %broadcast_in_dim3A_10 {add = true} : memref<10240xf32, #tpu.memory_space<vmem>>[vector<16xi32>], vector<16xf32>,
      %get3A_142 = arith.constant 0 : i32
      %get3A_143 = arith.index_cast %get3A_142 : i32 to index
      %get3A_144 = arith.constant 64 : index
      %get3A_145 = tpu.vector_load %arg11[%get3A_143, %get3A_144] {strides = array<i32>} : memref<16x128xi32, #tpu.memory_space<vmem>>, vector<16xi32>,
      tpu.vector_store_idx %arg14[%get3A_145], %broadcast_in_dim3A_10 {add = true} : memref<10240xf32, #tpu.memory_space<vmem>>[vector<16xi32>], vector<16xf32>,
      %get3A_146 = arith.constant 0 : i32
      %get3A_147 = arith.index_cast %get3A_146 : i32 to index
      %get3A_148 = arith.constant 80 : index
      %get3A_149 = tpu.vector_load %arg11[%get3A_147, %get3A_148] {strides = array<i32>} : memref<16x128xi32, #tpu.memory_space<vmem>>, vector<16xi32>,
      tpu.vector_store_idx %arg14[%get3A_149], %broadcast_in_dim3A_10 {add = true} : memref<10240xf32, #tpu.memory_space<vmem>>[vector<16xi32>], vector<16xf32>,
      %get3A_150 = arith.constant 0 : i32
      %get3A_151 = arith.index_cast %get3A_150 : i32 to index
      %get3A_152 = arith.constant 96 : index
      %get3A_153 = tpu.vector_load %arg11[%get3A_151, %get3A_152] {strides = array<i32>} : memref<16x128xi32, #tpu.memory_space<vmem>>, vector<16xi32>,
      tpu.vector_store_idx %arg14[%get3A_153], %broadcast_in_dim3A_10 {add = true} : memref<10240xf32, #tpu.memory_space<vmem>>[vector<16xi32>], vector<16xf32>,
      %get3A_154 = arith.constant 0 : i32
      %get3A_155 = arith.index_cast %get3A_154 : i32 to index
      %get3A_156 = arith.constant 112 : index
      %get3A_157 = tpu.vector_load %arg11[%get3A_155, %get3A_156] {strides = array<i32>} : memref<16x128xi32, #tpu.memory_space<vmem>>, vector<16xi32>,
      tpu.vector_store_idx %arg14[%get3A_157], %broadcast_in_dim3A_10 {add = true} : memref<10240xf32, #tpu.memory_space<vmem>>[vector<16xi32>], vector<16xf32>,
      %dma_wait3A_158 = arith.constant 1 : i32
      %dma_wait3A_159 = arith.constant 0 : i32
      %dma_wait3A_160 = tpu.memref_slice %arg10[%dma_wait3A_158, %dma_wait3A_159] : memref<16x128xi32, #tpu.memory_space<vmem>> -> memref<1x128xi32, #tpu.memory_space<vmem>>
      %dma_wait3A_161 = tpu.memref_squeeze %dma_wait3A_160 : memref<1x128xi32, #tpu.memory_space<vmem>> -> memref<128xi32, #tpu.memory_space<vmem>>
      %dma_wait3A_162 = arith.constant 0 : i32
      %dma_wait3A_163 = arith.constant 0 : i32
      %dma_wait3A_164 = tpu.memref_slice %arg2[%dma_wait3A_162, %dma_wait3A_163] : memref<10240x128xf32, #tpu.memory_space<hbm>> -> memref<10240x128xf32, #tpu.memory_space<hbm>>
      tpu.wait_indirect_dma semaphore(%arg18 : memref<!tpu.dma_semaphore, #tpu.memory_space<semaphore_mem>>) src(%dma_wait3A_164 : memref<10240x128xf32, #tpu.memory_space<hbm>>) dst(%arg13 : memref<128x128xf32, #tpu.memory_space<vmem>>)
      %dma_wait3A_165 = arith.constant 0 : i32
      %dma_wait3A_166 = arith.constant 0 : i32
      %dma_wait3A_167 = tpu.memref_slice %arg11[%dma_wait3A_165, %dma_wait3A_166] : memref<16x128xi32, #tpu.memory_space<vmem>> -> memref<1x128xi32, #tpu.memory_space<vmem>>
      %dma_wait3A_168 = tpu.memref_squeeze %dma_wait3A_167 : memref<1x128xi32, #tpu.memory_space<vmem>> -> memref<128xi32, #tpu.memory_space<vmem>>
      %dma_wait3A_169 = arith.constant 0 : i32
      %dma_wait3A_170 = arith.constant 0 : i32
      %dma_wait3A_171 = tpu.memref_slice %arg16[%dma_wait3A_169, %dma_wait3A_170] : memref<10240x128xf32, #tpu.memory_space<vmem_shared>> -> memref<10240x128xf32, #tpu.memory_space<vmem_shared>>
      tpu.wait_indirect_dma semaphore(%arg19 : memref<!tpu.dma_semaphore, #tpu.memory_space<semaphore_mem>>) src(%arg12 : memref<128x128xf32, #tpu.memory_space<vmem>>) dst(%dma_wait3A_171 : memref<10240x128xf32, #tpu.memory_space<vmem_shared>>)
      %dma_start3A_172 = arith.constant 2 : i32
      %dma_start3A_173 = arith.constant 0 : i32
      %dma_start3A_174 = tpu.memref_slice %arg10[%dma_start3A_172, %dma_start3A_173] : memref<16x128xi32, #tpu.memory_space<vmem>> -> memref<1x128xi32, #tpu.memory_space<vmem>>
      %dma_start3A_175 = tpu.memref_squeeze %dma_start3A_174 : memref<1x128xi32, #tpu.memory_space<vmem>> -> memref<128xi32, #tpu.memory_space<vmem>>
      %dma_start3A_176 = arith.constant 0 : i32
      %dma_start3A_177 = arith.constant 0 : i32
      %dma_start3A_178 = tpu.memref_slice %arg2[%dma_start3A_176, %dma_start3A_177] : memref<10240x128xf32, #tpu.memory_space<hbm>> -> memref<10240x128xf32, #tpu.memory_space<hbm>>
      tpu.enqueue_indirect_dma source(%dma_start3A_178 : memref<10240x128xf32, #tpu.memory_space<hbm>>) target(%arg12 : memref<128x128xf32, #tpu.memory_space<vmem>>) offsets(%dma_start3A_175 : memref<128xi32, #tpu.memory_space<vmem>>) semaphore(%arg17 : memref<!tpu.dma_semaphore, #tpu.memory_space<semaphore_mem>>)
      %dma_start3A_179 = arith.constant 1 : i32
      %dma_start3A_180 = arith.constant 0 : i32
      %dma_start3A_181 = tpu.memref_slice %arg11[%dma_start3A_179, %dma_start3A_180] : memref<16x128xi32, #tpu.memory_space<vmem>> -> memref<1x128xi32, #tpu.memory_space<vmem>>
      %dma_start3A_182 = tpu.memref_squeeze %dma_start3A_181 : memref<1x128xi32, #tpu.memory_space<vmem>> -> memref<128xi32, #tpu.memory_space<vmem>>
      %dma_start3A_183 = arith.constant 0 : i32
      %dma_start3A_184 = arith.constant 0 : i32
      %dma_start3A_185 = tpu.memref_slice %arg16[%dma_start3A_183, %dma_start3A_184] : memref<10240x128xf32, #tpu.memory_space<vmem_shared>> -> memref<10240x128xf32, #tpu.memory_space<vmem_shared>>
      tpu.enqueue_indirect_dma source(%arg13 : memref<128x128xf32, #tpu.memory_space<vmem>>) target(%dma_start3A_185 : memref<10240x128xf32, #tpu.memory_space<vmem_shared>>) offsets(%dma_start3A_182 : memref<128xi32, #tpu.memory_space<vmem>>) semaphore(%arg20 : memref<!tpu.dma_semaphore, #tpu.memory_space<semaphore_mem>>) {add = true}
      %get3A_186 = arith.constant 1 : i32
      %get3A_187 = arith.index_cast %get3A_186 : i32 to index
      %get3A_188 = arith.constant 0 : index
      %get3A_189 = tpu.vector_load %arg11[%get3A_187, %get3A_188] {strides = array<i32>} : memref<16x128xi32, #tpu.memory_space<vmem>>, vector<16xi32>,
      tpu.vector_store_idx %arg14[%get3A_189], %broadcast_in_dim3A_10 {add = true} : memref<10240xf32, #tpu.memory_space<vmem>>[vector<16xi32>], vector<16xf32>,
      %get3A_190 = arith.constant 1 : i32
      %get3A_191 = arith.index_cast %get3A_190 : i32 to index
      %get3A_192 = arith.constant 16 : index
      %get3A_193 = tpu.vector_load %arg11[%get3A_191, %get3A_192] {strides = array<i32>} : memref<16x128xi32, #tpu.memory_space<vmem>>, vector<16xi32>,
      tpu.vector_store_idx %arg14[%get3A_193], %broadcast_in_dim3A_10 {add = true} : memref<10240xf32, #tpu.memory_space<vmem>>[vector<16xi32>], vector<16xf32>,
      %get3A_194 = arith.constant 1 : i32
      %get3A_195 = arith.index_cast %get3A_194 : i32 to index
      %get3A_196 = arith.constant 32 : index
      %get3A_197 = tpu.vector_load %arg11[%get3A_195, %get3A_196] {strides = array<i32>} : memref<16x128xi32, #tpu.memory_space<vmem>>, vector<16xi32>,
      tpu.vector_store_idx %arg14[%get3A_197], %broadcast_in_dim3A_10 {add = true} : memref<10240xf32, #tpu.memory_space<vmem>>[vector<16xi32>], vector<16xf32>,
      %get3A_198 = arith.constant 1 : i32
      %get3A_199 = arith.index_cast %get3A_198 : i32 to index
      %get3A_200 = arith.constant 48 : index
      %get3A_201 = tpu.vector_load %arg11[%get3A_199, %get3A_200] {strides = array<i32>} : memref<16x128xi32, #tpu.memory_space<vmem>>, vector<16xi32>,
      tpu.vector_store_idx %arg14[%get3A_201], %broadcast_in_dim3A_10 {add = true} : memref<10240xf32, #tpu.memory_space<vmem>>[vector<16xi32>], vector<16xf32>,
      %get3A_202 = arith.constant 1 : i32
      %get3A_203 = arith.index_cast %get3A_202 : i32 to index
      %get3A_204 = arith.constant 64 : index
      %get3A_205 = tpu.vector_load %arg11[%get3A_203, %get3A_204] {strides = array<i32>} : memref<16x128xi32, #tpu.memory_space<vmem>>, vector<16xi32>,
      tpu.vector_store_idx %arg14[%get3A_205], %broadcast_in_dim3A_10 {add = true} : memref<10240xf32, #tpu.memory_space<vmem>>[vector<16xi32>], vector<16xf32>,
      %get3A_206 = arith.constant 1 : i32
      %get3A_207 = arith.index_cast %get3A_206 : i32 to index
      %get3A_208 = arith.constant 80 : index
      %get3A_209 = tpu.vector_load %arg11[%get3A_207, %get3A_208] {strides = array<i32>} : memref<16x128xi32, #tpu.memory_space<vmem>>, vector<16xi32>,
      tpu.vector_store_idx %arg14[%get3A_209], %broadcast_in_dim3A_10 {add = true} : memref<10240xf32, #tpu.memory_space<vmem>>[vector<16xi32>], vector<16xf32>,
      %get3A_210 = arith.constant 1 : i32
      %get3A_211 = arith.index_cast %get3A_210 : i32 to index
      %get3A_212 = arith.constant 96 : index
      %get3A_213 = tpu.vector_load %arg11[%get3A_211, %get3A_212] {strides = array<i32>} : memref<16x128xi32, #tpu.memory_space<vmem>>, vector<16xi32>,
      tpu.vector_store_idx %arg14[%get3A_213], %broadcast_in_dim3A_10 {add = true} : memref<10240xf32, #tpu.memory_space<vmem>>[vector<16xi32>], vector<16xf32>,
      %get3A_214 = arith.constant 1 : i32
      %get3A_215 = arith.index_cast %get3A_214 : i32 to index
      %get3A_216 = arith.constant 112 : index
      %get3A_217 = tpu.vector_load %arg11[%get3A_215, %get3A_216] {strides = array<i32>} : memref<16x128xi32, #tpu.memory_space<vmem>>, vector<16xi32>,
      tpu.vector_store_idx %arg14[%get3A_217], %broadcast_in_dim3A_10 {add = true} : memref<10240xf32, #tpu.memory_space<vmem>>[vector<16xi32>], vector<16xf32>,
      %dma_wait3A_218 = arith.constant 2 : i32
      %dma_wait3A_219 = arith.constant 0 : i32
      %dma_wait3A_220 = tpu.memref_slice %arg10[%dma_wait3A_218, %dma_wait3A_219] : memref<16x128xi32, #tpu.memory_space<vmem>> -> memref<1x128xi32, #tpu.memory_space<vmem>>
      %dma_wait3A_221 = tpu.memref_squeeze %dma_wait3A_220 : memref<1x128xi32, #tpu.memory_space<vmem>> -> memref<128xi32, #tpu.memory_space<vmem>>
      %dma_wait3A_222 = arith.constant 0 : i32
      %dma_wait3A_223 = arith.constant 0 : i32
      %dma_wait3A_224 = tpu.memref_slice %arg2[%dma_wait3A_222, %dma_wait3A_223] : memref<10240x128xf32, #tpu.memory_space<hbm>> -> memref<10240x128xf32, #tpu.memory_space<hbm>>
      tpu.wait_indirect_dma semaphore(%arg17 : memref<!tpu.dma_semaphore, #tpu.memory_space<semaphore_mem>>) src(%dma_wait3A_224 : memref<10240x128xf32, #tpu.memory_space<hbm>>) dst(%arg12 : memref<128x128xf32, #tpu.memory_space<vmem>>)
      %dma_wait3A_225 = arith.constant 1 : i32
      %dma_wait3A_226 = arith.constant 0 : i32
      %dma_wait3A_227 = tpu.memref_slice %arg11[%dma_wait3A_225, %dma_wait3A_226] : memref<16x128xi32, #tpu.memory_space<vmem>> -> memref<1x128xi32, #tpu.memory_space<vmem>>
      %dma_wait3A_228 = tpu.memref_squeeze %dma_wait3A_227 : memref<1x128xi32, #tpu.memory_space<vmem>> -> memref<128xi32, #tpu.memory_space<vmem>>
      %dma_wait3A_229 = arith.constant 0 : i32
      %dma_wait3A_230 = arith.constant 0 : i32
      %dma_wait3A_231 = tpu.memref_slice %arg16[%dma_wait3A_229, %dma_wait3A_230] : memref<10240x128xf32, #tpu.memory_space<vmem_shared>> -> memref<10240x128xf32, #tpu.memory_space<vmem_shared>>
      tpu.wait_indirect_dma semaphore(%arg20 : memref<!tpu.dma_semaphore, #tpu.memory_space<semaphore_mem>>) src(%arg13 : memref<128x128xf32, #tpu.memory_space<vmem>>) dst(%dma_wait3A_231 : memref<10240x128xf32, #tpu.memory_space<vmem_shared>>)
      %dma_start3A_232 = arith.constant 3 : i32
      %dma_start3A_233 = arith.constant 0 : i32
      %dma_start3A_234 = tpu.memref_slice %arg10[%dma_start3A_232, %dma_start3A_233] : memref<16x128xi32, #tpu.memory_space<vmem>> -> memref<1x128xi32, #tpu.memory_space<vmem>>
      %dma_start3A_235 = tpu.memref_squeeze %dma_start3A_234 : memref<1x128xi32, #tpu.memory_space<vmem>> -> memref<128xi32, #tpu.memory_space<vmem>>
      %dma_start3A_236 = arith.constant 0 : i32
      %dma_start3A_237 = arith.constant 0 : i32
      %dma_start3A_238 = tpu.memref_slice %arg2[%dma_start3A_236, %dma_start3A_237] : memref<10240x128xf32, #tpu.memory_space<hbm>> -> memref<10240x128xf32, #tpu.memory_space<hbm>>
      tpu.enqueue_indirect_dma source(%dma_start3A_238 : memref<10240x128xf32, #tpu.memory_space<hbm>>) target(%arg13 : memref<128x128xf32, #tpu.memory_space<vmem>>) offsets(%dma_start3A_235 : memref<128xi32, #tpu.memory_space<vmem>>) semaphore(%arg18 : memref<!tpu.dma_semaphore, #tpu.memory_space<semaphore_mem>>)
      %dma_start3A_239 = arith.constant 2 : i32
      %dma_start3A_240 = arith.constant 0 : i32
      %dma_start3A_241 = tpu.memref_slice %arg11[%dma_start3A_239, %dma_start3A_240] : memref<16x128xi32, #tpu.memory_space<vmem>> -> memref<1x128xi32, #tpu.memory_space<vmem>>
      %dma_start3A_242 = tpu.memref_squeeze %dma_start3A_241 : memref<1x128xi32, #tpu.memory_space<vmem>> -> memref<128xi32, #tpu.memory_space<vmem>>
      %dma_start3A_243 = arith.constant 0 : i32
      %dma_start3A_244 = arith.constant 0 : i32
      %dma_start3A_245 = tpu.memref_slice %arg16[%dma_start3A_243, %dma_start3A_244] : memref<10240x128xf32, #tpu.memory_space<vmem_shared>> -> memref<10240x128xf32, #tpu.memory_space<vmem_shared>>
      tpu.enqueue_indirect_dma source(%arg12 : memref<128x128xf32, #tpu.memory_space<vmem>>) target(%dma_start3A_245 : memref<10240x128xf32, #tpu.memory_space<vmem_shared>>) offsets(%dma_start3A_242 : memref<128xi32, #tpu.memory_space<vmem>>) semaphore(%arg19 : memref<!tpu.dma_semaphore, #tpu.memory_space<semaphore_mem>>) {add = true}
      %get3A_246 = arith.constant 2 : i32
      %get3A_247 = arith.index_cast %get3A_246 : i32 to index
      %get3A_248 = arith.constant 0 : index
      %get3A_249 = tpu.vector_load %arg11[%get3A_247, %get3A_248] {strides = array<i32>} : memref<16x128xi32, #tpu.memory_space<vmem>>, vector<16xi32>,
      tpu.vector_store_idx %arg14[%get3A_249], %broadcast_in_dim3A_10 {add = true} : memref<10240xf32, #tpu.memory_space<vmem>>[vector<16xi32>], vector<16xf32>,
      %get3A_250 = arith.constant 2 : i32
      %get3A_251 = arith.index_cast %get3A_250 : i32 to index
      %get3A_252 = arith.constant 16 : index
      %get3A_253 = tpu.vector_load %arg11[%get3A_251, %get3A_252] {strides = array<i32>} : memref<16x128xi32, #tpu.memory_space<vmem>>, vector<16xi32>,
      tpu.vector_store_idx %arg14[%get3A_253], %broadcast_in_dim3A_10 {add = true} : memref<10240xf32, #tpu.memory_space<vmem>>[vector<16xi32>], vector<16xf32>,
      %get3A_254 = arith.constant 2 : i32
      %get3A_255 = arith.index_cast %get3A_254 : i32 to index
      %get3A_256 = arith.constant 32 : index
      %get3A_257 = tpu.vector_load %arg11[%get3A_255, %get3A_256] {strides = array<i32>} : memref<16x128xi32, #tpu.memory_space<vmem>>, vector<16xi32>,
      tpu.vector_store_idx %arg14[%get3A_257], %broadcast_in_dim3A_10 {add = true} : memref<10240xf32, #tpu.memory_space<vmem>>[vector<16xi32>], vector<16xf32>,
      %get3A_258 = arith.constant 2 : i32
      %get3A_259 = arith.index_cast %get3A_258 : i32 to index
      %get3A_260 = arith.constant 48 : index
      %get3A_261 = tpu.vector_load %arg11[%get3A_259, %get3A_260] {strides = array<i32>} : memref<16x128xi32, #tpu.memory_space<vmem>>, vector<16xi32>,
      tpu.vector_store_idx %arg14[%get3A_261], %broadcast_in_dim3A_10 {add = true} : memref<10240xf32, #tpu.memory_space<vmem>>[vector<16xi32>], vector<16xf32>,
      %get3A_262 = arith.constant 2 : i32
      %get3A_263 = arith.index_cast %get3A_262 : i32 to index
      %get3A_264 = arith.constant 64 : index
      %get3A_265 = tpu.vector_load %arg11[%get3A_263, %get3A_264] {strides = array<i32>} : memref<16x128xi32, #tpu.memory_space<vmem>>, vector<16xi32>,
      tpu.vector_store_idx %arg14[%get3A_265], %broadcast_in_dim3A_10 {add = true} : memref<10240xf32, #tpu.memory_space<vmem>>[vector<16xi32>], vector<16xf32>,
      %get3A_266 = arith.constant 2 : i32
      %get3A_267 = arith.index_cast %get3A_266 : i32 to index
      %get3A_268 = arith.constant 80 : index
      %get3A_269 = tpu.vector_load %arg11[%get3A_267, %get3A_268] {strides = array<i32>} : memref<16x128xi32, #tpu.memory_space<vmem>>, vector<16xi32>,
      tpu.vector_store_idx %arg14[%get3A_269], %broadcast_in_dim3A_10 {add = true} : memref<10240xf32, #tpu.memory_space<vmem>>[vector<16xi32>], vector<16xf32>,
      %get3A_270 = arith.constant 2 : i32
      %get3A_271 = arith.index_cast %get3A_270 : i32 to index
      %get3A_272 = arith.constant 96 : index
      %get3A_273 = tpu.vector_load %arg11[%get3A_271, %get3A_272] {strides = array<i32>} : memref<16x128xi32, #tpu.memory_space<vmem>>, vector<16xi32>,
      tpu.vector_store_idx %arg14[%get3A_273], %broadcast_in_dim3A_10 {add = true} : memref<10240xf32, #tpu.memory_space<vmem>>[vector<16xi32>], vector<16xf32>,
      %get3A_274 = arith.constant 2 : i32
      %get3A_275 = arith.index_cast %get3A_274 : i32 to index
      %get3A_276 = arith.constant 112 : index
      %get3A_277 = tpu.vector_load %arg11[%get3A_275, %get3A_276] {strides = array<i32>} : memref<16x128xi32, #tpu.memory_space<vmem>>, vector<16xi32>,
      tpu.vector_store_idx %arg14[%get3A_277], %broadcast_in_dim3A_10 {add = true} : memref<10240xf32, #tpu.memory_space<vmem>>[vector<16xi32>], vector<16xf32>,
      %dma_wait3A_278 = arith.constant 3 : i32
      %dma_wait3A_279 = arith.constant 0 : i32
      %dma_wait3A_280 = tpu.memref_slice %arg10[%dma_wait3A_278, %dma_wait3A_279] : memref<16x128xi32, #tpu.memory_space<vmem>> -> memref<1x128xi32, #tpu.memory_space<vmem>>
      %dma_wait3A_281 = tpu.memref_squeeze %dma_wait3A_280 : memref<1x128xi32, #tpu.memory_space<vmem>> -> memref<128xi32, #tpu.memory_space<vmem>>
      %dma_wait3A_282 = arith.constant 0 : i32
      %dma_wait3A_283 = arith.constant 0 : i32
      %dma_wait3A_284 = tpu.memref_slice %arg2[%dma_wait3A_282, %dma_wait3A_283] : memref<10240x128xf32, #tpu.memory_space<hbm>> -> memref<10240x128xf32, #tpu.memory_space<hbm>>
      tpu.wait_indirect_dma semaphore(%arg18 : memref<!tpu.dma_semaphore, #tpu.memory_space<semaphore_mem>>) src(%dma_wait3A_284 : memref<10240x128xf32, #tpu.memory_space<hbm>>) dst(%arg13 : memref<128x128xf32, #tpu.memory_space<vmem>>)
      %dma_wait3A_285 = arith.constant 2 : i32
      %dma_wait3A_286 = arith.constant 0 : i32
      %dma_wait3A_287 = tpu.memref_slice %arg11[%dma_wait3A_285, %dma_wait3A_286] : memref<16x128xi32, #tpu.memory_space<vmem>> -> memref<1x128xi32, #tpu.memory_space<vmem>>
      %dma_wait3A_288 = tpu.memref_squeeze %dma_wait3A_287 : memref<1x128xi32, #tpu.memory_space<vmem>> -> memref<128xi32, #tpu.memory_space<vmem>>
      %dma_wait3A_289 = arith.constant 0 : i32
      %dma_wait3A_290 = arith.constant 0 : i32
      %dma_wait3A_291 = tpu.memref_slice %arg16[%dma_wait3A_289, %dma_wait3A_290] : memref<10240x128xf32, #tpu.memory_space<vmem_shared>> -> memref<10240x128xf32, #tpu.memory_space<vmem_shared>>
      tpu.wait_indirect_dma semaphore(%arg19 : memref<!tpu.dma_semaphore, #tpu.memory_space<semaphore_mem>>) src(%arg12 : memref<128x128xf32, #tpu.memory_space<vmem>>) dst(%dma_wait3A_291 : memref<10240x128xf32, #tpu.memory_space<vmem_shared>>)
      %dma_start3A_292 = arith.constant 4 : i32
      %dma_start3A_293 = arith.constant 0 : i32
      %dma_start3A_294 = tpu.memref_slice %arg10[%dma_start3A_292, %dma_start3A_293] : memref<16x128xi32, #tpu.memory_space<vmem>> -> memref<1x128xi32, #tpu.memory_space<vmem>>
      %dma_start3A_295 = tpu.memref_squeeze %dma_start3A_294 : memref<1x128xi32, #tpu.memory_space<vmem>> -> memref<128xi32, #tpu.memory_space<vmem>>
      %dma_start3A_296 = arith.constant 0 : i32
      %dma_start3A_297 = arith.constant 0 : i32
      %dma_start3A_298 = tpu.memref_slice %arg2[%dma_start3A_296, %dma_start3A_297] : memref<10240x128xf32, #tpu.memory_space<hbm>> -> memref<10240x128xf32, #tpu.memory_space<hbm>>
      tpu.enqueue_indirect_dma source(%dma_start3A_298 : memref<10240x128xf32, #tpu.memory_space<hbm>>) target(%arg12 : memref<128x128xf32, #tpu.memory_space<vmem>>) offsets(%dma_start3A_295 : memref<128xi32, #tpu.memory_space<vmem>>) semaphore(%arg17 : memref<!tpu.dma_semaphore, #tpu.memory_space<semaphore_mem>>)
      %dma_start3A_299 = arith.constant 3 : i32
      %dma_start3A_300 = arith.constant 0 : i32
      %dma_start3A_301 = tpu.memref_slice %arg11[%dma_start3A_299, %dma_start3A_300] : memref<16x128xi32, #tpu.memory_space<vmem>> -> memref<1x128xi32, #tpu.memory_space<vmem>>
      %dma_start3A_302 = tpu.memref_squeeze %dma_start3A_301 : memref<1x128xi32, #tpu.memory_space<vmem>> -> memref<128xi32, #tpu.memory_space<vmem>>
      %dma_start3A_303 = arith.constant 0 : i32
      %dma_start3A_304 = arith.constant 0 : i32
      %dma_start3A_305 = tpu.memref_slice %arg16[%dma_start3A_303, %dma_start3A_304] : memref<10240x128xf32, #tpu.memory_space<vmem_shared>> -> memref<10240x128xf32, #tpu.memory_space<vmem_shared>>
      tpu.enqueue_indirect_dma source(%arg13 : memref<128x128xf32, #tpu.memory_space<vmem>>) target(%dma_start3A_305 : memref<10240x128xf32, #tpu.memory_space<vmem_shared>>) offsets(%dma_start3A_302 : memref<128xi32, #tpu.memory_space<vmem>>) semaphore(%arg20 : memref<!tpu.dma_semaphore, #tpu.memory_space<semaphore_mem>>) {add = true}
      %get3A_306 = arith.constant 3 : i32
      %get3A_307 = arith.index_cast %get3A_306 : i32 to index
      %get3A_308 = arith.constant 0 : index
      %get3A_309 = tpu.vector_load %arg11[%get3A_307, %get3A_308] {strides = array<i32>} : memref<16x128xi32, #tpu.memory_space<vmem>>, vector<16xi32>,
      tpu.vector_store_idx %arg14[%get3A_309], %broadcast_in_dim3A_10 {add = true} : memref<10240xf32, #tpu.memory_space<vmem>>[vector<16xi32>], vector<16xf32>,
      %get3A_310 = arith.constant 3 : i32
      %get3A_311 = arith.index_cast %get3A_310 : i32 to index
      %get3A_312 = arith.constant 16 : index
      %get3A_313 = tpu.vector_load %arg11[%get3A_311, %get3A_312] {strides = array<i32>} : memref<16x128xi32, #tpu.memory_space<vmem>>, vector<16xi32>,
      tpu.vector_store_idx %arg14[%get3A_313], %broadcast_in_dim3A_10 {add = true} : memref<10240xf32, #tpu.memory_space<vmem>>[vector<16xi32>], vector<16xf32>,
      %get3A_314 = arith.constant 3 : i32
      %get3A_315 = arith.index_cast %get3A_314 : i32 to index
      %get3A_316 = arith.constant 32 : index
      %get3A_317 = tpu.vector_load %arg11[%get3A_315, %get3A_316] {strides = array<i32>} : memref<16x128xi32, #tpu.memory_space<vmem>>, vector<16xi32>,
      tpu.vector_store_idx %arg14[%get3A_317], %broadcast_in_dim3A_10 {add = true} : memref<10240xf32, #tpu.memory_space<vmem>>[vector<16xi32>], vector<16xf32>,
      %get3A_318 = arith.constant 3 : i32
      %get3A_319 = arith.index_cast %get3A_318 : i32 to index
      %get3A_320 = arith.constant 48 : index
      %get3A_321 = tpu.vector_load %arg11[%get3A_319, %get3A_320] {strides = array<i32>} : memref<16x128xi32, #tpu.memory_space<vmem>>, vector<16xi32>,
      tpu.vector_store_idx %arg14[%get3A_321], %broadcast_in_dim3A_10 {add = true} : memref<10240xf32, #tpu.memory_space<vmem>>[vector<16xi32>], vector<16xf32>,
      %get3A_322 = arith.constant 3 : i32
      %get3A_323 = arith.index_cast %get3A_322 : i32 to index
      %get3A_324 = arith.constant 64 : index
      %get3A_325 = tpu.vector_load %arg11[%get3A_323, %get3A_324] {strides = array<i32>} : memref<16x128xi32, #tpu.memory_space<vmem>>, vector<16xi32>,
      tpu.vector_store_idx %arg14[%get3A_325], %broadcast_in_dim3A_10 {add = true} : memref<10240xf32, #tpu.memory_space<vmem>>[vector<16xi32>], vector<16xf32>,
      %get3A_326 = arith.constant 3 : i32
      %get3A_327 = arith.index_cast %get3A_326 : i32 to index
      %get3A_328 = arith.constant 80 : index
      %get3A_329 = tpu.vector_load %arg11[%get3A_327, %get3A_328] {strides = array<i32>} : memref<16x128xi32, #tpu.memory_space<vmem>>, vector<16xi32>,
      tpu.vector_store_idx %arg14[%get3A_329], %broadcast_in_dim3A_10 {add = true} : memref<10240xf32, #tpu.memory_space<vmem>>[vector<16xi32>], vector<16xf32>,
      %get3A_330 = arith.constant 3 : i32
      %get3A_331 = arith.index_cast %get3A_330 : i32 to index
      %get3A_332 = arith.constant 96 : index
      %get3A_333 = tpu.vector_load %arg11[%get3A_331, %get3A_332] {strides = array<i32>} : memref<16x128xi32, #tpu.memory_space<vmem>>, vector<16xi32>,
      tpu.vector_store_idx %arg14[%get3A_333], %broadcast_in_dim3A_10 {add = true} : memref<10240xf32, #tpu.memory_space<vmem>>[vector<16xi32>], vector<16xf32>,
      %get3A_334 = arith.constant 3 : i32
      %get3A_335 = arith.index_cast %get3A_334 : i32 to index
      %get3A_336 = arith.constant 112 : index
      %get3A_337 = tpu.vector_load %arg11[%get3A_335, %get3A_336] {strides = array<i32>} : memref<16x128xi32, #tpu.memory_space<vmem>>, vector<16xi32>,
      tpu.vector_store_idx %arg14[%get3A_337], %broadcast_in_dim3A_10 {add = true} : memref<10240xf32, #tpu.memory_space<vmem>>[vector<16xi32>], vector<16xf32>,
      %dma_wait3A_338 = arith.constant 4 : i32
      %dma_wait3A_339 = arith.constant 0 : i32
      %dma_wait3A_340 = tpu.memref_slice %arg10[%dma_wait3A_338, %dma_wait3A_339] : memref<16x128xi32, #tpu.memory_space<vmem>> -> memref<1x128xi32, #tpu.memory_space<vmem>>
      %dma_wait3A_341 = tpu.memref_squeeze %dma_wait3A_340 : memref<1x128xi32, #tpu.memory_space<vmem>> -> memref<128xi32, #tpu.memory_space<vmem>>
      %dma_wait3A_342 = arith.constant 0 : i32
      %dma_wait3A_343 = arith.constant 0 : i32
      %dma_wait3A_344 = tpu.memref_slice %arg2[%dma_wait3A_342, %dma_wait3A_343] : memref<10240x128xf32, #tpu.memory_space<hbm>> -> memref<10240x128xf32, #tpu.memory_space<hbm>>
      tpu.wait_indirect_dma semaphore(%arg17 : memref<!tpu.dma_semaphore, #tpu.memory_space<semaphore_mem>>) src(%dma_wait3A_344 : memref<10240x128xf32, #tpu.memory_space<hbm>>) dst(%arg12 : memref<128x128xf32, #tpu.memory_space<vmem>>)
      %dma_wait3A_345 = arith.constant 3 : i32
      %dma_wait3A_346 = arith.constant 0 : i32
      %dma_wait3A_347 = tpu.memref_slice %arg11[%dma_wait3A_345, %dma_wait3A_346] : memref<16x128xi32, #tpu.memory_space<vmem>> -> memref<1x128xi32, #tpu.memory_space<vmem>>
      %dma_wait3A_348 = tpu.memref_squeeze %dma_wait3A_347 : memref<1x128xi32, #tpu.memory_space<vmem>> -> memref<128xi32, #tpu.memory_space<vmem>>
      %dma_wait3A_349 = arith.constant 0 : i32
      %dma_wait3A_350 = arith.constant 0 : i32
      %dma_wait3A_351 = tpu.memref_slice %arg16[%dma_wait3A_349, %dma_wait3A_350] : memref<10240x128xf32, #tpu.memory_space<vmem_shared>> -> memref<10240x128xf32, #tpu.memory_space<vmem_shared>>
      tpu.wait_indirect_dma semaphore(%arg20 : memref<!tpu.dma_semaphore, #tpu.memory_space<semaphore_mem>>) src(%arg13 : memref<128x128xf32, #tpu.memory_space<vmem>>) dst(%dma_wait3A_351 : memref<10240x128xf32, #tpu.memory_space<vmem_shared>>)
      %dma_start3A_352 = arith.constant 5 : i32
      %dma_start3A_353 = arith.constant 0 : i32
      %dma_start3A_354 = tpu.memref_slice %arg10[%dma_start3A_352, %dma_start3A_353] : memref<16x128xi32, #tpu.memory_space<vmem>> -> memref<1x128xi32, #tpu.memory_space<vmem>>
      %dma_start3A_355 = tpu.memref_squeeze %dma_start3A_354 : memref<1x128xi32, #tpu.memory_space<vmem>> -> memref<128xi32, #tpu.memory_space<vmem>>
      %dma_start3A_356 = arith.constant 0 : i32
      %dma_start3A_357 = arith.constant 0 : i32
      %dma_start3A_358 = tpu.memref_slice %arg2[%dma_start3A_356, %dma_start3A_357] : memref<10240x128xf32, #tpu.memory_space<hbm>> -> memref<10240x128xf32, #tpu.memory_space<hbm>>
      tpu.enqueue_indirect_dma source(%dma_start3A_358 : memref<10240x128xf32, #tpu.memory_space<hbm>>) target(%arg13 : memref<128x128xf32, #tpu.memory_space<vmem>>) offsets(%dma_start3A_355 : memref<128xi32, #tpu.memory_space<vmem>>) semaphore(%arg18 : memref<!tpu.dma_semaphore, #tpu.memory_space<semaphore_mem>>)
      %dma_start3A_359 = arith.constant 4 : i32
      %dma_start3A_360 = arith.constant 0 : i32
      %dma_start3A_361 = tpu.memref_slice %arg11[%dma_start3A_359, %dma_start3A_360] : memref<16x128xi32, #tpu.memory_space<vmem>> -> memref<1x128xi32, #tpu.memory_space<vmem>>
      %dma_start3A_362 = tpu.memref_squeeze %dma_start3A_361 : memref<1x128xi32, #tpu.memory_space<vmem>> -> memref<128xi32, #tpu.memory_space<vmem>>
      %dma_start3A_363 = arith.constant 0 : i32
      %dma_start3A_364 = arith.constant 0 : i32
      %dma_start3A_365 = tpu.memref_slice %arg16[%dma_start3A_363, %dma_start3A_364] : memref<10240x128xf32, #tpu.memory_space<vmem_shared>> -> memref<10240x128xf32, #tpu.memory_space<vmem_shared>>
      tpu.enqueue_indirect_dma source(%arg12 : memref<128x128xf32, #tpu.memory_space<vmem>>) target(%dma_start3A_365 : memref<10240x128xf32, #tpu.memory_space<vmem_shared>>) offsets(%dma_start3A_362 : memref<128xi32, #tpu.memory_space<vmem>>) semaphore(%arg19 : memref<!tpu.dma_semaphore, #tpu.memory_space<semaphore_mem>>) {add = true}
      %get3A_366 = arith.constant 4 : i32
      %get3A_367 = arith.index_cast %get3A_366 : i32 to index
      %get3A_368 = arith.constant 0 : index
      %get3A_369 = tpu.vector_load %arg11[%get3A_367, %get3A_368] {strides = array<i32>} : memref<16x128xi32, #tpu.memory_space<vmem>>, vector<16xi32>,
      tpu.vector_store_idx %arg14[%get3A_369], %broadcast_in_dim3A_10 {add = true} : memref<10240xf32, #tpu.memory_space<vmem>>[vector<16xi32>], vector<16xf32>,
      %get3A_370 = arith.constant 4 : i32
      %get3A_371 = arith.index_cast %get3A_370 : i32 to index
      %get3A_372 = arith.constant 16 : index
      %get3A_373 = tpu.vector_load %arg11[%get3A_371, %get3A_372] {strides = array<i32>} : memref<16x128xi32, #tpu.memory_space<vmem>>, vector<16xi32>,
      tpu.vector_store_idx %arg14[%get3A_373], %broadcast_in_dim3A_10 {add = true} : memref<10240xf32, #tpu.memory_space<vmem>>[vector<16xi32>], vector<16xf32>,
      %get3A_374 = arith.constant 4 : i32
      %get3A_375 = arith.index_cast %get3A_374 : i32 to index
      %get3A_376 = arith.constant 32 : index
      %get3A_377 = tpu.vector_load %arg11[%get3A_375, %get3A_376] {strides = array<i32>} : memref<16x128xi32, #tpu.memory_space<vmem>>, vector<16xi32>,
      tpu.vector_store_idx %arg14[%get3A_377], %broadcast_in_dim3A_10 {add = true} : memref<10240xf32, #tpu.memory_space<vmem>>[vector<16xi32>], vector<16xf32>,
      %get3A_378 = arith.constant 4 : i32
      %get3A_379 = arith.index_cast %get3A_378 : i32 to index
      %get3A_380 = arith.constant 48 : index
      %get3A_381 = tpu.vector_load %arg11[%get3A_379, %get3A_380] {strides = array<i32>} : memref<16x128xi32, #tpu.memory_space<vmem>>, vector<16xi32>,
      tpu.vector_store_idx %arg14[%get3A_381], %broadcast_in_dim3A_10 {add = true} : memref<10240xf32, #tpu.memory_space<vmem>>[vector<16xi32>], vector<16xf32>,
      %get3A_382 = arith.constant 4 : i32
      %get3A_383 = arith.index_cast %get3A_382 : i32 to index
      %get3A_384 = arith.constant 64 : index
      %get3A_385 = tpu.vector_load %arg11[%get3A_383, %get3A_384] {strides = array<i32>} : memref<16x128xi32, #tpu.memory_space<vmem>>, vector<16xi32>,
      tpu.vector_store_idx %arg14[%get3A_385], %broadcast_in_dim3A_10 {add = true} : memref<10240xf32, #tpu.memory_space<vmem>>[vector<16xi32>], vector<16xf32>,
      %get3A_386 = arith.constant 4 : i32
      %get3A_387 = arith.index_cast %get3A_386 : i32 to index
      %get3A_388 = arith.constant 80 : index
      %get3A_389 = tpu.vector_load %arg11[%get3A_387, %get3A_388] {strides = array<i32>} : memref<16x128xi32, #tpu.memory_space<vmem>>, vector<16xi32>,
      tpu.vector_store_idx %arg14[%get3A_389], %broadcast_in_dim3A_10 {add = true} : memref<10240xf32, #tpu.memory_space<vmem>>[vector<16xi32>], vector<16xf32>,
      %get3A_390 = arith.constant 4 : i32
      %get3A_391 = arith.index_cast %get3A_390 : i32 to index
      %get3A_392 = arith.constant 96 : index
      %get3A_393 = tpu.vector_load %arg11[%get3A_391, %get3A_392] {strides = array<i32>} : memref<16x128xi32, #tpu.memory_space<vmem>>, vector<16xi32>,
      tpu.vector_store_idx %arg14[%get3A_393], %broadcast_in_dim3A_10 {add = true} : memref<10240xf32, #tpu.memory_space<vmem>>[vector<16xi32>], vector<16xf32>,
      %get3A_394 = arith.constant 4 : i32
      %get3A_395 = arith.index_cast %get3A_394 : i32 to index
      %get3A_396 = arith.constant 112 : index
      %get3A_397 = tpu.vector_load %arg11[%get3A_395, %get3A_396] {strides = array<i32>} : memref<16x128xi32, #tpu.memory_space<vmem>>, vector<16xi32>,
      tpu.vector_store_idx %arg14[%get3A_397], %broadcast_in_dim3A_10 {add = true} : memref<10240xf32, #tpu.memory_space<vmem>>[vector<16xi32>], vector<16xf32>,
      %dma_wait3A_398 = arith.constant 5 : i32
      %dma_wait3A_399 = arith.constant 0 : i32
      %dma_wait3A_400 = tpu.memref_slice %arg10[%dma_wait3A_398, %dma_wait3A_399] : memref<16x128xi32, #tpu.memory_space<vmem>> -> memref<1x128xi32, #tpu.memory_space<vmem>>
      %dma_wait3A_401 = tpu.memref_squeeze %dma_wait3A_400 : memref<1x128xi32, #tpu.memory_space<vmem>> -> memref<128xi32, #tpu.memory_space<vmem>>
      %dma_wait3A_402 = arith.constant 0 : i32
      %dma_wait3A_403 = arith.constant 0 : i32
      %dma_wait3A_404 = tpu.memref_slice %arg2[%dma_wait3A_402, %dma_wait3A_403] : memref<10240x128xf32, #tpu.memory_space<hbm>> -> memref<10240x128xf32, #tpu.memory_space<hbm>>
      tpu.wait_indirect_dma semaphore(%arg18 : memref<!tpu.dma_semaphore, #tpu.memory_space<semaphore_mem>>) src(%dma_wait3A_404 : memref<10240x128xf32, #tpu.memory_space<hbm>>) dst(%arg13 : memref<128x128xf32, #tpu.memory_space<vmem>>)
      %dma_wait3A_405 = arith.constant 4 : i32
      %dma_wait3A_406 = arith.constant 0 : i32
      %dma_wait3A_407 = tpu.memref_slice %arg11[%dma_wait3A_405, %dma_wait3A_406] : memref<16x128xi32, #tpu.memory_space<vmem>> -> memref<1x128xi32, #tpu.memory_space<vmem>>
      %dma_wait3A_408 = tpu.memref_squeeze %dma_wait3A_407 : memref<1x128xi32, #tpu.memory_space<vmem>> -> memref<128xi32, #tpu.memory_space<vmem>>
      %dma_wait3A_409 = arith.constant 0 : i32
      %dma_wait3A_410 = arith.constant 0 : i32
      %dma_wait3A_411 = tpu.memref_slice %arg16[%dma_wait3A_409, %dma_wait3A_410] : memref<10240x128xf32, #tpu.memory_space<vmem_shared>> -> memref<10240x128xf32, #tpu.memory_space<vmem_shared>>
      tpu.wait_indirect_dma semaphore(%arg19 : memref<!tpu.dma_semaphore, #tpu.memory_space<semaphore_mem>>) src(%arg12 : memref<128x128xf32, #tpu.memory_space<vmem>>) dst(%dma_wait3A_411 : memref<10240x128xf32, #tpu.memory_space<vmem_shared>>)
      %dma_start3A_412 = arith.constant 6 : i32
      %dma_start3A_413 = arith.constant 0 : i32
      %dma_start3A_414 = tpu.memref_slice %arg10[%dma_start3A_412, %dma_start3A_413] : memref<16x128xi32, #tpu.memory_space<vmem>> -> memref<1x128xi32, #tpu.memory_space<vmem>>
      %dma_start3A_415 = tpu.memref_squeeze %dma_start3A_414 : memref<1x128xi32, #tpu.memory_space<vmem>> -> memref<128xi32, #tpu.memory_space<vmem>>
      %dma_start3A_416 = arith.constant 0 : i32
      %dma_start3A_417 = arith.constant 0 : i32
      %dma_start3A_418 = tpu.memref_slice %arg2[%dma_start3A_416, %dma_start3A_417] : memref<10240x128xf32, #tpu.memory_space<hbm>> -> memref<10240x128xf32, #tpu.memory_space<hbm>>
      tpu.enqueue_indirect_dma source(%dma_start3A_418 : memref<10240x128xf32, #tpu.memory_space<hbm>>) target(%arg12 : memref<128x128xf32, #tpu.memory_space<vmem>>) offsets(%dma_start3A_415 : memref<128xi32, #tpu.memory_space<vmem>>) semaphore(%arg17 : memref<!tpu.dma_semaphore, #tpu.memory_space<semaphore_mem>>)
      %dma_start3A_419 = arith.constant 5 : i32
      %dma_start3A_420 = arith.constant 0 : i32
      %dma_start3A_421 = tpu.memref_slice %arg11[%dma_start3A_419, %dma_start3A_420] : memref<16x128xi32, #tpu.memory_space<vmem>> -> memref<1x128xi32, #tpu.memory_space<vmem>>
      %dma_start3A_422 = tpu.memref_squeeze %dma_start3A_421 : memref<1x128xi32, #tpu.memory_space<vmem>> -> memref<128xi32, #tpu.memory_space<vmem>>
      %dma_start3A_423 = arith.constant 0 : i32
      %dma_start3A_424 = arith.constant 0 : i32
      %dma_start3A_425 = tpu.memref_slice %arg16[%dma_start3A_423, %dma_start3A_424] : memref<10240x128xf32, #tpu.memory_space<vmem_shared>> -> memref<10240x128xf32, #tpu.memory_space<vmem_shared>>
      tpu.enqueue_indirect_dma source(%arg13 : memref<128x128xf32, #tpu.memory_space<vmem>>) target(%dma_start3A_425 : memref<10240x128xf32, #tpu.memory_space<vmem_shared>>) offsets(%dma_start3A_422 : memref<128xi32, #tpu.memory_space<vmem>>) semaphore(%arg20 : memref<!tpu.dma_semaphore, #tpu.memory_space<semaphore_mem>>) {add = true}
      %get3A_426 = arith.constant 5 : i32
      %get3A_427 = arith.index_cast %get3A_426 : i32 to index
      %get3A_428 = arith.constant 0 : index
      %get3A_429 = tpu.vector_load %arg11[%get3A_427, %get3A_428] {strides = array<i32>} : memref<16x128xi32, #tpu.memory_space<vmem>>, vector<16xi32>,
      tpu.vector_store_idx %arg14[%get3A_429], %broadcast_in_dim3A_10 {add = true} : memref<10240xf32, #tpu.memory_space<vmem>>[vector<16xi32>], vector<16xf32>,
      %get3A_430 = arith.constant 5 : i32
      %get3A_431 = arith.index_cast %get3A_430 : i32 to index
      %get3A_432 = arith.constant 16 : index
      %get3A_433 = tpu.vector_load %arg11[%get3A_431, %get3A_432] {strides = array<i32>} : memref<16x128xi32, #tpu.memory_space<vmem>>, vector<16xi32>,
      tpu.vector_store_idx %arg14[%get3A_433], %broadcast_in_dim3A_10 {add = true} : memref<10240xf32, #tpu.memory_space<vmem>>[vector<16xi32>], vector<16xf32>,
      %get3A_434 = arith.constant 5 : i32
      %get3A_435 = arith.index_cast %get3A_434 : i32 to index
      %get3A_436 = arith.constant 32 : index
      %get3A_437 = tpu.vector_load %arg11[%get3A_435, %get3A_436] {strides = array<i32>} : memref<16x128xi32, #tpu.memory_space<vmem>>, vector<16xi32>,
      tpu.vector_store_idx %arg14[%get3A_437], %broadcast_in_dim3A_10 {add = true} : memref<10240xf32, #tpu.memory_space<vmem>>[vector<16xi32>], vector<16xf32>,
      %get3A_438 = arith.constant 5 : i32
      %get3A_439 = arith.index_cast %get3A_438 : i32 to index
      %get3A_440 = arith.constant 48 : index
      %get3A_441 = tpu.vector_load %arg11[%get3A_439, %get3A_440] {strides = array<i32>} : memref<16x128xi32, #tpu.memory_space<vmem>>, vector<16xi32>,
      tpu.vector_store_idx %arg14[%get3A_441], %broadcast_in_dim3A_10 {add = true} : memref<10240xf32, #tpu.memory_space<vmem>>[vector<16xi32>], vector<16xf32>,
      %get3A_442 = arith.constant 5 : i32
      %get3A_443 = arith.index_cast %get3A_442 : i32 to index
      %get3A_444 = arith.constant 64 : index
      %get3A_445 = tpu.vector_load %arg11[%get3A_443, %get3A_444] {strides = array<i32>} : memref<16x128xi32, #tpu.memory_space<vmem>>, vector<16xi32>,
      tpu.vector_store_idx %arg14[%get3A_445], %broadcast_in_dim3A_10 {add = true} : memref<10240xf32, #tpu.memory_space<vmem>>[vector<16xi32>], vector<16xf32>,
      %get3A_446 = arith.constant 5 : i32
      %get3A_447 = arith.index_cast %get3A_446 : i32 to index
      %get3A_448 = arith.constant 80 : index
      %get3A_449 = tpu.vector_load %arg11[%get3A_447, %get3A_448] {strides = array<i32>} : memref<16x128xi32, #tpu.memory_space<vmem>>, vector<16xi32>,
      tpu.vector_store_idx %arg14[%get3A_449], %broadcast_in_dim3A_10 {add = true} : memref<10240xf32, #tpu.memory_space<vmem>>[vector<16xi32>], vector<16xf32>,
      %get3A_450 = arith.constant 5 : i32
      %get3A_451 = arith.index_cast %get3A_450 : i32 to index
      %get3A_452 = arith.constant 96 : index
      %get3A_453 = tpu.vector_load %arg11[%get3A_451, %get3A_452] {strides = array<i32>} : memref<16x128xi32, #tpu.memory_space<vmem>>, vector<16xi32>,
      tpu.vector_store_idx %arg14[%get3A_453], %broadcast_in_dim3A_10 {add = true} : memref<10240xf32, #tpu.memory_space<vmem>>[vector<16xi32>], vector<16xf32>,
      %get3A_454 = arith.constant 5 : i32
      %get3A_455 = arith.index_cast %get3A_454 : i32 to index
      %get3A_456 = arith.constant 112 : index
      %get3A_457 = tpu.vector_load %arg11[%get3A_455, %get3A_456] {strides = array<i32>} : memref<16x128xi32, #tpu.memory_space<vmem>>, vector<16xi32>,
      tpu.vector_store_idx %arg14[%get3A_457], %broadcast_in_dim3A_10 {add = true} : memref<10240xf32, #tpu.memory_space<vmem>>[vector<16xi32>], vector<16xf32>,
      %dma_wait3A_458 = arith.constant 6 : i32
      %dma_wait3A_459 = arith.constant 0 : i32
      %dma_wait3A_460 = tpu.memref_slice %arg10[%dma_wait3A_458, %dma_wait3A_459] : memref<16x128xi32, #tpu.memory_space<vmem>> -> memref<1x128xi32, #tpu.memory_space<vmem>>
      %dma_wait3A_461 = tpu.memref_squeeze %dma_wait3A_460 : memref<1x128xi32, #tpu.memory_space<vmem>> -> memref<128xi32, #tpu.memory_space<vmem>>
      %dma_wait3A_462 = arith.constant 0 : i32
      %dma_wait3A_463 = arith.constant 0 : i32
      %dma_wait3A_464 = tpu.memref_slice %arg2[%dma_wait3A_462, %dma_wait3A_463] : memref<10240x128xf32, #tpu.memory_space<hbm>> -> memref<10240x128xf32, #tpu.memory_space<hbm>>
      tpu.wait_indirect_dma semaphore(%arg17 : memref<!tpu.dma_semaphore, #tpu.memory_space<semaphore_mem>>) src(%dma_wait3A_464 : memref<10240x128xf32, #tpu.memory_space<hbm>>) dst(%arg12 : memref<128x128xf32, #tpu.memory_space<vmem>>)
      %dma_wait3A_465 = arith.constant 5 : i32
      %dma_wait3A_466 = arith.constant 0 : i32
      %dma_wait3A_467 = tpu.memref_slice %arg11[%dma_wait3A_465, %dma_wait3A_466] : memref<16x128xi32, #tpu.memory_space<vmem>> -> memref<1x128xi32, #tpu.memory_space<vmem>>
      %dma_wait3A_468 = tpu.memref_squeeze %dma_wait3A_467 : memref<1x128xi32, #tpu.memory_space<vmem>> -> memref<128xi32, #tpu.memory_space<vmem>>
      %dma_wait3A_469 = arith.constant 0 : i32
      %dma_wait3A_470 = arith.constant 0 : i32
      %dma_wait3A_471 = tpu.memref_slice %arg16[%dma_wait3A_469, %dma_wait3A_470] : memref<10240x128xf32, #tpu.memory_space<vmem_shared>> -> memref<10240x128xf32, #tpu.memory_space<vmem_shared>>
      tpu.wait_indirect_dma semaphore(%arg20 : memref<!tpu.dma_semaphore, #tpu.memory_space<semaphore_mem>>) src(%arg13 : memref<128x128xf32, #tpu.memory_space<vmem>>) dst(%dma_wait3A_471 : memref<10240x128xf32, #tpu.memory_space<vmem_shared>>)
      %dma_start3A_472 = arith.constant 7 : i32
      %dma_start3A_473 = arith.constant 0 : i32
      %dma_start3A_474 = tpu.memref_slice %arg10[%dma_start3A_472, %dma_start3A_473] : memref<16x128xi32, #tpu.memory_space<vmem>> -> memref<1x128xi32, #tpu.memory_space<vmem>>
      %dma_start3A_475 = tpu.memref_squeeze %dma_start3A_474 : memref<1x128xi32, #tpu.memory_space<vmem>> -> memref<128xi32, #tpu.memory_space<vmem>>
      %dma_start3A_476 = arith.constant 0 : i32
      %dma_start3A_477 = arith.constant 0 : i32
      %dma_start3A_478 = tpu.memref_slice %arg2[%dma_start3A_476, %dma_start3A_477] : memref<10240x128xf32, #tpu.memory_space<hbm>> -> memref<10240x128xf32, #tpu.memory_space<hbm>>
      tpu.enqueue_indirect_dma source(%dma_start3A_478 : memref<10240x128xf32, #tpu.memory_space<hbm>>) target(%arg13 : memref<128x128xf32, #tpu.memory_space<vmem>>) offsets(%dma_start3A_475 : memref<128xi32, #tpu.memory_space<vmem>>) semaphore(%arg18 : memref<!tpu.dma_semaphore, #tpu.memory_space<semaphore_mem>>)
      %dma_start3A_479 = arith.constant 6 : i32
      %dma_start3A_480 = arith.constant 0 : i32
      %dma_start3A_481 = tpu.memref_slice %arg11[%dma_start3A_479, %dma_start3A_480] : memref<16x128xi32, #tpu.memory_space<vmem>> -> memref<1x128xi32, #tpu.memory_space<vmem>>
      %dma_start3A_482 = tpu.memref_squeeze %dma_start3A_481 : memref<1x128xi32, #tpu.memory_space<vmem>> -> memref<128xi32, #tpu.memory_space<vmem>>
      %dma_start3A_483 = arith.constant 0 : i32
      %dma_start3A_484 = arith.constant 0 : i32
      %dma_start3A_485 = tpu.memref_slice %arg16[%dma_start3A_483, %dma_start3A_484] : memref<10240x128xf32, #tpu.memory_space<vmem_shared>> -> memref<10240x128xf32, #tpu.memory_space<vmem_shared>>
      tpu.enqueue_indirect_dma source(%arg12 : memref<128x128xf32, #tpu.memory_space<vmem>>) target(%dma_start3A_485 : memref<10240x128xf32, #tpu.memory_space<vmem_shared>>) offsets(%dma_start3A_482 : memref<128xi32, #tpu.memory_space<vmem>>) semaphore(%arg19 : memref<!tpu.dma_semaphore, #tpu.memory_space<semaphore_mem>>) {add = true}
      %get3A_486 = arith.constant 6 : i32
      %get3A_487 = arith.index_cast %get3A_486 : i32 to index
      %get3A_488 = arith.constant 0 : index
      %get3A_489 = tpu.vector_load %arg11[%get3A_487, %get3A_488] {strides = array<i32>} : memref<16x128xi32, #tpu.memory_space<vmem>>, vector<16xi32>,
      tpu.vector_store_idx %arg14[%get3A_489], %broadcast_in_dim3A_10 {add = true} : memref<10240xf32, #tpu.memory_space<vmem>>[vector<16xi32>], vector<16xf32>,
      %get3A_490 = arith.constant 6 : i32
      %get3A_491 = arith.index_cast %get3A_490 : i32 to index
      %get3A_492 = arith.constant 16 : index
      %get3A_493 = tpu.vector_load %arg11[%get3A_491, %get3A_492] {strides = array<i32>} : memref<16x128xi32, #tpu.memory_space<vmem>>, vector<16xi32>,
      tpu.vector_store_idx %arg14[%get3A_493], %broadcast_in_dim3A_10 {add = true} : memref<10240xf32, #tpu.memory_space<vmem>>[vector<16xi32>], vector<16xf32>,
      %get3A_494 = arith.constant 6 : i32
      %get3A_495 = arith.index_cast %get3A_494 : i32 to index
      %get3A_496 = arith.constant 32 : index
      %get3A_497 = tpu.vector_load %arg11[%get3A_495, %get3A_496] {strides = array<i32>} : memref<16x128xi32, #tpu.memory_space<vmem>>, vector<16xi32>,
      tpu.vector_store_idx %arg14[%get3A_497], %broadcast_in_dim3A_10 {add = true} : memref<10240xf32, #tpu.memory_space<vmem>>[vector<16xi32>], vector<16xf32>,
      %get3A_498 = arith.constant 6 : i32
      %get3A_499 = arith.index_cast %get3A_498 : i32 to index
      %get3A_500 = arith.constant 48 : index
      %get3A_501 = tpu.vector_load %arg11[%get3A_499, %get3A_500] {strides = array<i32>} : memref<16x128xi32, #tpu.memory_space<vmem>>, vector<16xi32>,
      tpu.vector_store_idx %arg14[%get3A_501], %broadcast_in_dim3A_10 {add = true} : memref<10240xf32, #tpu.memory_space<vmem>>[vector<16xi32>], vector<16xf32>,
      %get3A_502 = arith.constant 6 : i32
      %get3A_503 = arith.index_cast %get3A_502 : i32 to index
      %get3A_504 = arith.constant 64 : index
      %get3A_505 = tpu.vector_load %arg11[%get3A_503, %get3A_504] {strides = array<i32>} : memref<16x128xi32, #tpu.memory_space<vmem>>, vector<16xi32>,
      tpu.vector_store_idx %arg14[%get3A_505], %broadcast_in_dim3A_10 {add = true} : memref<10240xf32, #tpu.memory_space<vmem>>[vector<16xi32>], vector<16xf32>,
      %get3A_506 = arith.constant 6 : i32
      %get3A_507 = arith.index_cast %get3A_506 : i32 to index
      %get3A_508 = arith.constant 80 : index
      %get3A_509 = tpu.vector_load %arg11[%get3A_507, %get3A_508] {strides = array<i32>} : memref<16x128xi32, #tpu.memory_space<vmem>>, vector<16xi32>,
      tpu.vector_store_idx %arg14[%get3A_509], %broadcast_in_dim3A_10 {add = true} : memref<10240xf32, #tpu.memory_space<vmem>>[vector<16xi32>], vector<16xf32>,
      %get3A_510 = arith.constant 6 : i32
      %get3A_511 = arith.index_cast %get3A_510 : i32 to index
      %get3A_512 = arith.constant 96 : index
      %get3A_513 = tpu.vector_load %arg11[%get3A_511, %get3A_512] {strides = array<i32>} : memref<16x128xi32, #tpu.memory_space<vmem>>, vector<16xi32>,
      tpu.vector_store_idx %arg14[%get3A_513], %broadcast_in_dim3A_10 {add = true} : memref<10240xf32, #tpu.memory_space<vmem>>[vector<16xi32>], vector<16xf32>,
      %get3A_514 = arith.constant 6 : i32
      %get3A_515 = arith.index_cast %get3A_514 : i32 to index
      %get3A_516 = arith.constant 112 : index
      %get3A_517 = tpu.vector_load %arg11[%get3A_515, %get3A_516] {strides = array<i32>} : memref<16x128xi32, #tpu.memory_space<vmem>>, vector<16xi32>,
      tpu.vector_store_idx %arg14[%get3A_517], %broadcast_in_dim3A_10 {add = true} : memref<10240xf32, #tpu.memory_space<vmem>>[vector<16xi32>], vector<16xf32>,
      %dma_wait3A_518 = arith.constant 7 : i32
      %dma_wait3A_519 = arith.constant 0 : i32
      %dma_wait3A_520 = tpu.memref_slice %arg10[%dma_wait3A_518, %dma_wait3A_519] : memref<16x128xi32, #tpu.memory_space<vmem>> -> memref<1x128xi32, #tpu.memory_space<vmem>>
      %dma_wait3A_521 = tpu.memref_squeeze %dma_wait3A_520 : memref<1x128xi32, #tpu.memory_space<vmem>> -> memref<128xi32, #tpu.memory_space<vmem>>
      %dma_wait3A_522 = arith.constant 0 : i32
      %dma_wait3A_523 = arith.constant 0 : i32
      %dma_wait3A_524 = tpu.memref_slice %arg2[%dma_wait3A_522, %dma_wait3A_523] : memref<10240x128xf32, #tpu.memory_space<hbm>> -> memref<10240x128xf32, #tpu.memory_space<hbm>>
      tpu.wait_indirect_dma semaphore(%arg18 : memref<!tpu.dma_semaphore, #tpu.memory_space<semaphore_mem>>) src(%dma_wait3A_524 : memref<10240x128xf32, #tpu.memory_space<hbm>>) dst(%arg13 : memref<128x128xf32, #tpu.memory_space<vmem>>)
      %dma_wait3A_525 = arith.constant 6 : i32
      %dma_wait3A_526 = arith.constant 0 : i32
      %dma_wait3A_527 = tpu.memref_slice %arg11[%dma_wait3A_525, %dma_wait3A_526] : memref<16x128xi32, #tpu.memory_space<vmem>> -> memref<1x128xi32, #tpu.memory_space<vmem>>
      %dma_wait3A_528 = tpu.memref_squeeze %dma_wait3A_527 : memref<1x128xi32, #tpu.memory_space<vmem>> -> memref<128xi32, #tpu.memory_space<vmem>>
      %dma_wait3A_529 = arith.constant 0 : i32
      %dma_wait3A_530 = arith.constant 0 : i32
      %dma_wait3A_531 = tpu.memref_slice %arg16[%dma_wait3A_529, %dma_wait3A_530] : memref<10240x128xf32, #tpu.memory_space<vmem_shared>> -> memref<10240x128xf32, #tpu.memory_space<vmem_shared>>
      tpu.wait_indirect_dma semaphore(%arg19 : memref<!tpu.dma_semaphore, #tpu.memory_space<semaphore_mem>>) src(%arg12 : memref<128x128xf32, #tpu.memory_space<vmem>>) dst(%dma_wait3A_531 : memref<10240x128xf32, #tpu.memory_space<vmem_shared>>)
      %dma_start3A_532 = arith.constant 8 : i32
      %dma_start3A_533 = arith.constant 0 : i32
      %dma_start3A_534 = tpu.memref_slice %arg10[%dma_start3A_532, %dma_start3A_533] : memref<16x128xi32, #tpu.memory_space<vmem>> -> memref<1x128xi32, #tpu.memory_space<vmem>>
      %dma_start3A_535 = tpu.memref_squeeze %dma_start3A_534 : memref<1x128xi32, #tpu.memory_space<vmem>> -> memref<128xi32, #tpu.memory_space<vmem>>
      %dma_start3A_536 = arith.constant 0 : i32
      %dma_start3A_537 = arith.constant 0 : i32
      %dma_start3A_538 = tpu.memref_slice %arg2[%dma_start3A_536, %dma_start3A_537] : memref<10240x128xf32, #tpu.memory_space<hbm>> -> memref<10240x128xf32, #tpu.memory_space<hbm>>
      tpu.enqueue_indirect_dma source(%dma_start3A_538 : memref<10240x128xf32, #tpu.memory_space<hbm>>) target(%arg12 : memref<128x128xf32, #tpu.memory_space<vmem>>) offsets(%dma_start3A_535 : memref<128xi32, #tpu.memory_space<vmem>>) semaphore(%arg17 : memref<!tpu.dma_semaphore, #tpu.memory_space<semaphore_mem>>)
      %dma_start3A_539 = arith.constant 7 : i32
      %dma_start3A_540 = arith.constant 0 : i32
      %dma_start3A_541 = tpu.memref_slice %arg11[%dma_start3A_539, %dma_start3A_540] : memref<16x128xi32, #tpu.memory_space<vmem>> -> memref<1x128xi32, #tpu.memory_space<vmem>>
      %dma_start3A_542 = tpu.memref_squeeze %dma_start3A_541 : memref<1x128xi32, #tpu.memory_space<vmem>> -> memref<128xi32, #tpu.memory_space<vmem>>
      %dma_start3A_543 = arith.constant 0 : i32
      %dma_start3A_544 = arith.constant 0 : i32
      %dma_start3A_545 = tpu.memref_slice %arg16[%dma_start3A_543, %dma_start3A_544] : memref<10240x128xf32, #tpu.memory_space<vmem_shared>> -> memref<10240x128xf32, #tpu.memory_space<vmem_shared>>
      tpu.enqueue_indirect_dma source(%arg13 : memref<128x128xf32, #tpu.memory_space<vmem>>) target(%dma_start3A_545 : memref<10240x128xf32, #tpu.memory_space<vmem_shared>>) offsets(%dma_start3A_542 : memref<128xi32, #tpu.memory_space<vmem>>) semaphore(%arg20 : memref<!tpu.dma_semaphore, #tpu.memory_space<semaphore_mem>>) {add = true}
      %get3A_546 = arith.constant 7 : i32
      %get3A_547 = arith.index_cast %get3A_546 : i32 to index
      %get3A_548 = arith.constant 0 : index
      %get3A_549 = tpu.vector_load %arg11[%get3A_547, %get3A_548] {strides = array<i32>} : memref<16x128xi32, #tpu.memory_space<vmem>>, vector<16xi32>,
      tpu.vector_store_idx %arg14[%get3A_549], %broadcast_in_dim3A_10 {add = true} : memref<10240xf32, #tpu.memory_space<vmem>>[vector<16xi32>], vector<16xf32>,
      %get3A_550 = arith.constant 7 : i32
      %get3A_551 = arith.index_cast %get3A_550 : i32 to index
      %get3A_552 = arith.constant 16 : index
      %get3A_553 = tpu.vector_load %arg11[%get3A_551, %get3A_552] {strides = array<i32>} : memref<16x128xi32, #tpu.memory_space<vmem>>, vector<16xi32>,
      tpu.vector_store_idx %arg14[%get3A_553], %broadcast_in_dim3A_10 {add = true} : memref<10240xf32, #tpu.memory_space<vmem>>[vector<16xi32>], vector<16xf32>,
      %get3A_554 = arith.constant 7 : i32
      %get3A_555 = arith.index_cast %get3A_554 : i32 to index
      %get3A_556 = arith.constant 32 : index
      %get3A_557 = tpu.vector_load %arg11[%get3A_555, %get3A_556] {strides = array<i32>} : memref<16x128xi32, #tpu.memory_space<vmem>>, vector<16xi32>,
      tpu.vector_store_idx %arg14[%get3A_557], %broadcast_in_dim3A_10 {add = true} : memref<10240xf32, #tpu.memory_space<vmem>>[vector<16xi32>], vector<16xf32>,
      %get3A_558 = arith.constant 7 : i32
      %get3A_559 = arith.index_cast %get3A_558 : i32 to index
      %get3A_560 = arith.constant 48 : index
      %get3A_561 = tpu.vector_load %arg11[%get3A_559, %get3A_560] {strides = array<i32>} : memref<16x128xi32, #tpu.memory_space<vmem>>, vector<16xi32>,
      tpu.vector_store_idx %arg14[%get3A_561], %broadcast_in_dim3A_10 {add = true} : memref<10240xf32, #tpu.memory_space<vmem>>[vector<16xi32>], vector<16xf32>,
      %get3A_562 = arith.constant 7 : i32
      %get3A_563 = arith.index_cast %get3A_562 : i32 to index
      %get3A_564 = arith.constant 64 : index
      %get3A_565 = tpu.vector_load %arg11[%get3A_563, %get3A_564] {strides = array<i32>} : memref<16x128xi32, #tpu.memory_space<vmem>>, vector<16xi32>,
      tpu.vector_store_idx %arg14[%get3A_565], %broadcast_in_dim3A_10 {add = true} : memref<10240xf32, #tpu.memory_space<vmem>>[vector<16xi32>], vector<16xf32>,
      %get3A_566 = arith.constant 7 : i32
      %get3A_567 = arith.index_cast %get3A_566 : i32 to index
      %get3A_568 = arith.constant 80 : index
      %get3A_569 = tpu.vector_load %arg11[%get3A_567, %get3A_568] {strides = array<i32>} : memref<16x128xi32, #tpu.memory_space<vmem>>, vector<16xi32>,
      tpu.vector_store_idx %arg14[%get3A_569], %broadcast_in_dim3A_10 {add = true} : memref<10240xf32, #tpu.memory_space<vmem>>[vector<16xi32>], vector<16xf32>,
      %get3A_570 = arith.constant 7 : i32
      %get3A_571 = arith.index_cast %get3A_570 : i32 to index
      %get3A_572 = arith.constant 96 : index
      %get3A_573 = tpu.vector_load %arg11[%get3A_571, %get3A_572] {strides = array<i32>} : memref<16x128xi32, #tpu.memory_space<vmem>>, vector<16xi32>,
      tpu.vector_store_idx %arg14[%get3A_573], %broadcast_in_dim3A_10 {add = true} : memref<10240xf32, #tpu.memory_space<vmem>>[vector<16xi32>], vector<16xf32>,
      %get3A_574 = arith.constant 7 : i32
      %get3A_575 = arith.index_cast %get3A_574 : i32 to index
      %get3A_576 = arith.constant 112 : index
      %get3A_577 = tpu.vector_load %arg11[%get3A_575, %get3A_576] {strides = array<i32>} : memref<16x128xi32, #tpu.memory_space<vmem>>, vector<16xi32>,
      tpu.vector_store_idx %arg14[%get3A_577], %broadcast_in_dim3A_10 {add = true} : memref<10240xf32, #tpu.memory_space<vmem>>[vector<16xi32>], vector<16xf32>,
      %dma_wait3A_578 = arith.constant 8 : i32
      %dma_wait3A_579 = arith.constant 0 : i32
      %dma_wait3A_580 = tpu.memref_slice %arg10[%dma_wait3A_578, %dma_wait3A_579] : memref<16x128xi32, #tpu.memory_space<vmem>> -> memref<1x128xi32, #tpu.memory_space<vmem>>
      %dma_wait3A_581 = tpu.memref_squeeze %dma_wait3A_580 : memref<1x128xi32, #tpu.memory_space<vmem>> -> memref<128xi32, #tpu.memory_space<vmem>>
      %dma_wait3A_582 = arith.constant 0 : i32
      %dma_wait3A_583 = arith.constant 0 : i32
      %dma_wait3A_584 = tpu.memref_slice %arg2[%dma_wait3A_582, %dma_wait3A_583] : memref<10240x128xf32, #tpu.memory_space<hbm>> -> memref<10240x128xf32, #tpu.memory_space<hbm>>
      tpu.wait_indirect_dma semaphore(%arg17 : memref<!tpu.dma_semaphore, #tpu.memory_space<semaphore_mem>>) src(%dma_wait3A_584 : memref<10240x128xf32, #tpu.memory_space<hbm>>) dst(%arg12 : memref<128x128xf32, #tpu.memory_space<vmem>>)
      %dma_wait3A_585 = arith.constant 7 : i32
      %dma_wait3A_586 = arith.constant 0 : i32
      %dma_wait3A_587 = tpu.memref_slice %arg11[%dma_wait3A_585, %dma_wait3A_586] : memref<16x128xi32, #tpu.memory_space<vmem>> -> memref<1x128xi32, #tpu.memory_space<vmem>>
      %dma_wait3A_588 = tpu.memref_squeeze %dma_wait3A_587 : memref<1x128xi32, #tpu.memory_space<vmem>> -> memref<128xi32, #tpu.memory_space<vmem>>
      %dma_wait3A_589 = arith.constant 0 : i32
      %dma_wait3A_590 = arith.constant 0 : i32
      %dma_wait3A_591 = tpu.memref_slice %arg16[%dma_wait3A_589, %dma_wait3A_590] : memref<10240x128xf32, #tpu.memory_space<vmem_shared>> -> memref<10240x128xf32, #tpu.memory_space<vmem_shared>>
      tpu.wait_indirect_dma semaphore(%arg20 : memref<!tpu.dma_semaphore, #tpu.memory_space<semaphore_mem>>) src(%arg13 : memref<128x128xf32, #tpu.memory_space<vmem>>) dst(%dma_wait3A_591 : memref<10240x128xf32, #tpu.memory_space<vmem_shared>>)
      %dma_start3A_592 = arith.constant 9 : i32
      %dma_start3A_593 = arith.constant 0 : i32
      %dma_start3A_594 = tpu.memref_slice %arg10[%dma_start3A_592, %dma_start3A_593] : memref<16x128xi32, #tpu.memory_space<vmem>> -> memref<1x128xi32, #tpu.memory_space<vmem>>
      %dma_start3A_595 = tpu.memref_squeeze %dma_start3A_594 : memref<1x128xi32, #tpu.memory_space<vmem>> -> memref<128xi32, #tpu.memory_space<vmem>>
      %dma_start3A_596 = arith.constant 0 : i32
      %dma_start3A_597 = arith.constant 0 : i32
      %dma_start3A_598 = tpu.memref_slice %arg2[%dma_start3A_596, %dma_start3A_597] : memref<10240x128xf32, #tpu.memory_space<hbm>> -> memref<10240x128xf32, #tpu.memory_space<hbm>>
      tpu.enqueue_indirect_dma source(%dma_start3A_598 : memref<10240x128xf32, #tpu.memory_space<hbm>>) target(%arg13 : memref<128x128xf32, #tpu.memory_space<vmem>>) offsets(%dma_start3A_595 : memref<128xi32, #tpu.memory_space<vmem>>) semaphore(%arg18 : memref<!tpu.dma_semaphore, #tpu.memory_space<semaphore_mem>>)
      %dma_start3A_599 = arith.constant 8 : i32
      %dma_start3A_600 = arith.constant 0 : i32
      %dma_start3A_601 = tpu.memref_slice %arg11[%dma_start3A_599, %dma_start3A_600] : memref<16x128xi32, #tpu.memory_space<vmem>> -> memref<1x128xi32, #tpu.memory_space<vmem>>
      %dma_start3A_602 = tpu.memref_squeeze %dma_start3A_601 : memref<1x128xi32, #tpu.memory_space<vmem>> -> memref<128xi32, #tpu.memory_space<vmem>>
      %dma_start3A_603 = arith.constant 0 : i32
      %dma_start3A_604 = arith.constant 0 : i32
      %dma_start3A_605 = tpu.memref_slice %arg16[%dma_start3A_603, %dma_start3A_604] : memref<10240x128xf32, #tpu.memory_space<vmem_shared>> -> memref<10240x128xf32, #tpu.memory_space<vmem_shared>>
      tpu.enqueue_indirect_dma source(%arg12 : memref<128x128xf32, #tpu.memory_space<vmem>>) target(%dma_start3A_605 : memref<10240x128xf32, #tpu.memory_space<vmem_shared>>) offsets(%dma_start3A_602 : memref<128xi32, #tpu.memory_space<vmem>>) semaphore(%arg19 : memref<!tpu.dma_semaphore, #tpu.memory_space<semaphore_mem>>) {add = true}
      %get3A_606 = arith.constant 8 : i32
      %get3A_607 = arith.index_cast %get3A_606 : i32 to index
      %get3A_608 = arith.constant 0 : index
      %get3A_609 = tpu.vector_load %arg11[%get3A_607, %get3A_608] {strides = array<i32>} : memref<16x128xi32, #tpu.memory_space<vmem>>, vector<16xi32>,
      tpu.vector_store_idx %arg14[%get3A_609], %broadcast_in_dim3A_10 {add = true} : memref<10240xf32, #tpu.memory_space<vmem>>[vector<16xi32>], vector<16xf32>,
      %get3A_610 = arith.constant 8 : i32
      %get3A_611 = arith.index_cast %get3A_610 : i32 to index
      %get3A_612 = arith.constant 16 : index
      %get3A_613 = tpu.vector_load %arg11[%get3A_611, %get3A_612] {strides = array<i32>} : memref<16x128xi32, #tpu.memory_space<vmem>>, vector<16xi32>,
      tpu.vector_store_idx %arg14[%get3A_613], %broadcast_in_dim3A_10 {add = true} : memref<10240xf32, #tpu.memory_space<vmem>>[vector<16xi32>], vector<16xf32>,
      %get3A_614 = arith.constant 8 : i32
      %get3A_615 = arith.index_cast %get3A_614 : i32 to index
      %get3A_616 = arith.constant 32 : index
      %get3A_617 = tpu.vector_load %arg11[%get3A_615, %get3A_616] {strides = array<i32>} : memref<16x128xi32, #tpu.memory_space<vmem>>, vector<16xi32>,
      tpu.vector_store_idx %arg14[%get3A_617], %broadcast_in_dim3A_10 {add = true} : memref<10240xf32, #tpu.memory_space<vmem>>[vector<16xi32>], vector<16xf32>,
      %get3A_618 = arith.constant 8 : i32
      %get3A_619 = arith.index_cast %get3A_618 : i32 to index
      %get3A_620 = arith.constant 48 : index
      %get3A_621 = tpu.vector_load %arg11[%get3A_619, %get3A_620] {strides = array<i32>} : memref<16x128xi32, #tpu.memory_space<vmem>>, vector<16xi32>,
      tpu.vector_store_idx %arg14[%get3A_621], %broadcast_in_dim3A_10 {add = true} : memref<10240xf32, #tpu.memory_space<vmem>>[vector<16xi32>], vector<16xf32>,
      %get3A_622 = arith.constant 8 : i32
      %get3A_623 = arith.index_cast %get3A_622 : i32 to index
      %get3A_624 = arith.constant 64 : index
      %get3A_625 = tpu.vector_load %arg11[%get3A_623, %get3A_624] {strides = array<i32>} : memref<16x128xi32, #tpu.memory_space<vmem>>, vector<16xi32>,
      tpu.vector_store_idx %arg14[%get3A_625], %broadcast_in_dim3A_10 {add = true} : memref<10240xf32, #tpu.memory_space<vmem>>[vector<16xi32>], vector<16xf32>,
      %get3A_626 = arith.constant 8 : i32
      %get3A_627 = arith.index_cast %get3A_626 : i32 to index
      %get3A_628 = arith.constant 80 : index
      %get3A_629 = tpu.vector_load %arg11[%get3A_627, %get3A_628] {strides = array<i32>} : memref<16x128xi32, #tpu.memory_space<vmem>>, vector<16xi32>,
      tpu.vector_store_idx %arg14[%get3A_629], %broadcast_in_dim3A_10 {add = true} : memref<10240xf32, #tpu.memory_space<vmem>>[vector<16xi32>], vector<16xf32>,
      %get3A_630 = arith.constant 8 : i32
      %get3A_631 = arith.index_cast %get3A_630 : i32 to index
      %get3A_632 = arith.constant 96 : index
      %get3A_633 = tpu.vector_load %arg11[%get3A_631, %get3A_632] {strides = array<i32>} : memref<16x128xi32, #tpu.memory_space<vmem>>, vector<16xi32>,
      tpu.vector_store_idx %arg14[%get3A_633], %broadcast_in_dim3A_10 {add = true} : memref<10240xf32, #tpu.memory_space<vmem>>[vector<16xi32>], vector<16xf32>,
      %get3A_634 = arith.constant 8 : i32
      %get3A_635 = arith.index_cast %get3A_634 : i32 to index
      %get3A_636 = arith.constant 112 : index
      %get3A_637 = tpu.vector_load %arg11[%get3A_635, %get3A_636] {strides = array<i32>} : memref<16x128xi32, #tpu.memory_space<vmem>>, vector<16xi32>,
      tpu.vector_store_idx %arg14[%get3A_637], %broadcast_in_dim3A_10 {add = true} : memref<10240xf32, #tpu.memory_space<vmem>>[vector<16xi32>], vector<16xf32>,
      %dma_wait3A_638 = arith.constant 9 : i32
      %dma_wait3A_639 = arith.constant 0 : i32
      %dma_wait3A_640 = tpu.memref_slice %arg10[%dma_wait3A_638, %dma_wait3A_639] : memref<16x128xi32, #tpu.memory_space<vmem>> -> memref<1x128xi32, #tpu.memory_space<vmem>>
      %dma_wait3A_641 = tpu.memref_squeeze %dma_wait3A_640 : memref<1x128xi32, #tpu.memory_space<vmem>> -> memref<128xi32, #tpu.memory_space<vmem>>
      %dma_wait3A_642 = arith.constant 0 : i32
      %dma_wait3A_643 = arith.constant 0 : i32
      %dma_wait3A_644 = tpu.memref_slice %arg2[%dma_wait3A_642, %dma_wait3A_643] : memref<10240x128xf32, #tpu.memory_space<hbm>> -> memref<10240x128xf32, #tpu.memory_space<hbm>>
      tpu.wait_indirect_dma semaphore(%arg18 : memref<!tpu.dma_semaphore, #tpu.memory_space<semaphore_mem>>) src(%dma_wait3A_644 : memref<10240x128xf32, #tpu.memory_space<hbm>>) dst(%arg13 : memref<128x128xf32, #tpu.memory_space<vmem>>)
      %dma_wait3A_645 = arith.constant 8 : i32
      %dma_wait3A_646 = arith.constant 0 : i32
      %dma_wait3A_647 = tpu.memref_slice %arg11[%dma_wait3A_645, %dma_wait3A_646] : memref<16x128xi32, #tpu.memory_space<vmem>> -> memref<1x128xi32, #tpu.memory_space<vmem>>
      %dma_wait3A_648 = tpu.memref_squeeze %dma_wait3A_647 : memref<1x128xi32, #tpu.memory_space<vmem>> -> memref<128xi32, #tpu.memory_space<vmem>>
      %dma_wait3A_649 = arith.constant 0 : i32
      %dma_wait3A_650 = arith.constant 0 : i32
      %dma_wait3A_651 = tpu.memref_slice %arg16[%dma_wait3A_649, %dma_wait3A_650] : memref<10240x128xf32, #tpu.memory_space<vmem_shared>> -> memref<10240x128xf32, #tpu.memory_space<vmem_shared>>
      tpu.wait_indirect_dma semaphore(%arg19 : memref<!tpu.dma_semaphore, #tpu.memory_space<semaphore_mem>>) src(%arg12 : memref<128x128xf32, #tpu.memory_space<vmem>>) dst(%dma_wait3A_651 : memref<10240x128xf32, #tpu.memory_space<vmem_shared>>)
      %dma_start3A_652 = arith.constant 10 : i32
      %dma_start3A_653 = arith.constant 0 : i32
      %dma_start3A_654 = tpu.memref_slice %arg10[%dma_start3A_652, %dma_start3A_653] : memref<16x128xi32, #tpu.memory_space<vmem>> -> memref<1x128xi32, #tpu.memory_space<vmem>>
      %dma_start3A_655 = tpu.memref_squeeze %dma_start3A_654 : memref<1x128xi32, #tpu.memory_space<vmem>> -> memref<128xi32, #tpu.memory_space<vmem>>
      %dma_start3A_656 = arith.constant 0 : i32
      %dma_start3A_657 = arith.constant 0 : i32
      %dma_start3A_658 = tpu.memref_slice %arg2[%dma_start3A_656, %dma_start3A_657] : memref<10240x128xf32, #tpu.memory_space<hbm>> -> memref<10240x128xf32, #tpu.memory_space<hbm>>
      tpu.enqueue_indirect_dma source(%dma_start3A_658 : memref<10240x128xf32, #tpu.memory_space<hbm>>) target(%arg12 : memref<128x128xf32, #tpu.memory_space<vmem>>) offsets(%dma_start3A_655 : memref<128xi32, #tpu.memory_space<vmem>>) semaphore(%arg17 : memref<!tpu.dma_semaphore, #tpu.memory_space<semaphore_mem>>)
      %dma_start3A_659 = arith.constant 9 : i32
      %dma_start3A_660 = arith.constant 0 : i32
      %dma_start3A_661 = tpu.memref_slice %arg11[%dma_start3A_659, %dma_start3A_660] : memref<16x128xi32, #tpu.memory_space<vmem>> -> memref<1x128xi32, #tpu.memory_space<vmem>>
      %dma_start3A_662 = tpu.memref_squeeze %dma_start3A_661 : memref<1x128xi32, #tpu.memory_space<vmem>> -> memref<128xi32, #tpu.memory_space<vmem>>
      %dma_start3A_663 = arith.constant 0 : i32
      %dma_start3A_664 = arith.constant 0 : i32
      %dma_start3A_665 = tpu.memref_slice %arg16[%dma_start3A_663, %dma_start3A_664] : memref<10240x128xf32, #tpu.memory_space<vmem_shared>> -> memref<10240x128xf32, #tpu.memory_space<vmem_shared>>
      tpu.enqueue_indirect_dma source(%arg13 : memref<128x128xf32, #tpu.memory_space<vmem>>) target(%dma_start3A_665 : memref<10240x128xf32, #tpu.memory_space<vmem_shared>>) offsets(%dma_start3A_662 : memref<128xi32, #tpu.memory_space<vmem>>) semaphore(%arg20 : memref<!tpu.dma_semaphore, #tpu.memory_space<semaphore_mem>>) {add = true}
      %get3A_666 = arith.constant 9 : i32
      %get3A_667 = arith.index_cast %get3A_666 : i32 to index
      %get3A_668 = arith.constant 0 : index
      %get3A_669 = tpu.vector_load %arg11[%get3A_667, %get3A_668] {strides = array<i32>} : memref<16x128xi32, #tpu.memory_space<vmem>>, vector<16xi32>,
      tpu.vector_store_idx %arg14[%get3A_669], %broadcast_in_dim3A_10 {add = true} : memref<10240xf32, #tpu.memory_space<vmem>>[vector<16xi32>], vector<16xf32>,
      %get3A_670 = arith.constant 9 : i32
      %get3A_671 = arith.index_cast %get3A_670 : i32 to index
      %get3A_672 = arith.constant 16 : index
      %get3A_673 = tpu.vector_load %arg11[%get3A_671, %get3A_672] {strides = array<i32>} : memref<16x128xi32, #tpu.memory_space<vmem>>, vector<16xi32>,
      tpu.vector_store_idx %arg14[%get3A_673], %broadcast_in_dim3A_10 {add = true} : memref<10240xf32, #tpu.memory_space<vmem>>[vector<16xi32>], vector<16xf32>,
      %get3A_674 = arith.constant 9 : i32
      %get3A_675 = arith.index_cast %get3A_674 : i32 to index
      %get3A_676 = arith.constant 32 : index
      %get3A_677 = tpu.vector_load %arg11[%get3A_675, %get3A_676] {strides = array<i32>} : memref<16x128xi32, #tpu.memory_space<vmem>>, vector<16xi32>,
      tpu.vector_store_idx %arg14[%get3A_677], %broadcast_in_dim3A_10 {add = true} : memref<10240xf32, #tpu.memory_space<vmem>>[vector<16xi32>], vector<16xf32>,
      %get3A_678 = arith.constant 9 : i32
      %get3A_679 = arith.index_cast %get3A_678 : i32 to index
      %get3A_680 = arith.constant 48 : index
      %get3A_681 = tpu.vector_load %arg11[%get3A_679, %get3A_680] {strides = array<i32>} : memref<16x128xi32, #tpu.memory_space<vmem>>, vector<16xi32>,
      tpu.vector_store_idx %arg14[%get3A_681], %broadcast_in_dim3A_10 {add = true} : memref<10240xf32, #tpu.memory_space<vmem>>[vector<16xi32>], vector<16xf32>,
      %get3A_682 = arith.constant 9 : i32
      %get3A_683 = arith.index_cast %get3A_682 : i32 to index
      %get3A_684 = arith.constant 64 : index
      %get3A_685 = tpu.vector_load %arg11[%get3A_683, %get3A_684] {strides = array<i32>} : memref<16x128xi32, #tpu.memory_space<vmem>>, vector<16xi32>,
      tpu.vector_store_idx %arg14[%get3A_685], %broadcast_in_dim3A_10 {add = true} : memref<10240xf32, #tpu.memory_space<vmem>>[vector<16xi32>], vector<16xf32>,
      %get3A_686 = arith.constant 9 : i32
      %get3A_687 = arith.index_cast %get3A_686 : i32 to index
      %get3A_688 = arith.constant 80 : index
      %get3A_689 = tpu.vector_load %arg11[%get3A_687, %get3A_688] {strides = array<i32>} : memref<16x128xi32, #tpu.memory_space<vmem>>, vector<16xi32>,
      tpu.vector_store_idx %arg14[%get3A_689], %broadcast_in_dim3A_10 {add = true} : memref<10240xf32, #tpu.memory_space<vmem>>[vector<16xi32>], vector<16xf32>,
      %get3A_690 = arith.constant 9 : i32
      %get3A_691 = arith.index_cast %get3A_690 : i32 to index
      %get3A_692 = arith.constant 96 : index
      %get3A_693 = tpu.vector_load %arg11[%get3A_691, %get3A_692] {strides = array<i32>} : memref<16x128xi32, #tpu.memory_space<vmem>>, vector<16xi32>,
      tpu.vector_store_idx %arg14[%get3A_693], %broadcast_in_dim3A_10 {add = true} : memref<10240xf32, #tpu.memory_space<vmem>>[vector<16xi32>], vector<16xf32>,
      %get3A_694 = arith.constant 9 : i32
      %get3A_695 = arith.index_cast %get3A_694 : i32 to index
      %get3A_696 = arith.constant 112 : index
      %get3A_697 = tpu.vector_load %arg11[%get3A_695, %get3A_696] {strides = array<i32>} : memref<16x128xi32, #tpu.memory_space<vmem>>, vector<16xi32>,
      tpu.vector_store_idx %arg14[%get3A_697], %broadcast_in_dim3A_10 {add = true} : memref<10240xf32, #tpu.memory_space<vmem>>[vector<16xi32>], vector<16xf32>,
      %dma_wait3A_698 = arith.constant 10 : i32
      %dma_wait3A_699 = arith.constant 0 : i32
      %dma_wait3A_700 = tpu.memref_slice %arg10[%dma_wait3A_698, %dma_wait3A_699] : memref<16x128xi32, #tpu.memory_space<vmem>> -> memref<1x128xi32, #tpu.memory_space<vmem>>
      %dma_wait3A_701 = tpu.memref_squeeze %dma_wait3A_700 : memref<1x128xi32, #tpu.memory_space<vmem>> -> memref<128xi32, #tpu.memory_space<vmem>>
      %dma_wait3A_702 = arith.constant 0 : i32
      %dma_wait3A_703 = arith.constant 0 : i32
      %dma_wait3A_704 = tpu.memref_slice %arg2[%dma_wait3A_702, %dma_wait3A_703] : memref<10240x128xf32, #tpu.memory_space<hbm>> -> memref<10240x128xf32, #tpu.memory_space<hbm>>
      tpu.wait_indirect_dma semaphore(%arg17 : memref<!tpu.dma_semaphore, #tpu.memory_space<semaphore_mem>>) src(%dma_wait3A_704 : memref<10240x128xf32, #tpu.memory_space<hbm>>) dst(%arg12 : memref<128x128xf32, #tpu.memory_space<vmem>>)
      %dma_wait3A_705 = arith.constant 9 : i32
      %dma_wait3A_706 = arith.constant 0 : i32
      %dma_wait3A_707 = tpu.memref_slice %arg11[%dma_wait3A_705, %dma_wait3A_706] : memref<16x128xi32, #tpu.memory_space<vmem>> -> memref<1x128xi32, #tpu.memory_space<vmem>>
      %dma_wait3A_708 = tpu.memref_squeeze %dma_wait3A_707 : memref<1x128xi32, #tpu.memory_space<vmem>> -> memref<128xi32, #tpu.memory_space<vmem>>
      %dma_wait3A_709 = arith.constant 0 : i32
      %dma_wait3A_710 = arith.constant 0 : i32
      %dma_wait3A_711 = tpu.memref_slice %arg16[%dma_wait3A_709, %dma_wait3A_710] : memref<10240x128xf32, #tpu.memory_space<vmem_shared>> -> memref<10240x128xf32, #tpu.memory_space<vmem_shared>>
      tpu.wait_indirect_dma semaphore(%arg20 : memref<!tpu.dma_semaphore, #tpu.memory_space<semaphore_mem>>) src(%arg13 : memref<128x128xf32, #tpu.memory_space<vmem>>) dst(%dma_wait3A_711 : memref<10240x128xf32, #tpu.memory_space<vmem_shared>>)
      %dma_start3A_712 = arith.constant 11 : i32
      %dma_start3A_713 = arith.constant 0 : i32
      %dma_start3A_714 = tpu.memref_slice %arg10[%dma_start3A_712, %dma_start3A_713] : memref<16x128xi32, #tpu.memory_space<vmem>> -> memref<1x128xi32, #tpu.memory_space<vmem>>
      %dma_start3A_715 = tpu.memref_squeeze %dma_start3A_714 : memref<1x128xi32, #tpu.memory_space<vmem>> -> memref<128xi32, #tpu.memory_space<vmem>>
      %dma_start3A_716 = arith.constant 0 : i32
      %dma_start3A_717 = arith.constant 0 : i32
      %dma_start3A_718 = tpu.memref_slice %arg2[%dma_start3A_716, %dma_start3A_717] : memref<10240x128xf32, #tpu.memory_space<hbm>> -> memref<10240x128xf32, #tpu.memory_space<hbm>>
      tpu.enqueue_indirect_dma source(%dma_start3A_718 : memref<10240x128xf32, #tpu.memory_space<hbm>>) target(%arg13 : memref<128x128xf32, #tpu.memory_space<vmem>>) offsets(%dma_start3A_715 : memref<128xi32, #tpu.memory_space<vmem>>) semaphore(%arg18 : memref<!tpu.dma_semaphore, #tpu.memory_space<semaphore_mem>>)
      %dma_start3A_719 = arith.constant 10 : i32
      %dma_start3A_720 = arith.constant 0 : i32
      %dma_start3A_721 = tpu.memref_slice %arg11[%dma_start3A_719, %dma_start3A_720] : memref<16x128xi32, #tpu.memory_space<vmem>> -> memref<1x128xi32, #tpu.memory_space<vmem>>
      %dma_start3A_722 = tpu.memref_squeeze %dma_start3A_721 : memref<1x128xi32, #tpu.memory_space<vmem>> -> memref<128xi32, #tpu.memory_space<vmem>>
      %dma_start3A_723 = arith.constant 0 : i32
      %dma_start3A_724 = arith.constant 0 : i32
      %dma_start3A_725 = tpu.memref_slice %arg16[%dma_start3A_723, %dma_start3A_724] : memref<10240x128xf32, #tpu.memory_space<vmem_shared>> -> memref<10240x128xf32, #tpu.memory_space<vmem_shared>>
      tpu.enqueue_indirect_dma source(%arg12 : memref<128x128xf32, #tpu.memory_space<vmem>>) target(%dma_start3A_725 : memref<10240x128xf32, #tpu.memory_space<vmem_shared>>) offsets(%dma_start3A_722 : memref<128xi32, #tpu.memory_space<vmem>>) semaphore(%arg19 : memref<!tpu.dma_semaphore, #tpu.memory_space<semaphore_mem>>) {add = true}
      %get3A_726 = arith.constant 10 : i32
      %get3A_727 = arith.index_cast %get3A_726 : i32 to index
      %get3A_728 = arith.constant 0 : index
      %get3A_729 = tpu.vector_load %arg11[%get3A_727, %get3A_728] {strides = array<i32>} : memref<16x128xi32, #tpu.memory_space<vmem>>, vector<16xi32>,
      tpu.vector_store_idx %arg14[%get3A_729], %broadcast_in_dim3A_10 {add = true} : memref<10240xf32, #tpu.memory_space<vmem>>[vector<16xi32>], vector<16xf32>,
      %get3A_730 = arith.constant 10 : i32
      %get3A_731 = arith.index_cast %get3A_730 : i32 to index
      %get3A_732 = arith.constant 16 : index
      %get3A_733 = tpu.vector_load %arg11[%get3A_731, %get3A_732] {strides = array<i32>} : memref<16x128xi32, #tpu.memory_space<vmem>>, vector<16xi32>,
      tpu.vector_store_idx %arg14[%get3A_733], %broadcast_in_dim3A_10 {add = true} : memref<10240xf32, #tpu.memory_space<vmem>>[vector<16xi32>], vector<16xf32>,
      %get3A_734 = arith.constant 10 : i32
      %get3A_735 = arith.index_cast %get3A_734 : i32 to index
      %get3A_736 = arith.constant 32 : index
      %get3A_737 = tpu.vector_load %arg11[%get3A_735, %get3A_736] {strides = array<i32>} : memref<16x128xi32, #tpu.memory_space<vmem>>, vector<16xi32>,
      tpu.vector_store_idx %arg14[%get3A_737], %broadcast_in_dim3A_10 {add = true} : memref<10240xf32, #tpu.memory_space<vmem>>[vector<16xi32>], vector<16xf32>,
      %get3A_738 = arith.constant 10 : i32
      %get3A_739 = arith.index_cast %get3A_738 : i32 to index
      %get3A_740 = arith.constant 48 : index
      %get3A_741 = tpu.vector_load %arg11[%get3A_739, %get3A_740] {strides = array<i32>} : memref<16x128xi32, #tpu.memory_space<vmem>>, vector<16xi32>,
      tpu.vector_store_idx %arg14[%get3A_741], %broadcast_in_dim3A_10 {add = true} : memref<10240xf32, #tpu.memory_space<vmem>>[vector<16xi32>], vector<16xf32>,
      %get3A_742 = arith.constant 10 : i32
      %get3A_743 = arith.index_cast %get3A_742 : i32 to index
      %get3A_744 = arith.constant 64 : index
      %get3A_745 = tpu.vector_load %arg11[%get3A_743, %get3A_744] {strides = array<i32>} : memref<16x128xi32, #tpu.memory_space<vmem>>, vector<16xi32>,
      tpu.vector_store_idx %arg14[%get3A_745], %broadcast_in_dim3A_10 {add = true} : memref<10240xf32, #tpu.memory_space<vmem>>[vector<16xi32>], vector<16xf32>,
      %get3A_746 = arith.constant 10 : i32
      %get3A_747 = arith.index_cast %get3A_746 : i32 to index
      %get3A_748 = arith.constant 80 : index
      %get3A_749 = tpu.vector_load %arg11[%get3A_747, %get3A_748] {strides = array<i32>} : memref<16x128xi32, #tpu.memory_space<vmem>>, vector<16xi32>,
      tpu.vector_store_idx %arg14[%get3A_749], %broadcast_in_dim3A_10 {add = true} : memref<10240xf32, #tpu.memory_space<vmem>>[vector<16xi32>], vector<16xf32>,
      %get3A_750 = arith.constant 10 : i32
      %get3A_751 = arith.index_cast %get3A_750 : i32 to index
      %get3A_752 = arith.constant 96 : index
      %get3A_753 = tpu.vector_load %arg11[%get3A_751, %get3A_752] {strides = array<i32>} : memref<16x128xi32, #tpu.memory_space<vmem>>, vector<16xi32>,
      tpu.vector_store_idx %arg14[%get3A_753], %broadcast_in_dim3A_10 {add = true} : memref<10240xf32, #tpu.memory_space<vmem>>[vector<16xi32>], vector<16xf32>,
      %get3A_754 = arith.constant 10 : i32
      %get3A_755 = arith.index_cast %get3A_754 : i32 to index
      %get3A_756 = arith.constant 112 : index
      %get3A_757 = tpu.vector_load %arg11[%get3A_755, %get3A_756] {strides = array<i32>} : memref<16x128xi32, #tpu.memory_space<vmem>>, vector<16xi32>,
      tpu.vector_store_idx %arg14[%get3A_757], %broadcast_in_dim3A_10 {add = true} : memref<10240xf32, #tpu.memory_space<vmem>>[vector<16xi32>], vector<16xf32>,
      %dma_wait3A_758 = arith.constant 11 : i32
      %dma_wait3A_759 = arith.constant 0 : i32
      %dma_wait3A_760 = tpu.memref_slice %arg10[%dma_wait3A_758, %dma_wait3A_759] : memref<16x128xi32, #tpu.memory_space<vmem>> -> memref<1x128xi32, #tpu.memory_space<vmem>>
      %dma_wait3A_761 = tpu.memref_squeeze %dma_wait3A_760 : memref<1x128xi32, #tpu.memory_space<vmem>> -> memref<128xi32, #tpu.memory_space<vmem>>
      %dma_wait3A_762 = arith.constant 0 : i32
      %dma_wait3A_763 = arith.constant 0 : i32
      %dma_wait3A_764 = tpu.memref_slice %arg2[%dma_wait3A_762, %dma_wait3A_763] : memref<10240x128xf32, #tpu.memory_space<hbm>> -> memref<10240x128xf32, #tpu.memory_space<hbm>>
      tpu.wait_indirect_dma semaphore(%arg18 : memref<!tpu.dma_semaphore, #tpu.memory_space<semaphore_mem>>) src(%dma_wait3A_764 : memref<10240x128xf32, #tpu.memory_space<hbm>>) dst(%arg13 : memref<128x128xf32, #tpu.memory_space<vmem>>)
      %dma_wait3A_765 = arith.constant 10 : i32
      %dma_wait3A_766 = arith.constant 0 : i32
      %dma_wait3A_767 = tpu.memref_slice %arg11[%dma_wait3A_765, %dma_wait3A_766] : memref<16x128xi32, #tpu.memory_space<vmem>> -> memref<1x128xi32, #tpu.memory_space<vmem>>
      %dma_wait3A_768 = tpu.memref_squeeze %dma_wait3A_767 : memref<1x128xi32, #tpu.memory_space<vmem>> -> memref<128xi32, #tpu.memory_space<vmem>>
      %dma_wait3A_769 = arith.constant 0 : i32
      %dma_wait3A_770 = arith.constant 0 : i32
      %dma_wait3A_771 = tpu.memref_slice %arg16[%dma_wait3A_769, %dma_wait3A_770] : memref<10240x128xf32, #tpu.memory_space<vmem_shared>> -> memref<10240x128xf32, #tpu.memory_space<vmem_shared>>
      tpu.wait_indirect_dma semaphore(%arg19 : memref<!tpu.dma_semaphore, #tpu.memory_space<semaphore_mem>>) src(%arg12 : memref<128x128xf32, #tpu.memory_space<vmem>>) dst(%dma_wait3A_771 : memref<10240x128xf32, #tpu.memory_space<vmem_shared>>)
      %dma_start3A_772 = arith.constant 12 : i32
      %dma_start3A_773 = arith.constant 0 : i32
      %dma_start3A_774 = tpu.memref_slice %arg10[%dma_start3A_772, %dma_start3A_773] : memref<16x128xi32, #tpu.memory_space<vmem>> -> memref<1x128xi32, #tpu.memory_space<vmem>>
      %dma_start3A_775 = tpu.memref_squeeze %dma_start3A_774 : memref<1x128xi32, #tpu.memory_space<vmem>> -> memref<128xi32, #tpu.memory_space<vmem>>
      %dma_start3A_776 = arith.constant 0 : i32
      %dma_start3A_777 = arith.constant 0 : i32
      %dma_start3A_778 = tpu.memref_slice %arg2[%dma_start3A_776, %dma_start3A_777] : memref<10240x128xf32, #tpu.memory_space<hbm>> -> memref<10240x128xf32, #tpu.memory_space<hbm>>
      tpu.enqueue_indirect_dma source(%dma_start3A_778 : memref<10240x128xf32, #tpu.memory_space<hbm>>) target(%arg12 : memref<128x128xf32, #tpu.memory_space<vmem>>) offsets(%dma_start3A_775 : memref<128xi32, #tpu.memory_space<vmem>>) semaphore(%arg17 : memref<!tpu.dma_semaphore, #tpu.memory_space<semaphore_mem>>)
      %dma_start3A_779 = arith.constant 11 : i32
      %dma_start3A_780 = arith.constant 0 : i32
      %dma_start3A_781 = tpu.memref_slice %arg11[%dma_start3A_779, %dma_start3A_780] : memref<16x128xi32, #tpu.memory_space<vmem>> -> memref<1x128xi32, #tpu.memory_space<vmem>>
      %dma_start3A_782 = tpu.memref_squeeze %dma_start3A_781 : memref<1x128xi32, #tpu.memory_space<vmem>> -> memref<128xi32, #tpu.memory_space<vmem>>
      %dma_start3A_783 = arith.constant 0 : i32
      %dma_start3A_784 = arith.constant 0 : i32
      %dma_start3A_785 = tpu.memref_slice %arg16[%dma_start3A_783, %dma_start3A_784] : memref<10240x128xf32, #tpu.memory_space<vmem_shared>> -> memref<10240x128xf32, #tpu.memory_space<vmem_shared>>
      tpu.enqueue_indirect_dma source(%arg13 : memref<128x128xf32, #tpu.memory_space<vmem>>) target(%dma_start3A_785 : memref<10240x128xf32, #tpu.memory_space<vmem_shared>>) offsets(%dma_start3A_782 : memref<128xi32, #tpu.memory_space<vmem>>) semaphore(%arg20 : memref<!tpu.dma_semaphore, #tpu.memory_space<semaphore_mem>>) {add = true}
      %get3A_786 = arith.constant 11 : i32
      %get3A_787 = arith.index_cast %get3A_786 : i32 to index
      %get3A_788 = arith.constant 0 : index
      %get3A_789 = tpu.vector_load %arg11[%get3A_787, %get3A_788] {strides = array<i32>} : memref<16x128xi32, #tpu.memory_space<vmem>>, vector<16xi32>,
      tpu.vector_store_idx %arg14[%get3A_789], %broadcast_in_dim3A_10 {add = true} : memref<10240xf32, #tpu.memory_space<vmem>>[vector<16xi32>], vector<16xf32>,
      %get3A_790 = arith.constant 11 : i32
      %get3A_791 = arith.index_cast %get3A_790 : i32 to index
      %get3A_792 = arith.constant 16 : index
      %get3A_793 = tpu.vector_load %arg11[%get3A_791, %get3A_792] {strides = array<i32>} : memref<16x128xi32, #tpu.memory_space<vmem>>, vector<16xi32>,
      tpu.vector_store_idx %arg14[%get3A_793], %broadcast_in_dim3A_10 {add = true} : memref<10240xf32, #tpu.memory_space<vmem>>[vector<16xi32>], vector<16xf32>,
      %get3A_794 = arith.constant 11 : i32
      %get3A_795 = arith.index_cast %get3A_794 : i32 to index
      %get3A_796 = arith.constant 32 : index
      %get3A_797 = tpu.vector_load %arg11[%get3A_795, %get3A_796] {strides = array<i32>} : memref<16x128xi32, #tpu.memory_space<vmem>>, vector<16xi32>,
      tpu.vector_store_idx %arg14[%get3A_797], %broadcast_in_dim3A_10 {add = true} : memref<10240xf32, #tpu.memory_space<vmem>>[vector<16xi32>], vector<16xf32>,
      %get3A_798 = arith.constant 11 : i32
      %get3A_799 = arith.index_cast %get3A_798 : i32 to index
      %get3A_800 = arith.constant 48 : index
      %get3A_801 = tpu.vector_load %arg11[%get3A_799, %get3A_800] {strides = array<i32>} : memref<16x128xi32, #tpu.memory_space<vmem>>, vector<16xi32>,
      tpu.vector_store_idx %arg14[%get3A_801], %broadcast_in_dim3A_10 {add = true} : memref<10240xf32, #tpu.memory_space<vmem>>[vector<16xi32>], vector<16xf32>,
      %get3A_802 = arith.constant 11 : i32
      %get3A_803 = arith.index_cast %get3A_802 : i32 to index
      %get3A_804 = arith.constant 64 : index
      %get3A_805 = tpu.vector_load %arg11[%get3A_803, %get3A_804] {strides = array<i32>} : memref<16x128xi32, #tpu.memory_space<vmem>>, vector<16xi32>,
      tpu.vector_store_idx %arg14[%get3A_805], %broadcast_in_dim3A_10 {add = true} : memref<10240xf32, #tpu.memory_space<vmem>>[vector<16xi32>], vector<16xf32>,
      %get3A_806 = arith.constant 11 : i32
      %get3A_807 = arith.index_cast %get3A_806 : i32 to index
      %get3A_808 = arith.constant 80 : index
      %get3A_809 = tpu.vector_load %arg11[%get3A_807, %get3A_808] {strides = array<i32>} : memref<16x128xi32, #tpu.memory_space<vmem>>, vector<16xi32>,
      tpu.vector_store_idx %arg14[%get3A_809], %broadcast_in_dim3A_10 {add = true} : memref<10240xf32, #tpu.memory_space<vmem>>[vector<16xi32>], vector<16xf32>,
      %get3A_810 = arith.constant 11 : i32
      %get3A_811 = arith.index_cast %get3A_810 : i32 to index
      %get3A_812 = arith.constant 96 : index
      %get3A_813 = tpu.vector_load %arg11[%get3A_811, %get3A_812] {strides = array<i32>} : memref<16x128xi32, #tpu.memory_space<vmem>>, vector<16xi32>,
      tpu.vector_store_idx %arg14[%get3A_813], %broadcast_in_dim3A_10 {add = true} : memref<10240xf32, #tpu.memory_space<vmem>>[vector<16xi32>], vector<16xf32>,
      %get3A_814 = arith.constant 11 : i32
      %get3A_815 = arith.index_cast %get3A_814 : i32 to index
      %get3A_816 = arith.constant 112 : index
      %get3A_817 = tpu.vector_load %arg11[%get3A_815, %get3A_816] {strides = array<i32>} : memref<16x128xi32, #tpu.memory_space<vmem>>, vector<16xi32>,
      tpu.vector_store_idx %arg14[%get3A_817], %broadcast_in_dim3A_10 {add = true} : memref<10240xf32, #tpu.memory_space<vmem>>[vector<16xi32>], vector<16xf32>,
      %dma_wait3A_818 = arith.constant 12 : i32
      %dma_wait3A_819 = arith.constant 0 : i32
      %dma_wait3A_820 = tpu.memref_slice %arg10[%dma_wait3A_818, %dma_wait3A_819] : memref<16x128xi32, #tpu.memory_space<vmem>> -> memref<1x128xi32, #tpu.memory_space<vmem>>
      %dma_wait3A_821 = tpu.memref_squeeze %dma_wait3A_820 : memref<1x128xi32, #tpu.memory_space<vmem>> -> memref<128xi32, #tpu.memory_space<vmem>>
      %dma_wait3A_822 = arith.constant 0 : i32
      %dma_wait3A_823 = arith.constant 0 : i32
      %dma_wait3A_824 = tpu.memref_slice %arg2[%dma_wait3A_822, %dma_wait3A_823] : memref<10240x128xf32, #tpu.memory_space<hbm>> -> memref<10240x128xf32, #tpu.memory_space<hbm>>
      tpu.wait_indirect_dma semaphore(%arg17 : memref<!tpu.dma_semaphore, #tpu.memory_space<semaphore_mem>>) src(%dma_wait3A_824 : memref<10240x128xf32, #tpu.memory_space<hbm>>) dst(%arg12 : memref<128x128xf32, #tpu.memory_space<vmem>>)
      %dma_wait3A_825 = arith.constant 11 : i32
      %dma_wait3A_826 = arith.constant 0 : i32
      %dma_wait3A_827 = tpu.memref_slice %arg11[%dma_wait3A_825, %dma_wait3A_826] : memref<16x128xi32, #tpu.memory_space<vmem>> -> memref<1x128xi32, #tpu.memory_space<vmem>>
      %dma_wait3A_828 = tpu.memref_squeeze %dma_wait3A_827 : memref<1x128xi32, #tpu.memory_space<vmem>> -> memref<128xi32, #tpu.memory_space<vmem>>
      %dma_wait3A_829 = arith.constant 0 : i32
      %dma_wait3A_830 = arith.constant 0 : i32
      %dma_wait3A_831 = tpu.memref_slice %arg16[%dma_wait3A_829, %dma_wait3A_830] : memref<10240x128xf32, #tpu.memory_space<vmem_shared>> -> memref<10240x128xf32, #tpu.memory_space<vmem_shared>>
      tpu.wait_indirect_dma semaphore(%arg20 : memref<!tpu.dma_semaphore, #tpu.memory_space<semaphore_mem>>) src(%arg13 : memref<128x128xf32, #tpu.memory_space<vmem>>) dst(%dma_wait3A_831 : memref<10240x128xf32, #tpu.memory_space<vmem_shared>>)
      %dma_start3A_832 = arith.constant 13 : i32
      %dma_start3A_833 = arith.constant 0 : i32
      %dma_start3A_834 = tpu.memref_slice %arg10[%dma_start3A_832, %dma_start3A_833] : memref<16x128xi32, #tpu.memory_space<vmem>> -> memref<1x128xi32, #tpu.memory_space<vmem>>
      %dma_start3A_835 = tpu.memref_squeeze %dma_start3A_834 : memref<1x128xi32, #tpu.memory_space<vmem>> -> memref<128xi32, #tpu.memory_space<vmem>>
      %dma_start3A_836 = arith.constant 0 : i32
      %dma_start3A_837 = arith.constant 0 : i32
      %dma_start3A_838 = tpu.memref_slice %arg2[%dma_start3A_836, %dma_start3A_837] : memref<10240x128xf32, #tpu.memory_space<hbm>> -> memref<10240x128xf32, #tpu.memory_space<hbm>>
      tpu.enqueue_indirect_dma source(%dma_start3A_838 : memref<10240x128xf32, #tpu.memory_space<hbm>>) target(%arg13 : memref<128x128xf32, #tpu.memory_space<vmem>>) offsets(%dma_start3A_835 : memref<128xi32, #tpu.memory_space<vmem>>) semaphore(%arg18 : memref<!tpu.dma_semaphore, #tpu.memory_space<semaphore_mem>>)
      %dma_start3A_839 = arith.constant 12 : i32
      %dma_start3A_840 = arith.constant 0 : i32
      %dma_start3A_841 = tpu.memref_slice %arg11[%dma_start3A_839, %dma_start3A_840] : memref<16x128xi32, #tpu.memory_space<vmem>> -> memref<1x128xi32, #tpu.memory_space<vmem>>
      %dma_start3A_842 = tpu.memref_squeeze %dma_start3A_841 : memref<1x128xi32, #tpu.memory_space<vmem>> -> memref<128xi32, #tpu.memory_space<vmem>>
      %dma_start3A_843 = arith.constant 0 : i32
      %dma_start3A_844 = arith.constant 0 : i32
      %dma_start3A_845 = tpu.memref_slice %arg16[%dma_start3A_843, %dma_start3A_844] : memref<10240x128xf32, #tpu.memory_space<vmem_shared>> -> memref<10240x128xf32, #tpu.memory_space<vmem_shared>>
      tpu.enqueue_indirect_dma source(%arg12 : memref<128x128xf32, #tpu.memory_space<vmem>>) target(%dma_start3A_845 : memref<10240x128xf32, #tpu.memory_space<vmem_shared>>) offsets(%dma_start3A_842 : memref<128xi32, #tpu.memory_space<vmem>>) semaphore(%arg19 : memref<!tpu.dma_semaphore, #tpu.memory_space<semaphore_mem>>) {add = true}
      %get3A_846 = arith.constant 12 : i32
      %get3A_847 = arith.index_cast %get3A_846 : i32 to index
      %get3A_848 = arith.constant 0 : index
      %get3A_849 = tpu.vector_load %arg11[%get3A_847, %get3A_848] {strides = array<i32>} : memref<16x128xi32, #tpu.memory_space<vmem>>, vector<16xi32>,
      tpu.vector_store_idx %arg14[%get3A_849], %broadcast_in_dim3A_10 {add = true} : memref<10240xf32, #tpu.memory_space<vmem>>[vector<16xi32>], vector<16xf32>,
      %get3A_850 = arith.constant 12 : i32
      %get3A_851 = arith.index_cast %get3A_850 : i32 to index
      %get3A_852 = arith.constant 16 : index
      %get3A_853 = tpu.vector_load %arg11[%get3A_851, %get3A_852] {strides = array<i32>} : memref<16x128xi32, #tpu.memory_space<vmem>>, vector<16xi32>,
      tpu.vector_store_idx %arg14[%get3A_853], %broadcast_in_dim3A_10 {add = true} : memref<10240xf32, #tpu.memory_space<vmem>>[vector<16xi32>], vector<16xf32>,
      %get3A_854 = arith.constant 12 : i32
      %get3A_855 = arith.index_cast %get3A_854 : i32 to index
      %get3A_856 = arith.constant 32 : index
      %get3A_857 = tpu.vector_load %arg11[%get3A_855, %get3A_856] {strides = array<i32>} : memref<16x128xi32, #tpu.memory_space<vmem>>, vector<16xi32>,
      tpu.vector_store_idx %arg14[%get3A_857], %broadcast_in_dim3A_10 {add = true} : memref<10240xf32, #tpu.memory_space<vmem>>[vector<16xi32>], vector<16xf32>,
      %get3A_858 = arith.constant 12 : i32
      %get3A_859 = arith.index_cast %get3A_858 : i32 to index
      %get3A_860 = arith.constant 48 : index
      %get3A_861 = tpu.vector_load %arg11[%get3A_859, %get3A_860] {strides = array<i32>} : memref<16x128xi32, #tpu.memory_space<vmem>>, vector<16xi32>,
      tpu.vector_store_idx %arg14[%get3A_861], %broadcast_in_dim3A_10 {add = true} : memref<10240xf32, #tpu.memory_space<vmem>>[vector<16xi32>], vector<16xf32>,
      %get3A_862 = arith.constant 12 : i32
      %get3A_863 = arith.index_cast %get3A_862 : i32 to index
      %get3A_864 = arith.constant 64 : index
      %get3A_865 = tpu.vector_load %arg11[%get3A_863, %get3A_864] {strides = array<i32>} : memref<16x128xi32, #tpu.memory_space<vmem>>, vector<16xi32>,
      tpu.vector_store_idx %arg14[%get3A_865], %broadcast_in_dim3A_10 {add = true} : memref<10240xf32, #tpu.memory_space<vmem>>[vector<16xi32>], vector<16xf32>,
      %get3A_866 = arith.constant 12 : i32
      %get3A_867 = arith.index_cast %get3A_866 : i32 to index
      %get3A_868 = arith.constant 80 : index
      %get3A_869 = tpu.vector_load %arg11[%get3A_867, %get3A_868] {strides = array<i32>} : memref<16x128xi32, #tpu.memory_space<vmem>>, vector<16xi32>,
      tpu.vector_store_idx %arg14[%get3A_869], %broadcast_in_dim3A_10 {add = true} : memref<10240xf32, #tpu.memory_space<vmem>>[vector<16xi32>], vector<16xf32>,
      %get3A_870 = arith.constant 12 : i32
      %get3A_871 = arith.index_cast %get3A_870 : i32 to index
      %get3A_872 = arith.constant 96 : index
      %get3A_873 = tpu.vector_load %arg11[%get3A_871, %get3A_872] {strides = array<i32>} : memref<16x128xi32, #tpu.memory_space<vmem>>, vector<16xi32>,
      tpu.vector_store_idx %arg14[%get3A_873], %broadcast_in_dim3A_10 {add = true} : memref<10240xf32, #tpu.memory_space<vmem>>[vector<16xi32>], vector<16xf32>,
      %get3A_874 = arith.constant 12 : i32
      %get3A_875 = arith.index_cast %get3A_874 : i32 to index
      %get3A_876 = arith.constant 112 : index
      %get3A_877 = tpu.vector_load %arg11[%get3A_875, %get3A_876] {strides = array<i32>} : memref<16x128xi32, #tpu.memory_space<vmem>>, vector<16xi32>,
      tpu.vector_store_idx %arg14[%get3A_877], %broadcast_in_dim3A_10 {add = true} : memref<10240xf32, #tpu.memory_space<vmem>>[vector<16xi32>], vector<16xf32>,
      %dma_wait3A_878 = arith.constant 13 : i32
      %dma_wait3A_879 = arith.constant 0 : i32
      %dma_wait3A_880 = tpu.memref_slice %arg10[%dma_wait3A_878, %dma_wait3A_879] : memref<16x128xi32, #tpu.memory_space<vmem>> -> memref<1x128xi32, #tpu.memory_space<vmem>>
      %dma_wait3A_881 = tpu.memref_squeeze %dma_wait3A_880 : memref<1x128xi32, #tpu.memory_space<vmem>> -> memref<128xi32, #tpu.memory_space<vmem>>
      %dma_wait3A_882 = arith.constant 0 : i32
      %dma_wait3A_883 = arith.constant 0 : i32
      %dma_wait3A_884 = tpu.memref_slice %arg2[%dma_wait3A_882, %dma_wait3A_883] : memref<10240x128xf32, #tpu.memory_space<hbm>> -> memref<10240x128xf32, #tpu.memory_space<hbm>>
      tpu.wait_indirect_dma semaphore(%arg18 : memref<!tpu.dma_semaphore, #tpu.memory_space<semaphore_mem>>) src(%dma_wait3A_884 : memref<10240x128xf32, #tpu.memory_space<hbm>>) dst(%arg13 : memref<128x128xf32, #tpu.memory_space<vmem>>)
      %dma_wait3A_885 = arith.constant 12 : i32
      %dma_wait3A_886 = arith.constant 0 : i32
      %dma_wait3A_887 = tpu.memref_slice %arg11[%dma_wait3A_885, %dma_wait3A_886] : memref<16x128xi32, #tpu.memory_space<vmem>> -> memref<1x128xi32, #tpu.memory_space<vmem>>
      %dma_wait3A_888 = tpu.memref_squeeze %dma_wait3A_887 : memref<1x128xi32, #tpu.memory_space<vmem>> -> memref<128xi32, #tpu.memory_space<vmem>>
      %dma_wait3A_889 = arith.constant 0 : i32
      %dma_wait3A_890 = arith.constant 0 : i32
      %dma_wait3A_891 = tpu.memref_slice %arg16[%dma_wait3A_889, %dma_wait3A_890] : memref<10240x128xf32, #tpu.memory_space<vmem_shared>> -> memref<10240x128xf32, #tpu.memory_space<vmem_shared>>
      tpu.wait_indirect_dma semaphore(%arg19 : memref<!tpu.dma_semaphore, #tpu.memory_space<semaphore_mem>>) src(%arg12 : memref<128x128xf32, #tpu.memory_space<vmem>>) dst(%dma_wait3A_891 : memref<10240x128xf32, #tpu.memory_space<vmem_shared>>)
      %dma_start3A_892 = arith.constant 14 : i32
      %dma_start3A_893 = arith.constant 0 : i32
      %dma_start3A_894 = tpu.memref_slice %arg10[%dma_start3A_892, %dma_start3A_893] : memref<16x128xi32, #tpu.memory_space<vmem>> -> memref<1x128xi32, #tpu.memory_space<vmem>>
      %dma_start3A_895 = tpu.memref_squeeze %dma_start3A_894 : memref<1x128xi32, #tpu.memory_space<vmem>> -> memref<128xi32, #tpu.memory_space<vmem>>
      %dma_start3A_896 = arith.constant 0 : i32
      %dma_start3A_897 = arith.constant 0 : i32
      %dma_start3A_898 = tpu.memref_slice %arg2[%dma_start3A_896, %dma_start3A_897] : memref<10240x128xf32, #tpu.memory_space<hbm>> -> memref<10240x128xf32, #tpu.memory_space<hbm>>
      tpu.enqueue_indirect_dma source(%dma_start3A_898 : memref<10240x128xf32, #tpu.memory_space<hbm>>) target(%arg12 : memref<128x128xf32, #tpu.memory_space<vmem>>) offsets(%dma_start3A_895 : memref<128xi32, #tpu.memory_space<vmem>>) semaphore(%arg17 : memref<!tpu.dma_semaphore, #tpu.memory_space<semaphore_mem>>)
      %dma_start3A_899 = arith.constant 13 : i32
      %dma_start3A_900 = arith.constant 0 : i32
      %dma_start3A_901 = tpu.memref_slice %arg11[%dma_start3A_899, %dma_start3A_900] : memref<16x128xi32, #tpu.memory_space<vmem>> -> memref<1x128xi32, #tpu.memory_space<vmem>>
      %dma_start3A_902 = tpu.memref_squeeze %dma_start3A_901 : memref<1x128xi32, #tpu.memory_space<vmem>> -> memref<128xi32, #tpu.memory_space<vmem>>
      %dma_start3A_903 = arith.constant 0 : i32
      %dma_start3A_904 = arith.constant 0 : i32
      %dma_start3A_905 = tpu.memref_slice %arg16[%dma_start3A_903, %dma_start3A_904] : memref<10240x128xf32, #tpu.memory_space<vmem_shared>> -> memref<10240x128xf32, #tpu.memory_space<vmem_shared>>
      tpu.enqueue_indirect_dma source(%arg13 : memref<128x128xf32, #tpu.memory_space<vmem>>) target(%dma_start3A_905 : memref<10240x128xf32, #tpu.memory_space<vmem_shared>>) offsets(%dma_start3A_902 : memref<128xi32, #tpu.memory_space<vmem>>) semaphore(%arg20 : memref<!tpu.dma_semaphore, #tpu.memory_space<semaphore_mem>>) {add = true}
      %get3A_906 = arith.constant 13 : i32
      %get3A_907 = arith.index_cast %get3A_906 : i32 to index
      %get3A_908 = arith.constant 0 : index
      %get3A_909 = tpu.vector_load %arg11[%get3A_907, %get3A_908] {strides = array<i32>} : memref<16x128xi32, #tpu.memory_space<vmem>>, vector<16xi32>,
      tpu.vector_store_idx %arg14[%get3A_909], %broadcast_in_dim3A_10 {add = true} : memref<10240xf32, #tpu.memory_space<vmem>>[vector<16xi32>], vector<16xf32>,
      %get3A_910 = arith.constant 13 : i32
      %get3A_911 = arith.index_cast %get3A_910 : i32 to index
      %get3A_912 = arith.constant 16 : index
      %get3A_913 = tpu.vector_load %arg11[%get3A_911, %get3A_912] {strides = array<i32>} : memref<16x128xi32, #tpu.memory_space<vmem>>, vector<16xi32>,
      tpu.vector_store_idx %arg14[%get3A_913], %broadcast_in_dim3A_10 {add = true} : memref<10240xf32, #tpu.memory_space<vmem>>[vector<16xi32>], vector<16xf32>,
      %get3A_914 = arith.constant 13 : i32
      %get3A_915 = arith.index_cast %get3A_914 : i32 to index
      %get3A_916 = arith.constant 32 : index
      %get3A_917 = tpu.vector_load %arg11[%get3A_915, %get3A_916] {strides = array<i32>} : memref<16x128xi32, #tpu.memory_space<vmem>>, vector<16xi32>,
      tpu.vector_store_idx %arg14[%get3A_917], %broadcast_in_dim3A_10 {add = true} : memref<10240xf32, #tpu.memory_space<vmem>>[vector<16xi32>], vector<16xf32>,
      %get3A_918 = arith.constant 13 : i32
      %get3A_919 = arith.index_cast %get3A_918 : i32 to index
      %get3A_920 = arith.constant 48 : index
      %get3A_921 = tpu.vector_load %arg11[%get3A_919, %get3A_920] {strides = array<i32>} : memref<16x128xi32, #tpu.memory_space<vmem>>, vector<16xi32>,
      tpu.vector_store_idx %arg14[%get3A_921], %broadcast_in_dim3A_10 {add = true} : memref<10240xf32, #tpu.memory_space<vmem>>[vector<16xi32>], vector<16xf32>,
      %get3A_922 = arith.constant 13 : i32
      %get3A_923 = arith.index_cast %get3A_922 : i32 to index
      %get3A_924 = arith.constant 64 : index
      %get3A_925 = tpu.vector_load %arg11[%get3A_923, %get3A_924] {strides = array<i32>} : memref<16x128xi32, #tpu.memory_space<vmem>>, vector<16xi32>,
      tpu.vector_store_idx %arg14[%get3A_925], %broadcast_in_dim3A_10 {add = true} : memref<10240xf32, #tpu.memory_space<vmem>>[vector<16xi32>], vector<16xf32>,
      %get3A_926 = arith.constant 13 : i32
      %get3A_927 = arith.index_cast %get3A_926 : i32 to index
      %get3A_928 = arith.constant 80 : index
      %get3A_929 = tpu.vector_load %arg11[%get3A_927, %get3A_928] {strides = array<i32>} : memref<16x128xi32, #tpu.memory_space<vmem>>, vector<16xi32>,
      tpu.vector_store_idx %arg14[%get3A_929], %broadcast_in_dim3A_10 {add = true} : memref<10240xf32, #tpu.memory_space<vmem>>[vector<16xi32>], vector<16xf32>,
      %get3A_930 = arith.constant 13 : i32
      %get3A_931 = arith.index_cast %get3A_930 : i32 to index
      %get3A_932 = arith.constant 96 : index
      %get3A_933 = tpu.vector_load %arg11[%get3A_931, %get3A_932] {strides = array<i32>} : memref<16x128xi32, #tpu.memory_space<vmem>>, vector<16xi32>,
      tpu.vector_store_idx %arg14[%get3A_933], %broadcast_in_dim3A_10 {add = true} : memref<10240xf32, #tpu.memory_space<vmem>>[vector<16xi32>], vector<16xf32>,
      %get3A_934 = arith.constant 13 : i32
      %get3A_935 = arith.index_cast %get3A_934 : i32 to index
      %get3A_936 = arith.constant 112 : index
      %get3A_937 = tpu.vector_load %arg11[%get3A_935, %get3A_936] {strides = array<i32>} : memref<16x128xi32, #tpu.memory_space<vmem>>, vector<16xi32>,
      tpu.vector_store_idx %arg14[%get3A_937], %broadcast_in_dim3A_10 {add = true} : memref<10240xf32, #tpu.memory_space<vmem>>[vector<16xi32>], vector<16xf32>,
      %dma_wait3A_938 = arith.constant 14 : i32
      %dma_wait3A_939 = arith.constant 0 : i32
      %dma_wait3A_940 = tpu.memref_slice %arg10[%dma_wait3A_938, %dma_wait3A_939] : memref<16x128xi32, #tpu.memory_space<vmem>> -> memref<1x128xi32, #tpu.memory_space<vmem>>
      %dma_wait3A_941 = tpu.memref_squeeze %dma_wait3A_940 : memref<1x128xi32, #tpu.memory_space<vmem>> -> memref<128xi32, #tpu.memory_space<vmem>>
      %dma_wait3A_942 = arith.constant 0 : i32
      %dma_wait3A_943 = arith.constant 0 : i32
      %dma_wait3A_944 = tpu.memref_slice %arg2[%dma_wait3A_942, %dma_wait3A_943] : memref<10240x128xf32, #tpu.memory_space<hbm>> -> memref<10240x128xf32, #tpu.memory_space<hbm>>
      tpu.wait_indirect_dma semaphore(%arg17 : memref<!tpu.dma_semaphore, #tpu.memory_space<semaphore_mem>>) src(%dma_wait3A_944 : memref<10240x128xf32, #tpu.memory_space<hbm>>) dst(%arg12 : memref<128x128xf32, #tpu.memory_space<vmem>>)
      %dma_wait3A_945 = arith.constant 13 : i32
      %dma_wait3A_946 = arith.constant 0 : i32
      %dma_wait3A_947 = tpu.memref_slice %arg11[%dma_wait3A_945, %dma_wait3A_946] : memref<16x128xi32, #tpu.memory_space<vmem>> -> memref<1x128xi32, #tpu.memory_space<vmem>>
      %dma_wait3A_948 = tpu.memref_squeeze %dma_wait3A_947 : memref<1x128xi32, #tpu.memory_space<vmem>> -> memref<128xi32, #tpu.memory_space<vmem>>
      %dma_wait3A_949 = arith.constant 0 : i32
      %dma_wait3A_950 = arith.constant 0 : i32
      %dma_wait3A_951 = tpu.memref_slice %arg16[%dma_wait3A_949, %dma_wait3A_950] : memref<10240x128xf32, #tpu.memory_space<vmem_shared>> -> memref<10240x128xf32, #tpu.memory_space<vmem_shared>>
      tpu.wait_indirect_dma semaphore(%arg20 : memref<!tpu.dma_semaphore, #tpu.memory_space<semaphore_mem>>) src(%arg13 : memref<128x128xf32, #tpu.memory_space<vmem>>) dst(%dma_wait3A_951 : memref<10240x128xf32, #tpu.memory_space<vmem_shared>>)
      %dma_start3A_952 = arith.constant 15 : i32
      %dma_start3A_953 = arith.constant 0 : i32
      %dma_start3A_954 = tpu.memref_slice %arg10[%dma_start3A_952, %dma_start3A_953] : memref<16x128xi32, #tpu.memory_space<vmem>> -> memref<1x128xi32, #tpu.memory_space<vmem>>
      %dma_start3A_955 = tpu.memref_squeeze %dma_start3A_954 : memref<1x128xi32, #tpu.memory_space<vmem>> -> memref<128xi32, #tpu.memory_space<vmem>>
      %dma_start3A_956 = arith.constant 0 : i32
      %dma_start3A_957 = arith.constant 0 : i32
      %dma_start3A_958 = tpu.memref_slice %arg2[%dma_start3A_956, %dma_start3A_957] : memref<10240x128xf32, #tpu.memory_space<hbm>> -> memref<10240x128xf32, #tpu.memory_space<hbm>>
      tpu.enqueue_indirect_dma source(%dma_start3A_958 : memref<10240x128xf32, #tpu.memory_space<hbm>>) target(%arg13 : memref<128x128xf32, #tpu.memory_space<vmem>>) offsets(%dma_start3A_955 : memref<128xi32, #tpu.memory_space<vmem>>) semaphore(%arg18 : memref<!tpu.dma_semaphore, #tpu.memory_space<semaphore_mem>>)
      %dma_start3A_959 = arith.constant 14 : i32
      %dma_start3A_960 = arith.constant 0 : i32
      %dma_start3A_961 = tpu.memref_slice %arg11[%dma_start3A_959, %dma_start3A_960] : memref<16x128xi32, #tpu.memory_space<vmem>> -> memref<1x128xi32, #tpu.memory_space<vmem>>
      %dma_start3A_962 = tpu.memref_squeeze %dma_start3A_961 : memref<1x128xi32, #tpu.memory_space<vmem>> -> memref<128xi32, #tpu.memory_space<vmem>>
      %dma_start3A_963 = arith.constant 0 : i32
      %dma_start3A_964 = arith.constant 0 : i32
      %dma_start3A_965 = tpu.memref_slice %arg16[%dma_start3A_963, %dma_start3A_964] : memref<10240x128xf32, #tpu.memory_space<vmem_shared>> -> memref<10240x128xf32, #tpu.memory_space<vmem_shared>>
      tpu.enqueue_indirect_dma source(%arg12 : memref<128x128xf32, #tpu.memory_space<vmem>>) target(%dma_start3A_965 : memref<10240x128xf32, #tpu.memory_space<vmem_shared>>) offsets(%dma_start3A_962 : memref<128xi32, #tpu.memory_space<vmem>>) semaphore(%arg19 : memref<!tpu.dma_semaphore, #tpu.memory_space<semaphore_mem>>) {add = true}
      %get3A_966 = arith.constant 14 : i32
      %get3A_967 = arith.index_cast %get3A_966 : i32 to index
      %get3A_968 = arith.constant 0 : index
      %get3A_969 = tpu.vector_load %arg11[%get3A_967, %get3A_968] {strides = array<i32>} : memref<16x128xi32, #tpu.memory_space<vmem>>, vector<16xi32>,
      tpu.vector_store_idx %arg14[%get3A_969], %broadcast_in_dim3A_10 {add = true} : memref<10240xf32, #tpu.memory_space<vmem>>[vector<16xi32>], vector<16xf32>,
      %get3A_970 = arith.constant 14 : i32
      %get3A_971 = arith.index_cast %get3A_970 : i32 to index
      %get3A_972 = arith.constant 16 : index
      %get3A_973 = tpu.vector_load %arg11[%get3A_971, %get3A_972] {strides = array<i32>} : memref<16x128xi32, #tpu.memory_space<vmem>>, vector<16xi32>,
      tpu.vector_store_idx %arg14[%get3A_973], %broadcast_in_dim3A_10 {add = true} : memref<10240xf32, #tpu.memory_space<vmem>>[vector<16xi32>], vector<16xf32>,
      %get3A_974 = arith.constant 14 : i32
      %get3A_975 = arith.index_cast %get3A_974 : i32 to index
      %get3A_976 = arith.constant 32 : index
      %get3A_977 = tpu.vector_load %arg11[%get3A_975, %get3A_976] {strides = array<i32>} : memref<16x128xi32, #tpu.memory_space<vmem>>, vector<16xi32>,
      tpu.vector_store_idx %arg14[%get3A_977], %broadcast_in_dim3A_10 {add = true} : memref<10240xf32, #tpu.memory_space<vmem>>[vector<16xi32>], vector<16xf32>,
      %get3A_978 = arith.constant 14 : i32
      %get3A_979 = arith.index_cast %get3A_978 : i32 to index
      %get3A_980 = arith.constant 48 : index
      %get3A_981 = tpu.vector_load %arg11[%get3A_979, %get3A_980] {strides = array<i32>} : memref<16x128xi32, #tpu.memory_space<vmem>>, vector<16xi32>,
      tpu.vector_store_idx %arg14[%get3A_981], %broadcast_in_dim3A_10 {add = true} : memref<10240xf32, #tpu.memory_space<vmem>>[vector<16xi32>], vector<16xf32>,
      %get3A_982 = arith.constant 14 : i32
      %get3A_983 = arith.index_cast %get3A_982 : i32 to index
      %get3A_984 = arith.constant 64 : index
      %get3A_985 = tpu.vector_load %arg11[%get3A_983, %get3A_984] {strides = array<i32>} : memref<16x128xi32, #tpu.memory_space<vmem>>, vector<16xi32>,
      tpu.vector_store_idx %arg14[%get3A_985], %broadcast_in_dim3A_10 {add = true} : memref<10240xf32, #tpu.memory_space<vmem>>[vector<16xi32>], vector<16xf32>,
      %get3A_986 = arith.constant 14 : i32
      %get3A_987 = arith.index_cast %get3A_986 : i32 to index
      %get3A_988 = arith.constant 80 : index
      %get3A_989 = tpu.vector_load %arg11[%get3A_987, %get3A_988] {strides = array<i32>} : memref<16x128xi32, #tpu.memory_space<vmem>>, vector<16xi32>,
      tpu.vector_store_idx %arg14[%get3A_989], %broadcast_in_dim3A_10 {add = true} : memref<10240xf32, #tpu.memory_space<vmem>>[vector<16xi32>], vector<16xf32>,
      %get3A_990 = arith.constant 14 : i32
      %get3A_991 = arith.index_cast %get3A_990 : i32 to index
      %get3A_992 = arith.constant 96 : index
      %get3A_993 = tpu.vector_load %arg11[%get3A_991, %get3A_992] {strides = array<i32>} : memref<16x128xi32, #tpu.memory_space<vmem>>, vector<16xi32>,
      tpu.vector_store_idx %arg14[%get3A_993], %broadcast_in_dim3A_10 {add = true} : memref<10240xf32, #tpu.memory_space<vmem>>[vector<16xi32>], vector<16xf32>,
      %get3A_994 = arith.constant 14 : i32
      %get3A_995 = arith.index_cast %get3A_994 : i32 to index
      %get3A_996 = arith.constant 112 : index
      %get3A_997 = tpu.vector_load %arg11[%get3A_995, %get3A_996] {strides = array<i32>} : memref<16x128xi32, #tpu.memory_space<vmem>>, vector<16xi32>,
      tpu.vector_store_idx %arg14[%get3A_997], %broadcast_in_dim3A_10 {add = true} : memref<10240xf32, #tpu.memory_space<vmem>>[vector<16xi32>], vector<16xf32>,
      %dma_wait3A_998 = arith.constant 15 : i32
      %dma_wait3A_999 = arith.constant 0 : i32
      %dma_wait3A_1000 = tpu.memref_slice %arg10[%dma_wait3A_998, %dma_wait3A_999] : memref<16x128xi32, #tpu.memory_space<vmem>> -> memref<1x128xi32, #tpu.memory_space<vmem>>
      %dma_wait3A_1001 = tpu.memref_squeeze %dma_wait3A_1000 : memref<1x128xi32, #tpu.memory_space<vmem>> -> memref<128xi32, #tpu.memory_space<vmem>>
      %dma_wait3A_1002 = arith.constant 0 : i32
      %dma_wait3A_1003 = arith.constant 0 : i32
      %dma_wait3A_1004 = tpu.memref_slice %arg2[%dma_wait3A_1002, %dma_wait3A_1003] : memref<10240x128xf32, #tpu.memory_space<hbm>> -> memref<10240x128xf32, #tpu.memory_space<hbm>>
      tpu.wait_indirect_dma semaphore(%arg18 : memref<!tpu.dma_semaphore, #tpu.memory_space<semaphore_mem>>) src(%dma_wait3A_1004 : memref<10240x128xf32, #tpu.memory_space<hbm>>) dst(%arg13 : memref<128x128xf32, #tpu.memory_space<vmem>>)
      %dma_start3A_1005 = arith.constant 15 : i32
      %dma_start3A_1006 = arith.constant 0 : i32
      %dma_start3A_1007 = tpu.memref_slice %arg11[%dma_start3A_1005, %dma_start3A_1006] : memref<16x128xi32, #tpu.memory_space<vmem>> -> memref<1x128xi32, #tpu.memory_space<vmem>>
      %dma_start3A_1008 = tpu.memref_squeeze %dma_start3A_1007 : memref<1x128xi32, #tpu.memory_space<vmem>> -> memref<128xi32, #tpu.memory_space<vmem>>
      %dma_start3A_1009 = arith.constant 0 : i32
      %dma_start3A_1010 = arith.constant 0 : i32
      %dma_start3A_1011 = tpu.memref_slice %arg16[%dma_start3A_1009, %dma_start3A_1010] : memref<10240x128xf32, #tpu.memory_space<vmem_shared>> -> memref<10240x128xf32, #tpu.memory_space<vmem_shared>>
      tpu.enqueue_indirect_dma source(%arg13 : memref<128x128xf32, #tpu.memory_space<vmem>>) target(%dma_start3A_1011 : memref<10240x128xf32, #tpu.memory_space<vmem_shared>>) offsets(%dma_start3A_1008 : memref<128xi32, #tpu.memory_space<vmem>>) semaphore(%arg20 : memref<!tpu.dma_semaphore, #tpu.memory_space<semaphore_mem>>) {add = true}
      %get3A_1012 = arith.constant 15 : i32
      %get3A_1013 = arith.index_cast %get3A_1012 : i32 to index
      %get3A_1014 = arith.constant 0 : index
      %get3A_1015 = tpu.vector_load %arg11[%get3A_1013, %get3A_1014] {strides = array<i32>} : memref<16x128xi32, #tpu.memory_space<vmem>>, vector<16xi32>,
      tpu.vector_store_idx %arg14[%get3A_1015], %broadcast_in_dim3A_10 {add = true} : memref<10240xf32, #tpu.memory_space<vmem>>[vector<16xi32>], vector<16xf32>,
      %get3A_1016 = arith.constant 15 : i32
      %get3A_1017 = arith.index_cast %get3A_1016 : i32 to index
      %get3A_1018 = arith.constant 16 : index
      %get3A_1019 = tpu.vector_load %arg11[%get3A_1017, %get3A_1018] {strides = array<i32>} : memref<16x128xi32, #tpu.memory_space<vmem>>, vector<16xi32>,
      tpu.vector_store_idx %arg14[%get3A_1019], %broadcast_in_dim3A_10 {add = true} : memref<10240xf32, #tpu.memory_space<vmem>>[vector<16xi32>], vector<16xf32>,
      %get3A_1020 = arith.constant 15 : i32
      %get3A_1021 = arith.index_cast %get3A_1020 : i32 to index
      %get3A_1022 = arith.constant 32 : index
      %get3A_1023 = tpu.vector_load %arg11[%get3A_1021, %get3A_1022] {strides = array<i32>} : memref<16x128xi32, #tpu.memory_space<vmem>>, vector<16xi32>,
      tpu.vector_store_idx %arg14[%get3A_1023], %broadcast_in_dim3A_10 {add = true} : memref<10240xf32, #tpu.memory_space<vmem>>[vector<16xi32>], vector<16xf32>,
      %get3A_1024 = arith.constant 15 : i32
      %get3A_1025 = arith.index_cast %get3A_1024 : i32 to index
      %get3A_1026 = arith.constant 48 : index
      %get3A_1027 = tpu.vector_load %arg11[%get3A_1025, %get3A_1026] {strides = array<i32>} : memref<16x128xi32, #tpu.memory_space<vmem>>, vector<16xi32>,
      tpu.vector_store_idx %arg14[%get3A_1027], %broadcast_in_dim3A_10 {add = true} : memref<10240xf32, #tpu.memory_space<vmem>>[vector<16xi32>], vector<16xf32>,
      %get3A_1028 = arith.constant 15 : i32
      %get3A_1029 = arith.index_cast %get3A_1028 : i32 to index
      %get3A_1030 = arith.constant 64 : index
      %get3A_1031 = tpu.vector_load %arg11[%get3A_1029, %get3A_1030] {strides = array<i32>} : memref<16x128xi32, #tpu.memory_space<vmem>>, vector<16xi32>,
      tpu.vector_store_idx %arg14[%get3A_1031], %broadcast_in_dim3A_10 {add = true} : memref<10240xf32, #tpu.memory_space<vmem>>[vector<16xi32>], vector<16xf32>,
      %get3A_1032 = arith.constant 15 : i32
      %get3A_1033 = arith.index_cast %get3A_1032 : i32 to index
      %get3A_1034 = arith.constant 80 : index
      %get3A_1035 = tpu.vector_load %arg11[%get3A_1033, %get3A_1034] {strides = array<i32>} : memref<16x128xi32, #tpu.memory_space<vmem>>, vector<16xi32>,
      tpu.vector_store_idx %arg14[%get3A_1035], %broadcast_in_dim3A_10 {add = true} : memref<10240xf32, #tpu.memory_space<vmem>>[vector<16xi32>], vector<16xf32>,
      %get3A_1036 = arith.constant 15 : i32
      %get3A_1037 = arith.index_cast %get3A_1036 : i32 to index
      %get3A_1038 = arith.constant 96 : index
      %get3A_1039 = tpu.vector_load %arg11[%get3A_1037, %get3A_1038] {strides = array<i32>} : memref<16x128xi32, #tpu.memory_space<vmem>>, vector<16xi32>,
      tpu.vector_store_idx %arg14[%get3A_1039], %broadcast_in_dim3A_10 {add = true} : memref<10240xf32, #tpu.memory_space<vmem>>[vector<16xi32>], vector<16xf32>,
      %get3A_1040 = arith.constant 15 : i32
      %get3A_1041 = arith.index_cast %get3A_1040 : i32 to index
      %get3A_1042 = arith.constant 112 : index
      %get3A_1043 = tpu.vector_load %arg11[%get3A_1041, %get3A_1042] {strides = array<i32>} : memref<16x128xi32, #tpu.memory_space<vmem>>, vector<16xi32>,
      tpu.vector_store_idx %arg14[%get3A_1043], %broadcast_in_dim3A_10 {add = true} : memref<10240xf32, #tpu.memory_space<vmem>>[vector<16xi32>], vector<16xf32>,
      %dma_wait3A_1044 = arith.constant 14 : i32
      %dma_wait3A_1045 = arith.constant 0 : i32
      %dma_wait3A_1046 = tpu.memref_slice %arg11[%dma_wait3A_1044, %dma_wait3A_1045] : memref<16x128xi32, #tpu.memory_space<vmem>> -> memref<1x128xi32, #tpu.memory_space<vmem>>
      %dma_wait3A_1047 = tpu.memref_squeeze %dma_wait3A_1046 : memref<1x128xi32, #tpu.memory_space<vmem>> -> memref<128xi32, #tpu.memory_space<vmem>>
      %dma_wait3A_1048 = arith.constant 0 : i32
      %dma_wait3A_1049 = arith.constant 0 : i32
      %dma_wait3A_1050 = tpu.memref_slice %arg16[%dma_wait3A_1048, %dma_wait3A_1049] : memref<10240x128xf32, #tpu.memory_space<vmem_shared>> -> memref<10240x128xf32, #tpu.memory_space<vmem_shared>>
      tpu.wait_indirect_dma semaphore(%arg19 : memref<!tpu.dma_semaphore, #tpu.memory_space<semaphore_mem>>) src(%arg12 : memref<128x128xf32, #tpu.memory_space<vmem>>) dst(%dma_wait3A_1050 : memref<10240x128xf32, #tpu.memory_space<vmem_shared>>)
      %dma_wait3A_1051 = arith.constant 15 : i32
      %dma_wait3A_1052 = arith.constant 0 : i32
      %dma_wait3A_1053 = tpu.memref_slice %arg11[%dma_wait3A_1051, %dma_wait3A_1052] : memref<16x128xi32, #tpu.memory_space<vmem>> -> memref<1x128xi32, #tpu.memory_space<vmem>>
      %dma_wait3A_1054 = tpu.memref_squeeze %dma_wait3A_1053 : memref<1x128xi32, #tpu.memory_space<vmem>> -> memref<128xi32, #tpu.memory_space<vmem>>
      %dma_wait3A_1055 = arith.constant 0 : i32
      %dma_wait3A_1056 = arith.constant 0 : i32
      %dma_wait3A_1057 = tpu.memref_slice %arg16[%dma_wait3A_1055, %dma_wait3A_1056] : memref<10240x128xf32, #tpu.memory_space<vmem_shared>> -> memref<10240x128xf32, #tpu.memory_space<vmem_shared>>
      tpu.wait_indirect_dma semaphore(%arg20 : memref<!tpu.dma_semaphore, #tpu.memory_space<semaphore_mem>>) src(%arg13 : memref<128x128xf32, #tpu.memory_space<vmem>>) dst(%dma_wait3A_1057 : memref<10240x128xf32, #tpu.memory_space<vmem_shared>>)
    }
    %scan3A_15 = arith.constant 10 : i32
    %barrier3A_16 = arith.constant 0 : index
    tpu.barrier barrier_id(%barrier3A_16)
    %add3A_17 = arith.constant 0 : i32
    %add3A_18 = arith.addi %multiple_of3A, %add3A_17 : i32
    %dma_start3A = arith.constant 0 : i32
    %dma_start3A_19 = arith.constant 0 : i32
    %dma_start3A_20 = tpu.memref_slice %arg15[%dma_start3A, %dma_start3A_19] : memref<5x128xi32, #tpu.memory_space<vmem>> -> memref<1x128xi32, #tpu.memory_space<vmem>>
    %dma_start3A_21 = tpu.memref_squeeze %dma_start3A_20 : memref<1x128xi32, #tpu.memory_space<vmem>> -> memref<128xi32, #tpu.memory_space<vmem>>
    %dma_start3A_22 = arith.constant 0 : i32
    %dma_start3A_23 = arith.constant 0 : i32
    %dma_start3A_24 = tpu.memref_slice %arg16[%dma_start3A_22, %dma_start3A_23] : memref<10240x128xf32, #tpu.memory_space<vmem_shared>> -> memref<10240x128xf32, #tpu.memory_space<vmem_shared>>
    tpu.enqueue_indirect_dma source(%dma_start3A_24 : memref<10240x128xf32, #tpu.memory_space<vmem_shared>>) target(%arg12 : memref<128x128xf32, #tpu.memory_space<vmem>>) offsets(%dma_start3A_21 : memref<128xi32, #tpu.memory_space<vmem>>) semaphore(%arg17 : memref<!tpu.dma_semaphore, #tpu.memory_space<semaphore_mem>>)
    %dma_wait3A = arith.constant 0 : i32
    %dma_wait3A_25 = arith.constant 0 : i32
    %dma_wait3A_26 = tpu.memref_slice %arg15[%dma_wait3A, %dma_wait3A_25] : memref<5x128xi32, #tpu.memory_space<vmem>> -> memref<1x128xi32, #tpu.memory_space<vmem>>
    %dma_wait3A_27 = tpu.memref_squeeze %dma_wait3A_26 : memref<1x128xi32, #tpu.memory_space<vmem>> -> memref<128xi32, #tpu.memory_space<vmem>>
    %dma_wait3A_28 = arith.constant 0 : i32
    %dma_wait3A_29 = arith.constant 0 : i32
    %dma_wait3A_30 = tpu.memref_slice %arg16[%dma_wait3A_28, %dma_wait3A_29] : memref<10240x128xf32, #tpu.memory_space<vmem_shared>> -> memref<10240x128xf32, #tpu.memory_space<vmem_shared>>
    tpu.wait_indirect_dma semaphore(%arg17 : memref<!tpu.dma_semaphore, #tpu.memory_space<semaphore_mem>>) src(%dma_wait3A_30 : memref<10240x128xf32, #tpu.memory_space<vmem_shared>>) dst(%arg12 : memref<128x128xf32, #tpu.memory_space<vmem>>)
    "tpu.region"() ({
      %run_scoped3A_95 = tpu.sem_alloc : memref<!tpu.dma_semaphore, #tpu.memory_space<semaphore_mem>>
      %dma_start3A_96 = arith.constant 0 : i32
      %dma_start3A_97 = tpu.memref_slice %arg8[%add3A_18, %dma_start3A_96] : memref<10240x128xf32, #tpu.memory_space<hbm>> -> memref<128x128xf32, #tpu.memory_space<hbm>>
      %dma_start3A_98 = arith.constant 0 : i32
      %dma_start3A_99 = tpu.memref_slice %arg8[%add3A_18, %dma_start3A_98] : memref<10240x128xf32, #tpu.memory_space<hbm>> -> memref<128x128xf32, #tpu.memory_space<hbm>>
      tpu.enqueue_dma source(%arg12 : memref<128x128xf32, #tpu.memory_space<vmem>>) target(%dma_start3A_99 : memref<128x128xf32, #tpu.memory_space<hbm>>) target_semaphore(%run_scoped3A_95 : memref<!tpu.dma_semaphore, #tpu.memory_space<semaphore_mem>>)
      %dma_wait3A_100 = arith.constant 0 : i32
      %dma_wait3A_101 = tpu.memref_slice %arg8[%add3A_18, %dma_wait3A_100] : memref<10240x128xf32, #tpu.memory_space<hbm>> -> memref<128x128xf32, #tpu.memory_space<hbm>>
      %dma_wait3A_102 = arith.constant 0 : i32
      %dma_wait3A_103 = tpu.memref_slice %arg8[%add3A_18, %dma_wait3A_102] : memref<10240x128xf32, #tpu.memory_space<hbm>> -> memref<128x128xf32, #tpu.memory_space<hbm>>
      tpu.wait_dma2 semaphore(%run_scoped3A_95 : memref<!tpu.dma_semaphore, #tpu.memory_space<semaphore_mem>>) src(%arg12 : memref<128x128xf32, #tpu.memory_space<vmem>>) dst(%dma_wait3A_103 : memref<128x128xf32, #tpu.memory_space<hbm>>)
      tpu.yield
    }) : () -> ()
    %add3A_31 = arith.constant 128 : i32
    %add3A_32 = arith.addi %multiple_of3A, %add3A_31 : i32
    %dma_start3A_33 = arith.constant 1 : i32
    %dma_start3A_34 = arith.constant 0 : i32
    %dma_start3A_35 = tpu.memref_slice %arg15[%dma_start3A_33, %dma_start3A_34] : memref<5x128xi32, #tpu.memory_space<vmem>> -> memref<1x128xi32, #tpu.memory_space<vmem>>
    %dma_start3A_36 = tpu.memref_squeeze %dma_start3A_35 : memref<1x128xi32, #tpu.memory_space<vmem>> -> memref<128xi32, #tpu.memory_space<vmem>>
    %dma_start3A_37 = arith.constant 0 : i32
    %dma_start3A_38 = arith.constant 0 : i32
    %dma_start3A_39 = tpu.memref_slice %arg16[%dma_start3A_37, %dma_start3A_38] : memref<10240x128xf32, #tpu.memory_space<vmem_shared>> -> memref<10240x128xf32, #tpu.memory_space<vmem_shared>>
    tpu.enqueue_indirect_dma source(%dma_start3A_39 : memref<10240x128xf32, #tpu.memory_space<vmem_shared>>) target(%arg12 : memref<128x128xf32, #tpu.memory_space<vmem>>) offsets(%dma_start3A_36 : memref<128xi32, #tpu.memory_space<vmem>>) semaphore(%arg17 : memref<!tpu.dma_semaphore, #tpu.memory_space<semaphore_mem>>)
    %dma_wait3A_40 = arith.constant 1 : i32
    %dma_wait3A_41 = arith.constant 0 : i32
    %dma_wait3A_42 = tpu.memref_slice %arg15[%dma_wait3A_40, %dma_wait3A_41] : memref<5x128xi32, #tpu.memory_space<vmem>> -> memref<1x128xi32, #tpu.memory_space<vmem>>
    %dma_wait3A_43 = tpu.memref_squeeze %dma_wait3A_42 : memref<1x128xi32, #tpu.memory_space<vmem>> -> memref<128xi32, #tpu.memory_space<vmem>>
    %dma_wait3A_44 = arith.constant 0 : i32
    %dma_wait3A_45 = arith.constant 0 : i32
    %dma_wait3A_46 = tpu.memref_slice %arg16[%dma_wait3A_44, %dma_wait3A_45] : memref<10240x128xf32, #tpu.memory_space<vmem_shared>> -> memref<10240x128xf32, #tpu.memory_space<vmem_shared>>
    tpu.wait_indirect_dma semaphore(%arg17 : memref<!tpu.dma_semaphore, #tpu.memory_space<semaphore_mem>>) src(%dma_wait3A_46 : memref<10240x128xf32, #tpu.memory_space<vmem_shared>>) dst(%arg12 : memref<128x128xf32, #tpu.memory_space<vmem>>)
    "tpu.region"() ({
      %run_scoped3A_95 = tpu.sem_alloc : memref<!tpu.dma_semaphore, #tpu.memory_space<semaphore_mem>>
      %dma_start3A_96 = arith.constant 0 : i32
      %dma_start3A_97 = tpu.memref_slice %arg8[%add3A_32, %dma_start3A_96] : memref<10240x128xf32, #tpu.memory_space<hbm>> -> memref<128x128xf32, #tpu.memory_space<hbm>>
      %dma_start3A_98 = arith.constant 0 : i32
      %dma_start3A_99 = tpu.memref_slice %arg8[%add3A_32, %dma_start3A_98] : memref<10240x128xf32, #tpu.memory_space<hbm>> -> memref<128x128xf32, #tpu.memory_space<hbm>>
      tpu.enqueue_dma source(%arg12 : memref<128x128xf32, #tpu.memory_space<vmem>>) target(%dma_start3A_99 : memref<128x128xf32, #tpu.memory_space<hbm>>) target_semaphore(%run_scoped3A_95 : memref<!tpu.dma_semaphore, #tpu.memory_space<semaphore_mem>>)
      %dma_wait3A_100 = arith.constant 0 : i32
      %dma_wait3A_101 = tpu.memref_slice %arg8[%add3A_32, %dma_wait3A_100] : memref<10240x128xf32, #tpu.memory_space<hbm>> -> memref<128x128xf32, #tpu.memory_space<hbm>>
      %dma_wait3A_102 = arith.constant 0 : i32
      %dma_wait3A_103 = tpu.memref_slice %arg8[%add3A_32, %dma_wait3A_102] : memref<10240x128xf32, #tpu.memory_space<hbm>> -> memref<128x128xf32, #tpu.memory_space<hbm>>
      tpu.wait_dma2 semaphore(%run_scoped3A_95 : memref<!tpu.dma_semaphore, #tpu.memory_space<semaphore_mem>>) src(%arg12 : memref<128x128xf32, #tpu.memory_space<vmem>>) dst(%dma_wait3A_103 : memref<128x128xf32, #tpu.memory_space<hbm>>)
      tpu.yield
    }) : () -> ()
    %add3A_47 = arith.constant 256 : i32
    %add3A_48 = arith.addi %multiple_of3A, %add3A_47 : i32
    %dma_start3A_49 = arith.constant 2 : i32
    %dma_start3A_50 = arith.constant 0 : i32
    %dma_start3A_51 = tpu.memref_slice %arg15[%dma_start3A_49, %dma_start3A_50] : memref<5x128xi32, #tpu.memory_space<vmem>> -> memref<1x128xi32, #tpu.memory_space<vmem>>
    %dma_start3A_52 = tpu.memref_squeeze %dma_start3A_51 : memref<1x128xi32, #tpu.memory_space<vmem>> -> memref<128xi32, #tpu.memory_space<vmem>>
    %dma_start3A_53 = arith.constant 0 : i32
    %dma_start3A_54 = arith.constant 0 : i32
    %dma_start3A_55 = tpu.memref_slice %arg16[%dma_start3A_53, %dma_start3A_54] : memref<10240x128xf32, #tpu.memory_space<vmem_shared>> -> memref<10240x128xf32, #tpu.memory_space<vmem_shared>>
    tpu.enqueue_indirect_dma source(%dma_start3A_55 : memref<10240x128xf32, #tpu.memory_space<vmem_shared>>) target(%arg12 : memref<128x128xf32, #tpu.memory_space<vmem>>) offsets(%dma_start3A_52 : memref<128xi32, #tpu.memory_space<vmem>>) semaphore(%arg17 : memref<!tpu.dma_semaphore, #tpu.memory_space<semaphore_mem>>)
    %dma_wait3A_56 = arith.constant 2 : i32
    %dma_wait3A_57 = arith.constant 0 : i32
    %dma_wait3A_58 = tpu.memref_slice %arg15[%dma_wait3A_56, %dma_wait3A_57] : memref<5x128xi32, #tpu.memory_space<vmem>> -> memref<1x128xi32, #tpu.memory_space<vmem>>
    %dma_wait3A_59 = tpu.memref_squeeze %dma_wait3A_58 : memref<1x128xi32, #tpu.memory_space<vmem>> -> memref<128xi32, #tpu.memory_space<vmem>>
    %dma_wait3A_60 = arith.constant 0 : i32
    %dma_wait3A_61 = arith.constant 0 : i32
    %dma_wait3A_62 = tpu.memref_slice %arg16[%dma_wait3A_60, %dma_wait3A_61] : memref<10240x128xf32, #tpu.memory_space<vmem_shared>> -> memref<10240x128xf32, #tpu.memory_space<vmem_shared>>
    tpu.wait_indirect_dma semaphore(%arg17 : memref<!tpu.dma_semaphore, #tpu.memory_space<semaphore_mem>>) src(%dma_wait3A_62 : memref<10240x128xf32, #tpu.memory_space<vmem_shared>>) dst(%arg12 : memref<128x128xf32, #tpu.memory_space<vmem>>)
    "tpu.region"() ({
      %run_scoped3A_95 = tpu.sem_alloc : memref<!tpu.dma_semaphore, #tpu.memory_space<semaphore_mem>>
      %dma_start3A_96 = arith.constant 0 : i32
      %dma_start3A_97 = tpu.memref_slice %arg8[%add3A_48, %dma_start3A_96] : memref<10240x128xf32, #tpu.memory_space<hbm>> -> memref<128x128xf32, #tpu.memory_space<hbm>>
      %dma_start3A_98 = arith.constant 0 : i32
      %dma_start3A_99 = tpu.memref_slice %arg8[%add3A_48, %dma_start3A_98] : memref<10240x128xf32, #tpu.memory_space<hbm>> -> memref<128x128xf32, #tpu.memory_space<hbm>>
      tpu.enqueue_dma source(%arg12 : memref<128x128xf32, #tpu.memory_space<vmem>>) target(%dma_start3A_99 : memref<128x128xf32, #tpu.memory_space<hbm>>) target_semaphore(%run_scoped3A_95 : memref<!tpu.dma_semaphore, #tpu.memory_space<semaphore_mem>>)
      %dma_wait3A_100 = arith.constant 0 : i32
      %dma_wait3A_101 = tpu.memref_slice %arg8[%add3A_48, %dma_wait3A_100] : memref<10240x128xf32, #tpu.memory_space<hbm>> -> memref<128x128xf32, #tpu.memory_space<hbm>>
      %dma_wait3A_102 = arith.constant 0 : i32
      %dma_wait3A_103 = tpu.memref_slice %arg8[%add3A_48, %dma_wait3A_102] : memref<10240x128xf32, #tpu.memory_space<hbm>> -> memref<128x128xf32, #tpu.memory_space<hbm>>
      tpu.wait_dma2 semaphore(%run_scoped3A_95 : memref<!tpu.dma_semaphore, #tpu.memory_space<semaphore_mem>>) src(%arg12 : memref<128x128xf32, #tpu.memory_space<vmem>>) dst(%dma_wait3A_103 : memref<128x128xf32, #tpu.memory_space<hbm>>)
      tpu.yield
    }) : () -> ()
    %add3A_63 = arith.constant 384 : i32
    %add3A_64 = arith.addi %multiple_of3A, %add3A_63 : i32
    %dma_start3A_65 = arith.constant 3 : i32
    %dma_start3A_66 = arith.constant 0 : i32
    %dma_start3A_67 = tpu.memref_slice %arg15[%dma_start3A_65, %dma_start3A_66] : memref<5x128xi32, #tpu.memory_space<vmem>> -> memref<1x128xi32, #tpu.memory_space<vmem>>
    %dma_start3A_68 = tpu.memref_squeeze %dma_start3A_67 : memref<1x128xi32, #tpu.memory_space<vmem>> -> memref<128xi32, #tpu.memory_space<vmem>>
    %dma_start3A_69 = arith.constant 0 : i32
    %dma_start3A_70 = arith.constant 0 : i32
    %dma_start3A_71 = tpu.memref_slice %arg16[%dma_start3A_69, %dma_start3A_70] : memref<10240x128xf32, #tpu.memory_space<vmem_shared>> -> memref<10240x128xf32, #tpu.memory_space<vmem_shared>>
    tpu.enqueue_indirect_dma source(%dma_start3A_71 : memref<10240x128xf32, #tpu.memory_space<vmem_shared>>) target(%arg12 : memref<128x128xf32, #tpu.memory_space<vmem>>) offsets(%dma_start3A_68 : memref<128xi32, #tpu.memory_space<vmem>>) semaphore(%arg17 : memref<!tpu.dma_semaphore, #tpu.memory_space<semaphore_mem>>)
    %dma_wait3A_72 = arith.constant 3 : i32
    %dma_wait3A_73 = arith.constant 0 : i32
    %dma_wait3A_74 = tpu.memref_slice %arg15[%dma_wait3A_72, %dma_wait3A_73] : memref<5x128xi32, #tpu.memory_space<vmem>> -> memref<1x128xi32, #tpu.memory_space<vmem>>
    %dma_wait3A_75 = tpu.memref_squeeze %dma_wait3A_74 : memref<1x128xi32, #tpu.memory_space<vmem>> -> memref<128xi32, #tpu.memory_space<vmem>>
    %dma_wait3A_76 = arith.constant 0 : i32
    %dma_wait3A_77 = arith.constant 0 : i32
    %dma_wait3A_78 = tpu.memref_slice %arg16[%dma_wait3A_76, %dma_wait3A_77] : memref<10240x128xf32, #tpu.memory_space<vmem_shared>> -> memref<10240x128xf32, #tpu.memory_space<vmem_shared>>
    tpu.wait_indirect_dma semaphore(%arg17 : memref<!tpu.dma_semaphore, #tpu.memory_space<semaphore_mem>>) src(%dma_wait3A_78 : memref<10240x128xf32, #tpu.memory_space<vmem_shared>>) dst(%arg12 : memref<128x128xf32, #tpu.memory_space<vmem>>)
    "tpu.region"() ({
      %run_scoped3A_95 = tpu.sem_alloc : memref<!tpu.dma_semaphore, #tpu.memory_space<semaphore_mem>>
      %dma_start3A_96 = arith.constant 0 : i32
      %dma_start3A_97 = tpu.memref_slice %arg8[%add3A_64, %dma_start3A_96] : memref<10240x128xf32, #tpu.memory_space<hbm>> -> memref<128x128xf32, #tpu.memory_space<hbm>>
      %dma_start3A_98 = arith.constant 0 : i32
      %dma_start3A_99 = tpu.memref_slice %arg8[%add3A_64, %dma_start3A_98] : memref<10240x128xf32, #tpu.memory_space<hbm>> -> memref<128x128xf32, #tpu.memory_space<hbm>>
      tpu.enqueue_dma source(%arg12 : memref<128x128xf32, #tpu.memory_space<vmem>>) target(%dma_start3A_99 : memref<128x128xf32, #tpu.memory_space<hbm>>) target_semaphore(%run_scoped3A_95 : memref<!tpu.dma_semaphore, #tpu.memory_space<semaphore_mem>>)
      %dma_wait3A_100 = arith.constant 0 : i32
      %dma_wait3A_101 = tpu.memref_slice %arg8[%add3A_64, %dma_wait3A_100] : memref<10240x128xf32, #tpu.memory_space<hbm>> -> memref<128x128xf32, #tpu.memory_space<hbm>>
      %dma_wait3A_102 = arith.constant 0 : i32
      %dma_wait3A_103 = tpu.memref_slice %arg8[%add3A_64, %dma_wait3A_102] : memref<10240x128xf32, #tpu.memory_space<hbm>> -> memref<128x128xf32, #tpu.memory_space<hbm>>
      tpu.wait_dma2 semaphore(%run_scoped3A_95 : memref<!tpu.dma_semaphore, #tpu.memory_space<semaphore_mem>>) src(%arg12 : memref<128x128xf32, #tpu.memory_space<vmem>>) dst(%dma_wait3A_103 : memref<128x128xf32, #tpu.memory_space<hbm>>)
      tpu.yield
    }) : () -> ()
    %add3A_79 = arith.constant 512 : i32
    %add3A_80 = arith.addi %multiple_of3A, %add3A_79 : i32
    %dma_start3A_81 = arith.constant 4 : i32
    %dma_start3A_82 = arith.constant 0 : i32
    %dma_start3A_83 = tpu.memref_slice %arg15[%dma_start3A_81, %dma_start3A_82] : memref<5x128xi32, #tpu.memory_space<vmem>> -> memref<1x128xi32, #tpu.memory_space<vmem>>
    %dma_start3A_84 = tpu.memref_squeeze %dma_start3A_83 : memref<1x128xi32, #tpu.memory_space<vmem>> -> memref<128xi32, #tpu.memory_space<vmem>>
    %dma_start3A_85 = arith.constant 0 : i32
    %dma_start3A_86 = arith.constant 0 : i32
    %dma_start3A_87 = tpu.memref_slice %arg16[%dma_start3A_85, %dma_start3A_86] : memref<10240x128xf32, #tpu.memory_space<vmem_shared>> -> memref<10240x128xf32, #tpu.memory_space<vmem_shared>>
    tpu.enqueue_indirect_dma source(%dma_start3A_87 : memref<10240x128xf32, #tpu.memory_space<vmem_shared>>) target(%arg12 : memref<128x128xf32, #tpu.memory_space<vmem>>) offsets(%dma_start3A_84 : memref<128xi32, #tpu.memory_space<vmem>>) semaphore(%arg17 : memref<!tpu.dma_semaphore, #tpu.memory_space<semaphore_mem>>)
    %dma_wait3A_88 = arith.constant 4 : i32
    %dma_wait3A_89 = arith.constant 0 : i32
    %dma_wait3A_90 = tpu.memref_slice %arg15[%dma_wait3A_88, %dma_wait3A_89] : memref<5x128xi32, #tpu.memory_space<vmem>> -> memref<1x128xi32, #tpu.memory_space<vmem>>
    %dma_wait3A_91 = tpu.memref_squeeze %dma_wait3A_90 : memref<1x128xi32, #tpu.memory_space<vmem>> -> memref<128xi32, #tpu.memory_space<vmem>>
    %dma_wait3A_92 = arith.constant 0 : i32
    %dma_wait3A_93 = arith.constant 0 : i32
    %dma_wait3A_94 = tpu.memref_slice %arg16[%dma_wait3A_92, %dma_wait3A_93] : memref<10240x128xf32, #tpu.memory_space<vmem_shared>> -> memref<10240x128xf32, #tpu.memory_space<vmem_shared>>
    tpu.wait_indirect_dma semaphore(%arg17 : memref<!tpu.dma_semaphore, #tpu.memory_space<semaphore_mem>>) src(%dma_wait3A_94 : memref<10240x128xf32, #tpu.memory_space<vmem_shared>>) dst(%arg12 : memref<128x128xf32, #tpu.memory_space<vmem>>)
    "tpu.region"() ({
      %run_scoped3A_95 = tpu.sem_alloc : memref<!tpu.dma_semaphore, #tpu.memory_space<semaphore_mem>>
      %dma_start3A_96 = arith.constant 0 : i32
      %dma_start3A_97 = tpu.memref_slice %arg8[%add3A_80, %dma_start3A_96] : memref<10240x128xf32, #tpu.memory_space<hbm>> -> memref<128x128xf32, #tpu.memory_space<hbm>>
      %dma_start3A_98 = arith.constant 0 : i32
      %dma_start3A_99 = tpu.memref_slice %arg8[%add3A_80, %dma_start3A_98] : memref<10240x128xf32, #tpu.memory_space<hbm>> -> memref<128x128xf32, #tpu.memory_space<hbm>>
      tpu.enqueue_dma source(%arg12 : memref<128x128xf32, #tpu.memory_space<vmem>>) target(%dma_start3A_99 : memref<128x128xf32, #tpu.memory_space<hbm>>) target_semaphore(%run_scoped3A_95 : memref<!tpu.dma_semaphore, #tpu.memory_space<semaphore_mem>>)
      %dma_wait3A_100 = arith.constant 0 : i32
      %dma_wait3A_101 = tpu.memref_slice %arg8[%add3A_80, %dma_wait3A_100] : memref<10240x128xf32, #tpu.memory_space<hbm>> -> memref<128x128xf32, #tpu.memory_space<hbm>>
      %dma_wait3A_102 = arith.constant 0 : i32
      %dma_wait3A_103 = tpu.memref_slice %arg8[%add3A_80, %dma_wait3A_102] : memref<10240x128xf32, #tpu.memory_space<hbm>> -> memref<128x128xf32, #tpu.memory_space<hbm>>
      tpu.wait_dma2 semaphore(%run_scoped3A_95 : memref<!tpu.dma_semaphore, #tpu.memory_space<semaphore_mem>>) src(%arg12 : memref<128x128xf32, #tpu.memory_space<vmem>>) dst(%dma_wait3A_103 : memref<128x128xf32, #tpu.memory_space<hbm>>)
      tpu.yield
    }) : () -> ()
    "tpu.region"() ({
      %run_scoped3A_95 = tpu.sem_alloc : memref<!tpu.dma_semaphore, #tpu.memory_space<semaphore_mem>>
      %dma_start3A_96 = arith.constant 0 : i32
      %dma_start3A_97 = tpu.memref_slice %arg9[%arg1, %dma_start3A_96] : memref<16x10240xf32, #tpu.memory_space<hbm>> -> memref<1x10240xf32, #tpu.memory_space<hbm>>
      %dma_start3A_98 = tpu.memref_squeeze %dma_start3A_97 : memref<1x10240xf32, #tpu.memory_space<hbm>> -> memref<10240xf32, #tpu.memory_space<hbm>>
      %dma_start3A_99 = arith.constant 0 : i32
      %dma_start3A_100 = tpu.memref_slice %arg9[%arg1, %dma_start3A_99] : memref<16x10240xf32, #tpu.memory_space<hbm>> -> memref<1x10240xf32, #tpu.memory_space<hbm>>
      %dma_start3A_101 = tpu.memref_squeeze %dma_start3A_100 : memref<1x10240xf32, #tpu.memory_space<hbm>> -> memref<10240xf32, #tpu.memory_space<hbm>>
      tpu.enqueue_dma source(%arg14 : memref<10240xf32, #tpu.memory_space<vmem>>) target(%dma_start3A_101 : memref<10240xf32, #tpu.memory_space<hbm>>) target_semaphore(%run_scoped3A_95 : memref<!tpu.dma_semaphore, #tpu.memory_space<semaphore_mem>>)
      %dma_wait3A_102 = arith.constant 0 : i32
      %dma_wait3A_103 = tpu.memref_slice %arg9[%arg1, %dma_wait3A_102] : memref<16x10240xf32, #tpu.memory_space<hbm>> -> memref<1x10240xf32, #tpu.memory_space<hbm>>
      %dma_wait3A_104 = tpu.memref_squeeze %dma_wait3A_103 : memref<1x10240xf32, #tpu.memory_space<hbm>> -> memref<10240xf32, #tpu.memory_space<hbm>>
      %dma_wait3A_105 = arith.constant 0 : i32
      %dma_wait3A_106 = tpu.memref_slice %arg9[%arg1, %dma_wait3A_105] : memref<16x10240xf32, #tpu.memory_space<hbm>> -> memref<1x10240xf32, #tpu.memory_space<hbm>>
      %dma_wait3A_107 = tpu.memref_squeeze %dma_wait3A_106 : memref<1x10240xf32, #tpu.memory_space<hbm>> -> memref<10240xf32, #tpu.memory_space<hbm>>
      tpu.wait_dma2 semaphore(%run_scoped3A_95 : memref<!tpu.dma_semaphore, #tpu.memory_space<semaphore_mem>>) src(%arg14 : memref<10240xf32, #tpu.memory_space<vmem>>) dst(%dma_wait3A_107 : memref<10240xf32, #tpu.memory_space<hbm>>)
      tpu.yield
    }) : () -> ()
    return
  }
}

module attributes {stable_mosaic.version = 14 : i64} {
  func.func @_tc_bundle(%arg0: i32, %arg1: memref<512x128xf32, #tpu.memory_space<vmem>>, %arg2: memref<512x128xf32, #tpu.memory_space<vmem>>, %arg3: memref<16x512xf32, #tpu.memory_space<vmem>>, %arg4: memref<128x128xf32, #tpu.memory_space<vmem>>, %arg5: memref<128x128xf32, #tpu.memory_space<vmem>>, %arg6: memref<1x128xf32, #tpu.memory_space<vmem>>, %arg7: memref<512x128xf32, #tpu.memory_space<vmem>>) attributes {dimension_semantics = [#tpu.dimension_semantics<arbitrary>], iteration_bounds = array<i64: 20>, scalar_prefetch = 0 : i64, scratch_operands = 0 : i64, tpu.core_type = #tpu.core_type<tc>, window_params = [{transform_indices = @transform_0, window_bounds = array<i64: 512, 128>}, {transform_indices = @transform_1, window_bounds = array<i64: 512, 128>}, {transform_indices = @transform_2, window_bounds = array<i64: 16, 512>}, {pipeline_mode = #tpu.pipeline_mode<synchronous>, transform_indices = @transform_3, window_bounds = array<i64: 128, 128>}, {pipeline_mode = #tpu.pipeline_mode<synchronous>, transform_indices = @transform_4, window_bounds = array<i64: 128, 128>}, {pipeline_mode = #tpu.pipeline_mode<synchronous>, transform_indices = @transform_5, window_bounds = array<i64: 1, 128>}, {transform_indices = @transform_6, window_bounds = array<i64: 512, 128>}]} {
    %get3A = arith.constant 0 : index
    %get3A_0 = arith.constant 0 : index
    %get3A_1 = vector.load %arg3[%get3A, %get3A_0] : memref<16x512xf32, #tpu.memory_space<vmem>>, vector<16x512xf32>
    %broadcast_in_dim3A = arith.constant 1.000000e+00 : f32
    %broadcast_in_dim3A_2 = vector.broadcast %broadcast_in_dim3A : f32 to vector<16x1xf32>
    %dot_general3A = arith.constant dense<0.000000e+00> : vector<512x1xf32>
    %dot_general3A_3 = tpu.matmul %get3A_1, %broadcast_in_dim3A_2, %dot_general3A {dimension_numbers = #tpu.dot_dimension_numbers<[0], [0], [1], [1], [0, 1, 1, 1], [], []>, transpose_lhs_hint = false} : vector<16x512xf32>, vector<16x1xf32>, vector<512x1xf32> -> vector<512x1xf32>
    %get3A_4 = arith.constant 0 : index
    %get3A_5 = arith.constant 0 : index
    %get3A_6 = vector.load %arg2[%get3A_4, %get3A_5] : memref<512x128xf32, #tpu.memory_space<vmem>>, vector<512x128xf32>
    %max3A = arith.constant 1.000000e+00 : f32
    %max3A_7 = vector.broadcast %max3A : f32 to vector<512x1xf32>
    %max3A_8 = arith.maximumf %dot_general3A_3, %max3A_7 : vector<512x1xf32>
    %div3A = arith.constant 1.000000e+00 : f32
    %div3A_9 = vector.broadcast %div3A : f32 to vector<512x1xf32>
    %div3A_10 = arith.divf %div3A_9, %max3A_8 : vector<512x1xf32>
    %mul3A = vector.broadcast %div3A_10 : vector<512x1xf32> to vector<512x128xf32>
    %mul3A_11 = arith.mulf %get3A_6, %mul3A : vector<512x128xf32>
    %get3A_12 = arith.constant 0 : index
    %get3A_13 = arith.constant 0 : index
    %get3A_14 = vector.load %arg1[%get3A_12, %get3A_13] : memref<512x128xf32, #tpu.memory_space<vmem>>, vector<512x128xf32>
    %get3A_15 = arith.constant 0 : index
    %get3A_16 = arith.constant 0 : index
    %get3A_17 = vector.load %arg4[%get3A_15, %get3A_16] : memref<128x128xf32, #tpu.memory_space<vmem>>, vector<128x128xf32>
    %dot_general3A_18 = arith.constant dense<0.000000e+00> : vector<512x128xf32>
    %dot_general3A_19 = tpu.matmul %get3A_14, %get3A_17, %dot_general3A_18 {dimension_numbers = #tpu.dot_dimension_numbers<[1], [0], [0], [1], [0, 0, 1, 1], [], []>, transpose_lhs_hint = false} : vector<512x128xf32>, vector<128x128xf32>, vector<512x128xf32> -> vector<512x128xf32>
    %get3A_20 = arith.constant 0 : index
    %get3A_21 = arith.constant 0 : index
    %get3A_22 = vector.load %arg5[%get3A_20, %get3A_21] : memref<128x128xf32, #tpu.memory_space<vmem>>, vector<128x128xf32>
    %dot_general3A_23 = arith.constant dense<0.000000e+00> : vector<512x128xf32>
    %dot_general3A_24 = tpu.matmul %mul3A_11, %get3A_22, %dot_general3A_23 {dimension_numbers = #tpu.dot_dimension_numbers<[1], [0], [0], [1], [0, 0, 1, 1], [], []>, transpose_lhs_hint = false} : vector<512x128xf32>, vector<128x128xf32>, vector<512x128xf32> -> vector<512x128xf32>
    %add3A = arith.addf %dot_general3A_19, %dot_general3A_24 : vector<512x128xf32>
    %get3A_25 = arith.constant 0 : index
    %get3A_26 = arith.constant 0 : index
    %get3A_27 = vector.load %arg6[%get3A_25, %get3A_26] : memref<1x128xf32, #tpu.memory_space<vmem>>, vector<1x128xf32>
    %add3A_28 = vector.broadcast %get3A_27 : vector<1x128xf32> to vector<512x128xf32>
    %add3A_29 = arith.addf %add3A, %add3A_28 : vector<512x128xf32>
    %mul3A_30 = arith.mulf %add3A_29, %add3A_29 : vector<512x128xf32>
    %reduce_sum3A = arith.constant dense<0.000000e+00> : vector<512xf32>
    %reduce_sum3A_31 = vector.multi_reduction <add>, %mul3A_30, %reduce_sum3A [1] : vector<512x128xf32> to vector<512xf32>
    %broadcast_in_dim3A_32 = vector.shape_cast %reduce_sum3A_31 : vector<512xf32> to vector<512x1xf32>
    %sqrt3A = math.sqrt %broadcast_in_dim3A_32 : vector<512x1xf32>
    %max3A_33 = arith.constant 9.99999996E-13 : f32
    %max3A_34 = vector.broadcast %max3A_33 : f32 to vector<512x1xf32>
    %max3A_35 = arith.maximumf %sqrt3A, %max3A_34 : vector<512x1xf32>
    %div3A_36 = vector.broadcast %max3A_35 : vector<512x1xf32> to vector<512x128xf32>
    %div3A_37 = arith.divf %add3A_29, %div3A_36 : vector<512x128xf32>
    %max3A_38 = arith.constant 0.000000e+00 : f32
    %max3A_39 = vector.broadcast %max3A_38 : f32 to vector<512x128xf32>
    %max3A_40 = arith.maximumf %div3A_37, %max3A_39 : vector<512x128xf32>
    %swap3A = arith.constant 0 : index
    %swap3A_41 = arith.constant 0 : index
    %swap3A_42 = vector.load %arg7[%swap3A, %swap3A_41] : memref<512x128xf32, #tpu.memory_space<vmem>>, vector<512x128xf32>
    tpu.vector_store %arg7[%swap3A, %swap3A_41], %max3A_40 {strides = array<i32>} : memref<512x128xf32, #tpu.memory_space<vmem>>, vector<512x128xf32>,
    return
  }
  func.func @transform_0(%arg0: i32) -> (i32, i32) {
    %c0_i32 = arith.constant 0 : i32
    %c0_i32_0 = arith.constant 0 : i32
    return %arg0, %c0_i32 : i32, i32
  }
  func.func @transform_1(%arg0: i32) -> (i32, i32) {
    %c0_i32 = arith.constant 0 : i32
    %c0_i32_0 = arith.constant 0 : i32
    return %arg0, %c0_i32 : i32, i32
  }
  func.func @transform_2(%arg0: i32) -> (i32, i32) {
    %c0_i32 = arith.constant 0 : i32
    %c0_i32_0 = arith.constant 0 : i32
    return %c0_i32, %arg0 : i32, i32
  }
  func.func @transform_3(%arg0: i32) -> (i32, i32) {
    %c0_i32 = arith.constant 0 : i32
    %c0_i32_0 = arith.constant 0 : i32
    %c0_i32_1 = arith.constant 0 : i32
    return %c0_i32, %c0_i32_0 : i32, i32
  }
  func.func @transform_4(%arg0: i32) -> (i32, i32) {
    %c0_i32 = arith.constant 0 : i32
    %c0_i32_0 = arith.constant 0 : i32
    %c0_i32_1 = arith.constant 0 : i32
    return %c0_i32, %c0_i32_0 : i32, i32
  }
  func.func @transform_5(%arg0: i32) -> (i32, i32) {
    %c0_i32 = arith.constant 0 : i32
    %c0_i32_0 = arith.constant 0 : i32
    %c0_i32_1 = arith.constant 0 : i32
    return %c0_i32, %c0_i32_0 : i32, i32
  }
  func.func @transform_6(%arg0: i32) -> (i32, i32) {
    %c0_i32 = arith.constant 0 : i32
    %c0_i32_0 = arith.constant 0 : i32
    return %arg0, %c0_i32 : i32, i32
  }
}

</mosaic_0001>

<sc_bundles>
// kernel: kernel.4.cloned.1.call-start
scs
__scs_entry_jumppad:
0x0: {  	(pc) =	sbr.rel $0x88, $3  }
0x1: {  	(tag) =	ssettag $0x0;
	lr =	simm.s32 $0x1  }
0x2: {  	[smem:$0x3F9D] =	sst lr;
	_ =	strace $0xD0000000  }
0x3: {  	_ = 	snop  }
0x4: {  	_ = 	snop  }
0x5: {  	_ = 	snop  }
0x6: {  	_ = 	snop  }
0x7: {  	_ = 	snop  }
__scs_overlays_trampoline_lowered:
0x8: {  	[smem:$0x3FAC] =	sst s0  }
0x9: {  	[smem:$0x3FAD] =	sst s1  }
0xa: {  	[smem:$0x3FAE] =	sst s2  }
0xb: {  	[smem:$0x3FAF] =	sst s3  }
0xc: {  	[smem:$0x3FB0] =	sst s4  }
0xd: {  	[smem:$0x3FB1] =	sst s5  }
0xe: {  	[smem:$0x3FB2] =	sst s6  }
0xf: {  	[smem:$0x3FB3] =	sst s7  }
0x10: {  	[smem:$0x3FB4] =	sst s8  }
0x11: {  	[smem:$0x3FB5] =	sst s9;
	s0 =	simm.s32 @!p0 $0x0  }
0x12: {  	s1 =	sld [smem:$0x3F9B];
	s0 =	simm.s32 @p0 $0x1  }
0x13: {  	[smem:$0x3FB6] =	sst s0;
	s0 =	simm.s32 @!p1 $0x0  }
0x14: {  	s2 =	sld [smem:$0x3F9A];
	s0 =	simm.s32 @p1 $0x1  }
0x15: {  	[smem:$0x3FB7] =	sst s0;
	s0 =	simm.s32 @!p2 $0x0  }
0x16: {  	s3 =	sld [smem:$0x3FDB];
	s0 =	simm.s32 @p2 $0x1  }
0x17: {  	s4 =	simm.s32 $0x1BF5;
	[smem:$0x3FB9] =	sst s0  }
0x18: {  	s0 =	sld [smem:$0x3F9C];
	_ =	swait.ge [sflag:s4], $0x0  }
0x19: {  	s7 =	sld [smem:$0x3F9D]  }
0x1a: {  	s8 =	sadd.s32 $0xFFFFE003, lr  }
0x1b: {  	s9 =	sadd.s32 $0xFFFFFEF7, lr;
	s5 =	simm.s32 $0xFFFFFFFF;
	p2 =	slt.u32 s8, $0xFFFFF086  }
0x1c: {  	p1 =	slt.u32 s9, $0xF7A;
	s5 =	simm.s32 @!p2 $0x0  }
0x1d: {  	s5 =	simm.s32 @p1 $0x1;
	p0 =	seq.s32 s7, s2  }
0x1e: {  	s7 =	smul.u32 @!p0 $0xF7A, s2;
	p2 =	seq.s32 @!p0 s5, $0x0  }
0x1f: {  	s9 =	smul.u32 $0xF7A, s1;
	s8 =	simm.s32 @!p0 $0x1BF5;
	p2 =	por !p2, p0  }
0x20: {  	[sflag:s8] =	ssyncset.s32 @!p0 $0xFFFFF086;
	s6 =	sadd.s32 @!p0 s3, s7;
	s7 =	simm.s32 @!p0 $0x108  }
0x21: {  	s3 =	sadd.s32 s3, s9;
	s6 =	sadd.s32 @!p0 $0x88, s6;
	s7 =	simm.s32 @p2 $0x1082  }
0x22: {  	[simem:s7], [sflag:s8] =	dma.local @!p0 [hbm:s6], $0xF7A  }
0x23: {  	s9 =	sor.u32 $0xD0000000, s2;
	s6 =	simm.s32 $0x108;
	_ =	swait.ge @!p0 [sflag:s8], $0x0  }
0x24: {  	s3 =	sadd.s32 $0x88, s3;
	s6 =	simm.s32 @!p1 $0x1082;
	[sflag:s4] =	ssyncset.s32 $0xFFFFF086  }
0x25: {  	[simem:s6], [sflag:s4] =	dma.local [hbm:s3], $0xF7A  }
0x26: {  	[smem:$0x3F9D] =	sst s1;
	(tag) =	ssettag s2;
	_ =	strace s9  }
0x27: {  	s1 =	sld [smem:$0x3FAD]  }
0x28: {  	s2 =	sld [smem:$0x3FAE]  }
0x29: {  	s4 =	sld [smem:$0x3FB0]  }
0x2a: {  	p0 =	seq.s32 s5, $0x0;
	s5 =	sld [smem:$0x3FB1]  }
0x2b: {  	s6 =	sld [smem:$0x3FB2]  }
0x2c: {  	s7 =	sld [smem:$0x3FB3]  }
0x2d: {  	s3 =	simm.s32 $0x108;
	s8 =	sld [smem:$0x3FB4]  }
0x2e: {  	s3 =	simm.s32 @!p0 $0x1082;
	s9 =	sld [smem:$0x3FB5]  }
0x2f: {  	lr =	sadd.s32 s0, s3;
	s0 =	sld [smem:$0x3FAC]  }
0x30: {  	s3 =	sld [smem:$0x3FAF]  }
0x31: {  	[smem:$0x3FB8] =	sst s10  }
0x32: {  	s10 =	sld [smem:$0x3FB6];
	_ =	sdelay $0x3  }
0x33: {  	p0 =	seq.s32 s10, $0x1;
	s10 =	sld [smem:$0x3FB8];
	_ =	sdelay $0x3  }
0x34: {  	[smem:$0x3FB8] =	sst s10  }
0x35: {  	s10 =	sld [smem:$0x3FB7];
	_ =	sdelay $0x3  }
0x36: {  	p1 =	seq.s32 s10, $0x1;
	s10 =	sld [smem:$0x3FB8];
	_ =	sdelay $0x3  }
0x37: {  	[smem:$0x3FB8] =	sst s10  }
0x38: {  	s10 =	sld [smem:$0x3FB9]  }
0x39: {  	_ = 	snop;
	(pc) =	sbr.ind lr, $3  }
0x3a: {  	_ = 	snop  }
0x3b: {  	_ = 	snop  }
0x3c: {  	p2 =	seq.s32 s10, $0x1;
	s10 =	sld [smem:$0x3FB8]  }
0x3d: {  	_ =	shalt  }
0x3e: {  	_ =	shalt  }
0x3f: {  	_ =	shalt  }
0x40: {  	_ =	shalt  }
0x41: {  	_ =	shalt  }
0x42: {  	_ =	shalt  }
0x43: {  	_ =	shalt  }
0x44: {  	_ =	shalt  }
0x45: {  	_ =	shalt  }
0x46: {  	_ =	shalt  }
0x47: {  	_ =	shalt  }
0x48: {  	_ =	shalt  }
0x49: {  	_ =	shalt  }
0x4a: {  	_ =	shalt  }
0x4b: {  	_ =	shalt  }
0x4c: {  	_ =	shalt  }
0x4d: {  	_ =	shalt  }
0x4e: {  	_ =	shalt  }
0x4f: {  	_ =	shalt  }
0x50: {  	_ =	shalt  }
0x51: {  	_ =	shalt  }
0x52: {  	_ =	shalt  }
0x53: {  	_ =	shalt  }
0x54: {  	_ =	shalt  }
0x55: {  	_ =	shalt  }
0x56: {  	_ =	shalt  }
0x57: {  	_ =	shalt  }
0x58: {  	_ =	shalt  }
0x59: {  	_ =	shalt  }
0x5a: {  	_ =	shalt  }
0x5b: {  	_ =	shalt  }
0x5c: {  	_ =	shalt  }
0x5d: {  	_ =	shalt  }
0x5e: {  	_ =	shalt  }
0x5f: {  	_ =	shalt  }
0x60: {  	_ =	shalt  }
0x61: {  	_ =	shalt  }
0x62: {  	_ =	shalt  }
0x63: {  	_ =	shalt  }
0x64: {  	_ =	shalt  }
0x65: {  	_ =	shalt  }
0x66: {  	_ =	shalt  }
0x67: {  	_ =	shalt  }
0x68: {  	_ =	shalt  }
0x69: {  	_ =	shalt  }
0x6a: {  	_ =	shalt  }
0x6b: {  	_ =	shalt  }
0x6c: {  	_ =	shalt  }
0x6d: {  	_ =	shalt  }
0x6e: {  	_ =	shalt  }
0x6f: {  	_ =	shalt  }
0x70: {  	_ =	shalt  }
0x71: {  	_ =	shalt  }
0x72: {  	_ =	shalt  }
0x73: {  	_ =	shalt  }
0x74: {  	_ =	shalt  }
0x75: {  	_ =	shalt  }
0x76: {  	_ =	shalt  }
0x77: {  	_ =	shalt  }
0x78: {  	_ =	shalt  }
0x79: {  	_ =	shalt  }
0x7a: {  	_ =	shalt  }
0x7b: {  	_ =	shalt  }
0x7c: {  	_ =	shalt  }
0x7d: {  	_ =	shalt  }
0x7e: {  	_ =	shalt  }
0x7f: {  	_ =	shalt  }
0x80: {  	_ =	shalt  }
0x81: {  	_ =	shalt  }
0x82: {  	_ =	shalt  }
0x83: {  	_ =	shalt  }
0x84: {  	_ =	shalt  }
0x85: {  	_ =	shalt  }
0x86: {  	_ =	shalt  }
0x87: {  	_ =	shalt  }
.Lfunc_end0:
.L_simem_size_0:
called_computation_lowered:
.L_overlay_start_0:
0x88: {  	s0 =	sld [smem:$0x3FD9]  }
0x89: {  	s1 =	sld [smem:$0x3FFE];
	_ =	sdelay $0x3  }
0x8a: {  	s0 =	sadd.s32 s1, s0  }
0x8b: {  	[smem:$0x3FC4] =	sst s0  }
0x8c: {  	_ = 	snop  }
0x8d: {  	s0 =	sld [smem:$0x3FD0];
	(tm) =	ssettm $0x1  }
0x8e: {  	s16 =	sld [smem:$0x3FFB];
	_ =	sdelay $0x3  }
0x8f: {  	_ =	strace s16  }
0x90: {  	s1 =	sld [smem:$0x3FFC];
	_ =	sdelay $0x3  }
0x91: {  	_ =	strace s1  }
0x92: {  	s1 =	sld [smem:$0x3FFD];
	_ =	sdelay $0x3  }
0x93: {  	_ =	strace s1  }
0x94: {  	_ =	strace $0x8FFFFFFF  }
0x95: {  	s17 =	sld [smem:$0x3FDB];
	_ =	sdelay $0x1  }
0x96: {  	s2 =	simm.s32 $_scs_section_size  }
0x97: {  	s3 =	simm.s32 $_size__tile_overlayer_lowered;
	s4 =	simm.s32 $_tile_overlayer_lowered  }
0x98: {  	s20 =	simm.s32 $0x1BFF;
	s19 =	sshll.u32 s4, $0x1;
	s1 =	sadd.s32 s2, s17  }
0x99: {  	s5 =	simm.s32 $0x0;
	s18 =	sshll.u32 s3, $0x1;
	s3 =	sadd.s32 s19, s1  }
0x9a: {  	[timem:s5], [sflag:s20] =	dma.local [hbm:s3], s18  }
0x9b: {  	_ =	swait.ge [sflag:s20], s18  }
0x9c: {  	s2 =	ssub.s32 $0x0, s18;
	[sflag:s20] =	ssyncset.done $0x0  }
0x9d: {  	[sflag:s20] =	ssyncadd.s32 s2;
	_ =	sdelay $0x1  }
0x9e: {  	s21 =	simm.s32 $0x1B8B  }
0x9f: {  	_ =	swait.ge [sflag:s21], $0x1  }
0xa0: {  	[sflag:s21] =	ssyncset.done $0x0  }
0xa1: {  	s23 =	simm.s32 $0x1B8E;
	s22 =	sld [smem:$0x3FFE];
	[sflag:s21] =	ssyncadd.s32 $0xFFFFFFFF  }
0xa2: {  	s24 =	simm.s32 $execute0_lowered;
	[smem:$0x3FD2] =	sst s23  }
0xa3: {  	s3 =	sshll.u32 s24, $0x1;
	_ =	strace $0x80000046;
	[dreg:$0x1] =	wrdreg $0xFFFFFFFF  }
0xa4: {  	s25 =	simm.s32 $_size_execute0_lowered;
	s1 =	sadd.s32 s1, s3;
	[dreg:$0x0] =	wrdreg $0x0  }
0xa5: {  	s3 =	sshll.u32 s25, $0x1;
	[dreg:$0x2] =	wrdreg s1  }
0xa6: {  	[dreg:$0x3] =	wrdreg s3  }
0xa7: {  	[dreg:$0x4] =	wrdreg $0xC0  }
0xa8: {  	_ =	task [dreg:s5], $0x5FFFF  }
0xa9: {  	[dreg:$0x1] =	wrdreg $0xFFFFFFFF  }
0xaa: {  	[dreg:$0x0] =	wrdreg $0x60  }
0xab: {  	[dreg:$0x2] =	wrdreg s22  }
0xac: {  	[dreg:$0x3] =	wrdreg s0  }
0xad: {  	[dreg:$0x4] =	wrdreg $0xBC000  }
0xae: {  	[dreg:$0x5] =	wrdreg $0x9  }
0xaf: {  	_ =	task.clear_ibuf [dreg:s5], $0x6FFFF;
	_ =	strace $0x90000046  }
0xb0: {  	s26 =	simm.s32 $0x9;
	_ =	strace $0x80000048  }
0xb1: {  	_ =	swait.ge [sflag:s26], $0x1  }
0xb2: {  	[sflag:s26] =	ssyncadd.s32 $0xFFFFFFFF  }
0xb3: {  	_ =	strace $0x90000048  }
0xb4: {  	_ =	sfence  }
0xb5: {  	s28 =	sld [smem:$0x0];
	_ =	sdelay $0x1  }
0xb6: {  	s29 =	srdreg.scid  }
0xb7: {  	s30 =	sshll.u32 s29, $0xD;
	s31 =	sshrl.u32 s29, $0x2  }
0xb8: {  	s2 =	sand.u32 $0x4000, s30;
	s1 =	sand.u32 $0x1, s29;
	s0 =	sadd.s32 s31, s28  }
0xb9: {  	s1 =	sor.u32 s2, s1;
	s0 =	sshll.u32 s0, $0x11  }
0xba: {  	s0 =	sor.u32 s0, s1  }
0xbb: {  	s0 =	sadd.s32 $0x8F2B, s0  }
0xbc: {  	[sflag:s0] =	ssyncadd.remote.s32 $0x1  }
0xbd: {  	_ =	sfence.sel $0xFFFF  }
0xbe: {  	[dreg:$0x0] =	wrdreg $0xFFFFFFFF;
	(pc) =	sbr.abs _section_cstart, $3  }
0xbf: {  	[dreg:$0x1] =	wrdreg $0xFFFFFFFF  }
0xc0: {  	_ =	task.clear_ibuf [dreg:s5], $0x2FFFF;
	_ =	strace $0x9FFFFFFF  }
0xc1: {  	(tm) =	ssettm $0x7FFFFFFF  }
tec
execute0_lowered:
.L_overlay_start_1:
0x0: {  	(tag) =	ssettag $0x1  }
0x1: {  	s0 =	rddreg [dreg:$0x0]  }
0x2: {  	s8 =	rddreg [dreg:$0x1]  }
0x3: {  	s2 =	rddreg [dreg:$0x2];
	s4 =	simm.s32 $0x0  }
0x4: {  	s5 =	simm.s32 $0x1000;
	[smem:$0x7FF] =	sst s4  }
0x5: {  	s6 =	simm.s32 $0x5;
	s1 =	sadd.s32 $0x34400, s0;
	_ =	strace $0x80000047  }
0x6: {  	[tilespmem:s5], [sflag:$0x5] =	stream.linear.gather [hbm4b:s1+s4], $0x4000, $0x38;
	[tilespmem:$0x1FC00] =	vst v63  }
0x7: {  	_ =	swait.ge [sflag:s6], $0x4000  }
0x8: {  	s21 =	stileid.u32;
	[sflag:s6] =	ssyncset.done $0x0  }
0x9: {  	s7 =	simm.s32 $0x9000;
	s3 =	sadd.s32 $0x33E00, s0;
	[sflag:s6] =	ssyncadd.s32 $0xFFFFC000  }
0xa: {  	[tilespmem:s7], [sflag:$0x5] =	stream.linear.gather [hbm4b:s3+s4], $0x2800, $0x38;
	[tilespmem:$0x1FC00] =	vst v63  }
0xb: {  	s22 =	sshll.u32 s21, $0x7;
	_ =	swait.ge [sflag:s6], $0x2800  }
0xc: {  	s10 =	simm.s32 $0xB800;
	s9 =	sadd.s32 s22, s0;
	[sflag:s6] =	ssyncset.done $0x0  }
0xd: {  	s9 =	sadd.s32 $0x1600, s9;
	[dreg:$0x15] =	wrdreg s22;
	[sflag:s6] =	ssyncadd.s32 $0xFFFFD800  }
0xe: {  	[tilespmem:s10], [sflag:$0x5] =	stream.linear.gather [hbm4b:s9+s4], $0x280, $0x38;
	[tilespmem:$0x1FC00] =	vst v63  }
0xf: {  	_ =	swait.ge [sflag:s6], $0x280  }
0x10: {  	[sflag:s6] =	ssyncset.done $0x0  }
0x11: {  	s9 =	simm.s32 $0x80;
	[sflag:s6] =	ssyncadd.s32 $0xFFFFFD80  }
0x12: {  	[spmem:s2] =	stream.indirect.scatter [tilespmem:s5], [sflag:$0x5], $0x80, s10, s9, $0xb8;
	[tilespmem:$0x1FC00] =	vst v63  }
0x13: {  	_ =	swait.ge [sflag:s6], $0x4000  }
0x14: {  	[sflag:s6] =	ssyncset.done $0x0  }
0x15: {  	s23 =	simm.s32 $0xB880;
	[sflag:s6] =	ssyncadd.s32 $0xFFFFC000  }
0x16: {  	[spmem:s2] =	stream.indirect.scatter [tilespmem:s5], [sflag:$0x5], $0x80, s23, s9, $0xb8;
	[tilespmem:$0x1FC00] =	vst v63  }
0x17: {  	_ =	swait.ge [sflag:s6], $0x4000  }
0x18: {  	[sflag:s6] =	ssyncset.done $0x0  }
0x19: {  	s24 =	simm.s32 $0xB900;
	[sflag:s6] =	ssyncadd.s32 $0xFFFFC000  }
0x1a: {  	[spmem:s2] =	stream.indirect.scatter [tilespmem:s5], [sflag:$0x5], $0x80, s24, s9, $0xb8;
	[tilespmem:$0x1FC00] =	vst v63  }
0x1b: {  	_ =	swait.ge [sflag:s6], $0x4000  }
0x1c: {  	[sflag:s6] =	ssyncset.done $0x0  }
0x1d: {  	s25 =	simm.s32 $0xB980;
	[sflag:s6] =	ssyncadd.s32 $0xFFFFC000  }
0x1e: {  	[spmem:s2] =	stream.indirect.scatter [tilespmem:s5], [sflag:$0x5], $0x80, s25, s9, $0xb8;
	[tilespmem:$0x1FC00] =	vst v63  }
0x1f: {  	_ =	swait.ge [sflag:s6], $0x4000  }
0x20: {  	[sflag:s6] =	ssyncset.done $0x0  }
0x21: {  	s26 =	simm.s32 $0xBA00;
	[sflag:s6] =	ssyncadd.s32 $0xFFFFC000  }
0x22: {  	[spmem:s2] =	stream.indirect.scatter [tilespmem:s5], [sflag:$0x5], $0x80, s26, s9, $0xb8;
	[tilespmem:$0x1FC00] =	vst v63  }
0x23: {  	_ =	swait.ge [sflag:s6], $0x4000  }
0x24: {  	s3 =	smul.u32 $0xA00, s21;
	[sflag:s6] =	ssyncset.done $0x0  }
0x25: {  	[sflag:s6] =	ssyncadd.s32 $0xFFFFC000  }
0x26: {  	s11 =	sadd.s32 s3, s0;
	s8 =	sadd.s32 s3, s8;
	[bflag:$0x0] =	sbarrier.arrive $0xFFFF  }
0x27: {  	s11 =	sadd.s32 $0x29E00, s11;
	[dreg:$0x4] =	wrdreg s8  }
0x28: {  	s12 =	simm.s32 $0x100;
	[dreg:$0x5] =	wrdreg s11  }
0x29: {  	s13 =	simm.s32 $0x880;
	[dreg:$0x6] =	wrdreg s12  }
0x2a: {  	s14 =	simm.s32 $0x180;
	[dreg:$0x7] =	wrdreg s13  }
0x2b: {  	s15 =	simm.s32 $0x900;
	[dreg:$0x8] =	wrdreg s14  }
0x2c: {  	s16 =	simm.s32 $0x200;
	s17 =	simm.s32 $0x980;
	[dreg:$0x9] =	wrdreg s15  }
0x2d: {  	s18 =	simm.s32 $0x280;
	s19 =	simm.s32 $0xA00;
	[dreg:$0xa] =	wrdreg s16  }
0x2e: {  	s20 =	simm.s32 $0x300;
	s28 =	simm.s32 $0x700;
	[dreg:$0xb] =	wrdreg s17  }
0x2f: {  	s29 =	simm.s32 $0xE80;
	s30 =	simm.s32 $0x780;
	[dreg:$0xc] =	wrdreg s18  }
0x30: {  	s31 =	simm.s32 $0xF00;
	s21 =	simm.s32 $0xA80;
	[dreg:$0xd] =	wrdreg s19  }
0x31: {  	s22 =	simm.s32 $0x380;
	s10 =	sadd.s32 $0x34C00, s0;
	[dreg:$0xe] =	wrdreg s20  }
0x32: {  	s23 =	simm.s32 $0xB00;
	s24 =	simm.s32 $0x400;
	[dreg:$0xf] =	wrdreg s21  }
0x33: {  	s25 =	simm.s32 $0xB80;
	s26 =	simm.s32 $0x480;
	[dreg:$0x10] =	wrdreg s22  }
0x34: {  	s11 =	sadd.s32 $0x1E00, s0;
	s0 =	sadd.s32 $0x5CC00, s0;
	[dreg:$0x11] =	wrdreg s23  }
0x35: {  	s12 =	simm.s32 $0x800;
	s13 =	simm.s32 $0x1;
	[dreg:$0x12] =	wrdreg s24  }
0x36: {  	s14 =	simm.s32 $0x5000;
	s15 =	simm.s32 $0x2;
	[dreg:$0x13] =	wrdreg s25  }
0x37: {  	s16 =	simm.s32 $0x3;
	s17 =	simm.s32 $0x4;
	[dreg:$0x14] =	wrdreg s26  }
0x38: {  	s18 =	simm.s32 $0xC00;
	s19 =	simm.s32 $0x500;
	s20 =	simm.s32 $0xC80  }
0x39: {  	s21 =	simm.s32 $0x580;
	s22 =	simm.s32 $0xD00;
	s23 =	simm.s32 $0x600  }
0x3a: {  	s24 =	simm.s32 $0xD80;
	s25 =	simm.s32 $0x680;
	s26 =	simm.s32 $0xE00  }
0x3b: {  	v0 =	vimm.f32 $1.000000000e+00;
	s8 =	simm.s32 $0x0;
	[dreg:$0x16] =	wrdreg s0;
	s0 =	simm.s32 $0xF80  }
.LBB2_1:
0x3c: {  	s3 =	rddreg [dreg:$0x5]  }
0x3d: {  	s3 =	sadd.s32 s8, s3  }
0x3e: {  	[tilespmem:s4], [sflag:$0x5] =	stream.linear.gather [hbm4b:s3+s4], $0x800, $0x38;
	[tilespmem:$0x1FC00] =	vst v63  }
0x3f: {  	_ =	swait.ge [sflag:s6], $0x800  }
0x40: {  	s1 =	rddreg [dreg:$0x4];
	[sflag:s6] =	ssyncset.done $0x0  }
0x41: {  	[sflag:s6] =	ssyncadd.s32 $0xFFFFF800;
	s3 =	sadd.s32 s8, s1  }
0x42: {  	[tilespmem:s12], [sflag:$0x5] =	stream.linear.gather [hbm4b:s3+s4], $0x800, $0x38;
	[tilespmem:$0x1FC00] =	vst v63  }
0x43: {  	_ =	swait.ge [sflag:s6], $0x800  }
0x44: {  	[sflag:s6] =	ssyncset.done $0x0  }
0x45: {  	[sflag:s6] =	ssyncadd.s32 $0xFFFFF800  }
0x46: {  	[tilespmem:s5], [sflag:$0x1] =	stream.indirect.gather [hbm4b:s11+s9], $0x80, s4, s9, $0xb8;
	[tilespmem:$0x1FC00] =	vst v63  }
0x47: {  	_ =	swait.ge [sflag:s13], $0x4000  }
0x48: {  	[sflag:s13] =	ssyncset.done $0x0  }
0x49: {  	[sflag:s13] =	ssyncadd.s32 $0xFFFFC000  }
0x4a: {  	[tilespmem:s14], [sflag:$0x2] =	stream.indirect.gather [hbm4b:s11+s9], $0x80, s9, s9, $0xb8;
	[tilespmem:$0x1FC00] =	vst v63  }
0x4b: {  	_ = 	snop  }
0x4c: {  	[spmem:s2] =	stream.indirect.scatter.add.f32 [tilespmem:s5], [sflag:$0x3], $0x80, s12, s9, $0xb8;
	[tilespmem:$0x1FC00] =	vst v63  }
0x4d: {  	v1 =	vld [tilespmem:$0x800];
	_ =	sdelay $0x7  }
0x4e: {  	[tilespmem:v1+s7+$0x0] =	vst.idx.add.f32.msk $0xffff, v0  }
0x4f: {  	v1 =	vld [tilespmem:$0x810];
	_ =	sdelay $0x7  }
0x50: {  	[tilespmem:v1+s7+$0x0] =	vst.idx.add.f32.msk $0xffff, v0  }
0x51: {  	v1 =	vld [tilespmem:$0x820];
	_ =	sdelay $0x7  }
0x52: {  	[tilespmem:v1+s7+$0x0] =	vst.idx.add.f32.msk $0xffff, v0  }
0x53: {  	v1 =	vld [tilespmem:$0x830];
	_ =	sdelay $0x7  }
0x54: {  	[tilespmem:v1+s7+$0x0] =	vst.idx.add.f32.msk $0xffff, v0  }
0x55: {  	v1 =	vld [tilespmem:$0x840];
	_ =	sdelay $0x7  }
0x56: {  	[tilespmem:v1+s7+$0x0] =	vst.idx.add.f32.msk $0xffff, v0  }
0x57: {  	v1 =	vld [tilespmem:$0x850];
	_ =	sdelay $0x7  }
0x58: {  	[tilespmem:v1+s7+$0x0] =	vst.idx.add.f32.msk $0xffff, v0  }
0x59: {  	v1 =	vld [tilespmem:$0x860];
	_ =	sdelay $0x7  }
0x5a: {  	[tilespmem:v1+s7+$0x0] =	vst.idx.add.f32.msk $0xffff, v0  }
0x5b: {  	v1 =	vld [tilespmem:$0x870];
	_ =	sdelay $0x7  }
0x5c: {  	[tilespmem:v1+s7+$0x0] =	vst.idx.add.f32.msk $0xffff, v0  }
0x5d: {  	_ =	swait.ge [sflag:s15], $0x4000  }
0x5e: {  	[sflag:s15] =	ssyncset.done $0x0  }
0x5f: {  	[sflag:s15] =	ssyncadd.s32 $0xFFFFC000  }
0x60: {  	_ =	swait.ge [sflag:s16], $0x4000  }
0x61: {  	[sflag:s16] =	ssyncset.done $0x0  }
0x62: {  	s3 =	rddreg [dreg:$0x6];
	[sflag:s16] =	ssyncadd.s32 $0xFFFFC000  }
0x63: {  	[tilespmem:s5], [sflag:$0x1] =	stream.indirect.gather [hbm4b:s11+s9], $0x80, s3, s9, $0xb8;
	[tilespmem:$0x1FC00] =	vst v63  }
0x64: {  	s1 =	rddreg [dreg:$0x7]  }
0x65: {  	[spmem:s2] =	stream.indirect.scatter.add.f32 [tilespmem:s14], [sflag:$0x4], $0x80, s1, s9, $0xb8;
	[tilespmem:$0x1FC00] =	vst v63  }
0x66: {  	v1 =	vld [tilespmem:$0x880];
	_ =	sdelay $0x7  }
0x67: {  	[tilespmem:v1+s7+$0x0] =	vst.idx.add.f32.msk $0xffff, v0  }
0x68: {  	v1 =	vld [tilespmem:$0x890];
	_ =	sdelay $0x7  }
0x69: {  	[tilespmem:v1+s7+$0x0] =	vst.idx.add.f32.msk $0xffff, v0  }
0x6a: {  	v1 =	vld [tilespmem:$0x8A0];
	_ =	sdelay $0x7  }
0x6b: {  	[tilespmem:v1+s7+$0x0] =	vst.idx.add.f32.msk $0xffff, v0  }
0x6c: {  	v1 =	vld [tilespmem:$0x8B0];
	_ =	sdelay $0x7  }
0x6d: {  	[tilespmem:v1+s7+$0x0] =	vst.idx.add.f32.msk $0xffff, v0  }
0x6e: {  	v1 =	vld [tilespmem:$0x8C0];
	_ =	sdelay $0x7  }
0x6f: {  	[tilespmem:v1+s7+$0x0] =	vst.idx.add.f32.msk $0xffff, v0  }
0x70: {  	v1 =	vld [tilespmem:$0x8D0];
	_ =	sdelay $0x7  }
0x71: {  	[tilespmem:v1+s7+$0x0] =	vst.idx.add.f32.msk $0xffff, v0  }
0x72: {  	v1 =	vld [tilespmem:$0x8E0];
	_ =	sdelay $0x7  }
0x73: {  	[tilespmem:v1+s7+$0x0] =	vst.idx.add.f32.msk $0xffff, v0  }
0x74: {  	v1 =	vld [tilespmem:$0x8F0];
	_ =	sdelay $0x7  }
0x75: {  	[tilespmem:v1+s7+$0x0] =	vst.idx.add.f32.msk $0xffff, v0  }
0x76: {  	_ =	swait.ge [sflag:s13], $0x4000  }
0x77: {  	[sflag:s13] =	ssyncset.done $0x0  }
0x78: {  	[sflag:s13] =	ssyncadd.s32 $0xFFFFC000  }
0x79: {  	_ =	swait.ge [sflag:s17], $0x4000  }
0x7a: {  	[sflag:s17] =	ssyncset.done $0x0  }
0x7b: {  	s1 =	rddreg [dreg:$0x8];
	[sflag:s17] =	ssyncadd.s32 $0xFFFFC000  }
0x7c: {  	[tilespmem:s14], [sflag:$0x2] =	stream.indirect.gather [hbm4b:s11+s9], $0x80, s1, s9, $0xb8;
	[tilespmem:$0x1FC00] =	vst v63  }
0x7d: {  	s3 =	rddreg [dreg:$0x9]  }
0x7e: {  	[spmem:s2] =	stream.indirect.scatter.add.f32 [tilespmem:s5], [sflag:$0x3], $0x80, s3, s9, $0xb8;
	[tilespmem:$0x1FC00] =	vst v63  }
0x7f: {  	v1 =	vld [tilespmem:$0x900];
	_ =	sdelay $0x7  }
0x80: {  	[tilespmem:v1+s7+$0x0] =	vst.idx.add.f32.msk $0xffff, v0  }
0x81: {  	v1 =	vld [tilespmem:$0x910];
	_ =	sdelay $0x7  }
0x82: {  	[tilespmem:v1+s7+$0x0] =	vst.idx.add.f32.msk $0xffff, v0  }
0x83: {  	v1 =	vld [tilespmem:$0x920];
	_ =	sdelay $0x7  }
0x84: {  	[tilespmem:v1+s7+$0x0] =	vst.idx.add.f32.msk $0xffff, v0  }
0x85: {  	v1 =	vld [tilespmem:$0x930];
	_ =	sdelay $0x7  }
0x86: {  	[tilespmem:v1+s7+$0x0] =	vst.idx.add.f32.msk $0xffff, v0  }
0x87: {  	v1 =	vld [tilespmem:$0x940];
	_ =	sdelay $0x7  }
0x88: {  	[tilespmem:v1+s7+$0x0] =	vst.idx.add.f32.msk $0xffff, v0  }
0x89: {  	v1 =	vld [tilespmem:$0x950];
	_ =	sdelay $0x7  }
0x8a: {  	[tilespmem:v1+s7+$0x0] =	vst.idx.add.f32.msk $0xffff, v0  }
0x8b: {  	v1 =	vld [tilespmem:$0x960];
	_ =	sdelay $0x7  }
0x8c: {  	[tilespmem:v1+s7+$0x0] =	vst.idx.add.f32.msk $0xffff, v0  }
0x8d: {  	v1 =	vld [tilespmem:$0x970];
	_ =	sdelay $0x7  }
0x8e: {  	[tilespmem:v1+s7+$0x0] =	vst.idx.add.f32.msk $0xffff, v0  }
0x8f: {  	_ =	swait.ge [sflag:s15], $0x4000  }
0x90: {  	[sflag:s15] =	ssyncset.done $0x0  }
0x91: {  	[sflag:s15] =	ssyncadd.s32 $0xFFFFC000  }
0x92: {  	_ =	swait.ge [sflag:s16], $0x4000  }
0x93: {  	[sflag:s16] =	ssyncset.done $0x0  }
0x94: {  	s1 =	rddreg [dreg:$0xa];
	[sflag:s16] =	ssyncadd.s32 $0xFFFFC000  }
0x95: {  	[tilespmem:s5], [sflag:$0x1] =	stream.indirect.gather [hbm4b:s11+s9], $0x80, s1, s9, $0xb8;
	[tilespmem:$0x1FC00] =	vst v63  }
0x96: {  	s3 =	rddreg [dreg:$0xb]  }
0x97: {  	[spmem:s2] =	stream.indirect.scatter.add.f32 [tilespmem:s14], [sflag:$0x4], $0x80, s3, s9, $0xb8;
	[tilespmem:$0x1FC00] =	vst v63  }
0x98: {  	v1 =	vld [tilespmem:$0x980];
	_ =	sdelay $0x7  }
0x99: {  	[tilespmem:v1+s7+$0x0] =	vst.idx.add.f32.msk $0xffff, v0  }
0x9a: {  	v1 =	vld [tilespmem:$0x990];
	_ =	sdelay $0x7  }
0x9b: {  	[tilespmem:v1+s7+$0x0] =	vst.idx.add.f32.msk $0xffff, v0  }
0x9c: {  	v1 =	vld [tilespmem:$0x9A0];
	_ =	sdelay $0x7  }
0x9d: {  	[tilespmem:v1+s7+$0x0] =	vst.idx.add.f32.msk $0xffff, v0  }
0x9e: {  	v1 =	vld [tilespmem:$0x9B0];
	_ =	sdelay $0x7  }
0x9f: {  	[tilespmem:v1+s7+$0x0] =	vst.idx.add.f32.msk $0xffff, v0  }
0xa0: {  	v1 =	vld [tilespmem:$0x9C0];
	_ =	sdelay $0x7  }
0xa1: {  	[tilespmem:v1+s7+$0x0] =	vst.idx.add.f32.msk $0xffff, v0  }
0xa2: {  	v1 =	vld [tilespmem:$0x9D0];
	_ =	sdelay $0x7  }
0xa3: {  	[tilespmem:v1+s7+$0x0] =	vst.idx.add.f32.msk $0xffff, v0  }
0xa4: {  	v1 =	vld [tilespmem:$0x9E0];
	_ =	sdelay $0x7  }
0xa5: {  	[tilespmem:v1+s7+$0x0] =	vst.idx.add.f32.msk $0xffff, v0  }
0xa6: {  	v1 =	vld [tilespmem:$0x9F0];
	_ =	sdelay $0x7  }
0xa7: {  	[tilespmem:v1+s7+$0x0] =	vst.idx.add.f32.msk $0xffff, v0  }
0xa8: {  	_ =	swait.ge [sflag:s13], $0x4000  }
0xa9: {  	[sflag:s13] =	ssyncset.done $0x0  }
0xaa: {  	[sflag:s13] =	ssyncadd.s32 $0xFFFFC000  }
0xab: {  	_ =	swait.ge [sflag:s17], $0x4000  }
0xac: {  	[sflag:s17] =	ssyncset.done $0x0  }
0xad: {  	s1 =	rddreg [dreg:$0xc];
	[sflag:s17] =	ssyncadd.s32 $0xFFFFC000  }
0xae: {  	[tilespmem:s14], [sflag:$0x2] =	stream.indirect.gather [hbm4b:s11+s9], $0x80, s1, s9, $0xb8;
	[tilespmem:$0x1FC00] =	vst v63  }
0xaf: {  	s3 =	rddreg [dreg:$0xd]  }
0xb0: {  	[spmem:s2] =	stream.indirect.scatter.add.f32 [tilespmem:s5], [sflag:$0x3], $0x80, s3, s9, $0xb8;
	[tilespmem:$0x1FC00] =	vst v63  }
0xb1: {  	v1 =	vld [tilespmem:$0xA00];
	_ =	sdelay $0x7  }
0xb2: {  	[tilespmem:v1+s7+$0x0] =	vst.idx.add.f32.msk $0xffff, v0  }
0xb3: {  	v1 =	vld [tilespmem:$0xA10];
	_ =	sdelay $0x7  }
0xb4: {  	[tilespmem:v1+s7+$0x0] =	vst.idx.add.f32.msk $0xffff, v0  }
0xb5: {  	v1 =	vld [tilespmem:$0xA20];
	_ =	sdelay $0x7  }
0xb6: {  	[tilespmem:v1+s7+$0x0] =	vst.idx.add.f32.msk $0xffff, v0  }
0xb7: {  	v1 =	vld [tilespmem:$0xA30];
	_ =	sdelay $0x7  }
0xb8: {  	[tilespmem:v1+s7+$0x0] =	vst.idx.add.f32.msk $0xffff, v0  }
0xb9: {  	v1 =	vld [tilespmem:$0xA40];
	_ =	sdelay $0x7  }
0xba: {  	[tilespmem:v1+s7+$0x0] =	vst.idx.add.f32.msk $0xffff, v0  }
0xbb: {  	v1 =	vld [tilespmem:$0xA50];
	_ =	sdelay $0x7  }
0xbc: {  	[tilespmem:v1+s7+$0x0] =	vst.idx.add.f32.msk $0xffff, v0  }
0xbd: {  	v1 =	vld [tilespmem:$0xA60];
	_ =	sdelay $0x7  }
0xbe: {  	[tilespmem:v1+s7+$0x0] =	vst.idx.add.f32.msk $0xffff, v0  }
0xbf: {  	v1 =	vld [tilespmem:$0xA70];
	_ =	sdelay $0x7  }
0xc0: {  	[tilespmem:v1+s7+$0x0] =	vst.idx.add.f32.msk $0xffff, v0  }
0xc1: {  	_ =	swait.ge [sflag:s15], $0x4000  }
0xc2: {  	[sflag:s15] =	ssyncset.done $0x0  }
0xc3: {  	[sflag:s15] =	ssyncadd.s32 $0xFFFFC000  }
0xc4: {  	_ =	swait.ge [sflag:s16], $0x4000  }
0xc5: {  	[sflag:s16] =	ssyncset.done $0x0  }
0xc6: {  	s1 =	rddreg [dreg:$0xe];
	[sflag:s16] =	ssyncadd.s32 $0xFFFFC000  }
0xc7: {  	[tilespmem:s5], [sflag:$0x1] =	stream.indirect.gather [hbm4b:s11+s9], $0x80, s1, s9, $0xb8;
	[tilespmem:$0x1FC00] =	vst v63  }
0xc8: {  	s3 =	rddreg [dreg:$0xf]  }
0xc9: {  	[spmem:s2] =	stream.indirect.scatter.add.f32 [tilespmem:s14], [sflag:$0x4], $0x80, s3, s9, $0xb8;
	[tilespmem:$0x1FC00] =	vst v63  }
0xca: {  	v1 =	vld [tilespmem:$0xA80];
	_ =	sdelay $0x7  }
0xcb: {  	[tilespmem:v1+s7+$0x0] =	vst.idx.add.f32.msk $0xffff, v0  }
0xcc: {  	v1 =	vld [tilespmem:$0xA90];
	_ =	sdelay $0x7  }
0xcd: {  	[tilespmem:v1+s7+$0x0] =	vst.idx.add.f32.msk $0xffff, v0  }
0xce: {  	v1 =	vld [tilespmem:$0xAA0];
	_ =	sdelay $0x7  }
0xcf: {  	[tilespmem:v1+s7+$0x0] =	vst.idx.add.f32.msk $0xffff, v0  }
0xd0: {  	v1 =	vld [tilespmem:$0xAB0];
	_ =	sdelay $0x7  }
0xd1: {  	[tilespmem:v1+s7+$0x0] =	vst.idx.add.f32.msk $0xffff, v0  }
0xd2: {  	v1 =	vld [tilespmem:$0xAC0];
	_ =	sdelay $0x7  }
0xd3: {  	[tilespmem:v1+s7+$0x0] =	vst.idx.add.f32.msk $0xffff, v0  }
0xd4: {  	v1 =	vld [tilespmem:$0xAD0];
	_ =	sdelay $0x7  }
0xd5: {  	[tilespmem:v1+s7+$0x0] =	vst.idx.add.f32.msk $0xffff, v0  }
0xd6: {  	v1 =	vld [tilespmem:$0xAE0];
	_ =	sdelay $0x7  }
0xd7: {  	[tilespmem:v1+s7+$0x0] =	vst.idx.add.f32.msk $0xffff, v0  }
0xd8: {  	v1 =	vld [tilespmem:$0xAF0];
	_ =	sdelay $0x7  }
0xd9: {  	[tilespmem:v1+s7+$0x0] =	vst.idx.add.f32.msk $0xffff, v0  }
0xda: {  	_ =	swait.ge [sflag:s13], $0x4000  }
0xdb: {  	[sflag:s13] =	ssyncset.done $0x0  }
0xdc: {  	[sflag:s13] =	ssyncadd.s32 $0xFFFFC000  }
0xdd: {  	_ =	swait.ge [sflag:s17], $0x4000  }
0xde: {  	[sflag:s17] =	ssyncset.done $0x0  }
0xdf: {  	s1 =	rddreg [dreg:$0x10];
	[sflag:s17] =	ssyncadd.s32 $0xFFFFC000  }
0xe0: {  	[tilespmem:s14], [sflag:$0x2] =	stream.indirect.gather [hbm4b:s11+s9], $0x80, s1, s9, $0xb8;
	[tilespmem:$0x1FC00] =	vst v63  }
0xe1: {  	s3 =	rddreg [dreg:$0x11]  }
0xe2: {  	[spmem:s2] =	stream.indirect.scatter.add.f32 [tilespmem:s5], [sflag:$0x3], $0x80, s3, s9, $0xb8;
	[tilespmem:$0x1FC00] =	vst v63  }
0xe3: {  	v1 =	vld [tilespmem:$0xB00];
	_ =	sdelay $0x7  }
0xe4: {  	[tilespmem:v1+s7+$0x0] =	vst.idx.add.f32.msk $0xffff, v0  }
0xe5: {  	v1 =	vld [tilespmem:$0xB10];
	_ =	sdelay $0x7  }
0xe6: {  	[tilespmem:v1+s7+$0x0] =	vst.idx.add.f32.msk $0xffff, v0  }
0xe7: {  	v1 =	vld [tilespmem:$0xB20];
	_ =	sdelay $0x7  }
0xe8: {  	[tilespmem:v1+s7+$0x0] =	vst.idx.add.f32.msk $0xffff, v0  }
0xe9: {  	v1 =	vld [tilespmem:$0xB30];
	_ =	sdelay $0x7  }
0xea: {  	[tilespmem:v1+s7+$0x0] =	vst.idx.add.f32.msk $0xffff, v0  }
0xeb: {  	v1 =	vld [tilespmem:$0xB40];
	_ =	sdelay $0x7  }
0xec: {  	[tilespmem:v1+s7+$0x0] =	vst.idx.add.f32.msk $0xffff, v0  }
0xed: {  	v1 =	vld [tilespmem:$0xB50];
	_ =	sdelay $0x7  }
0xee: {  	[tilespmem:v1+s7+$0x0] =	vst.idx.add.f32.msk $0xffff, v0  }
0xef: {  	v1 =	vld [tilespmem:$0xB60];
	_ =	sdelay $0x7  }
0xf0: {  	[tilespmem:v1+s7+$0x0] =	vst.idx.add.f32.msk $0xffff, v0  }
0xf1: {  	v1 =	vld [tilespmem:$0xB70];
	_ =	sdelay $0x7  }
0xf2: {  	[tilespmem:v1+s7+$0x0] =	vst.idx.add.f32.msk $0xffff, v0  }
0xf3: {  	_ =	swait.ge [sflag:s15], $0x4000  }
0xf4: {  	[sflag:s15] =	ssyncset.done $0x0  }
0xf5: {  	[sflag:s15] =	ssyncadd.s32 $0xFFFFC000  }
0xf6: {  	_ =	swait.ge [sflag:s16], $0x4000  }
0xf7: {  	[sflag:s16] =	ssyncset.done $0x0  }
0xf8: {  	s1 =	rddreg [dreg:$0x12];
	[sflag:s16] =	ssyncadd.s32 $0xFFFFC000  }
0xf9: {  	[tilespmem:s5], [sflag:$0x1] =	stream.indirect.gather [hbm4b:s11+s9], $0x80, s1, s9, $0xb8;
	[tilespmem:$0x1FC00] =	vst v63  }
0xfa: {  	s3 =	rddreg [dreg:$0x13]  }
0xfb: {  	[spmem:s2] =	stream.indirect.scatter.add.f32 [tilespmem:s14], [sflag:$0x4], $0x80, s3, s9, $0xb8;
	[tilespmem:$0x1FC00] =	vst v63  }
0xfc: {  	v1 =	vld [tilespmem:$0xB80];
	_ =	sdelay $0x7  }
0xfd: {  	[tilespmem:v1+s7+$0x0] =	vst.idx.add.f32.msk $0xffff, v0  }
0xfe: {  	v1 =	vld [tilespmem:$0xB90];
	_ =	sdelay $0x7  }
0xff: {  	[tilespmem:v1+s7+$0x0] =	vst.idx.add.f32.msk $0xffff, v0  }
0x100: {  	v1 =	vld [tilespmem:$0xBA0];
	_ =	sdelay $0x7  }
0x101: {  	[tilespmem:v1+s7+$0x0] =	vst.idx.add.f32.msk $0xffff, v0  }
0x102: {  	v1 =	vld [tilespmem:$0xBB0];
	_ =	sdelay $0x7  }
0x103: {  	[tilespmem:v1+s7+$0x0] =	vst.idx.add.f32.msk $0xffff, v0  }
0x104: {  	v1 =	vld [tilespmem:$0xBC0];
	_ =	sdelay $0x7  }
0x105: {  	[tilespmem:v1+s7+$0x0] =	vst.idx.add.f32.msk $0xffff, v0  }
0x106: {  	v1 =	vld [tilespmem:$0xBD0];
	_ =	sdelay $0x7  }
0x107: {  	[tilespmem:v1+s7+$0x0] =	vst.idx.add.f32.msk $0xffff, v0  }
0x108: {  	v1 =	vld [tilespmem:$0xBE0];
	_ =	sdelay $0x7  }
0x109: {  	[tilespmem:v1+s7+$0x0] =	vst.idx.add.f32.msk $0xffff, v0  }
0x10a: {  	v1 =	vld [tilespmem:$0xBF0];
	_ =	sdelay $0x7  }
0x10b: {  	[tilespmem:v1+s7+$0x0] =	vst.idx.add.f32.msk $0xffff, v0  }
0x10c: {  	_ =	swait.ge [sflag:s13], $0x4000  }
0x10d: {  	[sflag:s13] =	ssyncset.done $0x0  }
0x10e: {  	[sflag:s13] =	ssyncadd.s32 $0xFFFFC000  }
0x10f: {  	_ =	swait.ge [sflag:s17], $0x4000  }
0x110: {  	[sflag:s17] =	ssyncset.done $0x0  }
0x111: {  	s3 =	rddreg [dreg:$0x14];
	[sflag:s17] =	ssyncadd.s32 $0xFFFFC000  }
0x112: {  	[tilespmem:s14], [sflag:$0x2] =	stream.indirect.gather [hbm4b:s11+s9], $0x80, s3, s9, $0xb8;
	[tilespmem:$0x1FC00] =	vst v63  }
0x113: {  	_ = 	snop  }
0x114: {  	[spmem:s2] =	stream.indirect.scatter.add.f32 [tilespmem:s5], [sflag:$0x3], $0x80, s18, s9, $0xb8;
	[tilespmem:$0x1FC00] =	vst v63  }
0x115: {  	v1 =	vld [tilespmem:$0xC00];
	_ =	sdelay $0x7  }
0x116: {  	[tilespmem:v1+s7+$0x0] =	vst.idx.add.f32.msk $0xffff, v0  }
0x117: {  	v1 =	vld [tilespmem:$0xC10];
	_ =	sdelay $0x7  }
0x118: {  	[tilespmem:v1+s7+$0x0] =	vst.idx.add.f32.msk $0xffff, v0  }
0x119: {  	v1 =	vld [tilespmem:$0xC20];
	_ =	sdelay $0x7  }
0x11a: {  	[tilespmem:v1+s7+$0x0] =	vst.idx.add.f32.msk $0xffff, v0  }
0x11b: {  	v1 =	vld [tilespmem:$0xC30];
	_ =	sdelay $0x7  }
0x11c: {  	[tilespmem:v1+s7+$0x0] =	vst.idx.add.f32.msk $0xffff, v0  }
0x11d: {  	v1 =	vld [tilespmem:$0xC40];
	_ =	sdelay $0x7  }
0x11e: {  	[tilespmem:v1+s7+$0x0] =	vst.idx.add.f32.msk $0xffff, v0  }
0x11f: {  	v1 =	vld [tilespmem:$0xC50];
	_ =	sdelay $0x7  }
0x120: {  	[tilespmem:v1+s7+$0x0] =	vst.idx.add.f32.msk $0xffff, v0  }
0x121: {  	v1 =	vld [tilespmem:$0xC60];
	_ =	sdelay $0x7  }
0x122: {  	[tilespmem:v1+s7+$0x0] =	vst.idx.add.f32.msk $0xffff, v0  }
0x123: {  	v1 =	vld [tilespmem:$0xC70];
	_ =	sdelay $0x7  }
0x124: {  	[tilespmem:v1+s7+$0x0] =	vst.idx.add.f32.msk $0xffff, v0  }
0x125: {  	_ =	swait.ge [sflag:s15], $0x4000  }
0x126: {  	[sflag:s15] =	ssyncset.done $0x0  }
0x127: {  	[sflag:s15] =	ssyncadd.s32 $0xFFFFC000  }
0x128: {  	_ =	swait.ge [sflag:s16], $0x4000  }
0x129: {  	[sflag:s16] =	ssyncset.done $0x0  }
0x12a: {  	[sflag:s16] =	ssyncadd.s32 $0xFFFFC000  }
0x12b: {  	[tilespmem:s5], [sflag:$0x1] =	stream.indirect.gather [hbm4b:s11+s9], $0x80, s19, s9, $0xb8;
	[tilespmem:$0x1FC00] =	vst v63  }
0x12c: {  	_ = 	snop  }
0x12d: {  	[spmem:s2] =	stream.indirect.scatter.add.f32 [tilespmem:s14], [sflag:$0x4], $0x80, s20, s9, $0xb8;
	[tilespmem:$0x1FC00] =	vst v63  }
0x12e: {  	v1 =	vld [tilespmem:$0xC80];
	_ =	sdelay $0x7  }
0x12f: {  	[tilespmem:v1+s7+$0x0] =	vst.idx.add.f32.msk $0xffff, v0  }
0x130: {  	v1 =	vld [tilespmem:$0xC90];
	_ =	sdelay $0x7  }
0x131: {  	[tilespmem:v1+s7+$0x0] =	vst.idx.add.f32.msk $0xffff, v0  }
0x132: {  	v1 =	vld [tilespmem:$0xCA0];
	_ =	sdelay $0x7  }
0x133: {  	[tilespmem:v1+s7+$0x0] =	vst.idx.add.f32.msk $0xffff, v0  }
0x134: {  	v1 =	vld [tilespmem:$0xCB0];
	_ =	sdelay $0x7  }
0x135: {  	[tilespmem:v1+s7+$0x0] =	vst.idx.add.f32.msk $0xffff, v0  }
0x136: {  	v1 =	vld [tilespmem:$0xCC0];
	_ =	sdelay $0x7  }
0x137: {  	[tilespmem:v1+s7+$0x0] =	vst.idx.add.f32.msk $0xffff, v0  }
0x138: {  	v1 =	vld [tilespmem:$0xCD0];
	_ =	sdelay $0x7  }
0x139: {  	[tilespmem:v1+s7+$0x0] =	vst.idx.add.f32.msk $0xffff, v0  }
0x13a: {  	v1 =	vld [tilespmem:$0xCE0];
	_ =	sdelay $0x7  }
0x13b: {  	[tilespmem:v1+s7+$0x0] =	vst.idx.add.f32.msk $0xffff, v0  }
0x13c: {  	v1 =	vld [tilespmem:$0xCF0];
	_ =	sdelay $0x7  }
0x13d: {  	[tilespmem:v1+s7+$0x0] =	vst.idx.add.f32.msk $0xffff, v0  }
0x13e: {  	_ =	swait.ge [sflag:s13], $0x4000  }
0x13f: {  	[sflag:s13] =	ssyncset.done $0x0  }
0x140: {  	[sflag:s13] =	ssyncadd.s32 $0xFFFFC000  }
0x141: {  	_ =	swait.ge [sflag:s17], $0x4000  }
0x142: {  	[sflag:s17] =	ssyncset.done $0x0  }
0x143: {  	[sflag:s17] =	ssyncadd.s32 $0xFFFFC000  }
0x144: {  	[tilespmem:s14], [sflag:$0x2] =	stream.indirect.gather [hbm4b:s11+s9], $0x80, s21, s9, $0xb8;
	[tilespmem:$0x1FC00] =	vst v63  }
0x145: {  	_ = 	snop  }
0x146: {  	[spmem:s2] =	stream.indirect.scatter.add.f32 [tilespmem:s5], [sflag:$0x3], $0x80, s22, s9, $0xb8;
	[tilespmem:$0x1FC00] =	vst v63  }
0x147: {  	v1 =	vld [tilespmem:$0xD00];
	_ =	sdelay $0x7  }
0x148: {  	[tilespmem:v1+s7+$0x0] =	vst.idx.add.f32.msk $0xffff, v0  }
0x149: {  	v1 =	vld [tilespmem:$0xD10];
	_ =	sdelay $0x7  }
0x14a: {  	[tilespmem:v1+s7+$0x0] =	vst.idx.add.f32.msk $0xffff, v0  }
0x14b: {  	v1 =	vld [tilespmem:$0xD20];
	_ =	sdelay $0x7  }
0x14c: {  	[tilespmem:v1+s7+$0x0] =	vst.idx.add.f32.msk $0xffff, v0  }
0x14d: {  	v1 =	vld [tilespmem:$0xD30];
	_ =	sdelay $0x7  }
0x14e: {  	[tilespmem:v1+s7+$0x0] =	vst.idx.add.f32.msk $0xffff, v0  }
0x14f: {  	v1 =	vld [tilespmem:$0xD40];
	_ =	sdelay $0x7  }
0x150: {  	[tilespmem:v1+s7+$0x0] =	vst.idx.add.f32.msk $0xffff, v0  }
0x151: {  	v1 =	vld [tilespmem:$0xD50];
	_ =	sdelay $0x7  }
0x152: {  	[tilespmem:v1+s7+$0x0] =	vst.idx.add.f32.msk $0xffff, v0  }
0x153: {  	v1 =	vld [tilespmem:$0xD60];
	_ =	sdelay $0x7  }
0x154: {  	[tilespmem:v1+s7+$0x0] =	vst.idx.add.f32.msk $0xffff, v0  }
0x155: {  	v1 =	vld [tilespmem:$0xD70];
	_ =	sdelay $0x7  }
0x156: {  	[tilespmem:v1+s7+$0x0] =	vst.idx.add.f32.msk $0xffff, v0  }
0x157: {  	_ =	swait.ge [sflag:s15], $0x4000  }
0x158: {  	[sflag:s15] =	ssyncset.done $0x0  }
0x159: {  	[sflag:s15] =	ssyncadd.s32 $0xFFFFC000  }
0x15a: {  	_ =	swait.ge [sflag:s16], $0x4000  }
0x15b: {  	[sflag:s16] =	ssyncset.done $0x0  }
0x15c: {  	[sflag:s16] =	ssyncadd.s32 $0xFFFFC000  }
0x15d: {  	[tilespmem:s5], [sflag:$0x1] =	stream.indirect.gather [hbm4b:s11+s9], $0x80, s23, s9, $0xb8;
	[tilespmem:$0x1FC00] =	vst v63  }
0x15e: {  	_ = 	snop  }
0x15f: {  	[spmem:s2] =	stream.indirect.scatter.add.f32 [tilespmem:s14], [sflag:$0x4], $0x80, s24, s9, $0xb8;
	[tilespmem:$0x1FC00] =	vst v63  }
0x160: {  	v1 =	vld [tilespmem:$0xD80];
	_ =	sdelay $0x7  }
0x161: {  	[tilespmem:v1+s7+$0x0] =	vst.idx.add.f32.msk $0xffff, v0  }
0x162: {  	v1 =	vld [tilespmem:$0xD90];
	_ =	sdelay $0x7  }
0x163: {  	[tilespmem:v1+s7+$0x0] =	vst.idx.add.f32.msk $0xffff, v0  }
0x164: {  	v1 =	vld [tilespmem:$0xDA0];
	_ =	sdelay $0x7  }
0x165: {  	[tilespmem:v1+s7+$0x0] =	vst.idx.add.f32.msk $0xffff, v0  }
0x166: {  	v1 =	vld [tilespmem:$0xDB0];
	_ =	sdelay $0x7  }
0x167: {  	[tilespmem:v1+s7+$0x0] =	vst.idx.add.f32.msk $0xffff, v0  }
0x168: {  	v1 =	vld [tilespmem:$0xDC0];
	_ =	sdelay $0x7  }
0x169: {  	[tilespmem:v1+s7+$0x0] =	vst.idx.add.f32.msk $0xffff, v0  }
0x16a: {  	v1 =	vld [tilespmem:$0xDD0];
	_ =	sdelay $0x7  }
0x16b: {  	[tilespmem:v1+s7+$0x0] =	vst.idx.add.f32.msk $0xffff, v0  }
0x16c: {  	v1 =	vld [tilespmem:$0xDE0];
	_ =	sdelay $0x7  }
0x16d: {  	[tilespmem:v1+s7+$0x0] =	vst.idx.add.f32.msk $0xffff, v0  }
0x16e: {  	v1 =	vld [tilespmem:$0xDF0];
	_ =	sdelay $0x7  }
0x16f: {  	[tilespmem:v1+s7+$0x0] =	vst.idx.add.f32.msk $0xffff, v0  }
0x170: {  	_ =	swait.ge [sflag:s13], $0x4000  }
0x171: {  	[sflag:s13] =	ssyncset.done $0x0  }
0x172: {  	[sflag:s13] =	ssyncadd.s32 $0xFFFFC000  }
0x173: {  	_ =	swait.ge [sflag:s17], $0x4000  }
0x174: {  	[sflag:s17] =	ssyncset.done $0x0  }
0x175: {  	[sflag:s17] =	ssyncadd.s32 $0xFFFFC000  }
0x176: {  	[tilespmem:s14], [sflag:$0x2] =	stream.indirect.gather [hbm4b:s11+s9], $0x80, s25, s9, $0xb8;
	[tilespmem:$0x1FC00] =	vst v63  }
0x177: {  	_ = 	snop  }
0x178: {  	[spmem:s2] =	stream.indirect.scatter.add.f32 [tilespmem:s5], [sflag:$0x3], $0x80, s26, s9, $0xb8;
	[tilespmem:$0x1FC00] =	vst v63  }
0x179: {  	v1 =	vld [tilespmem:$0xE00];
	_ =	sdelay $0x7  }
0x17a: {  	[tilespmem:v1+s7+$0x0] =	vst.idx.add.f32.msk $0xffff, v0  }
0x17b: {  	v1 =	vld [tilespmem:$0xE10];
	_ =	sdelay $0x7  }
0x17c: {  	[tilespmem:v1+s7+$0x0] =	vst.idx.add.f32.msk $0xffff, v0  }
0x17d: {  	v1 =	vld [tilespmem:$0xE20];
	_ =	sdelay $0x7  }
0x17e: {  	[tilespmem:v1+s7+$0x0] =	vst.idx.add.f32.msk $0xffff, v0  }
0x17f: {  	v1 =	vld [tilespmem:$0xE30];
	_ =	sdelay $0x7  }
0x180: {  	[tilespmem:v1+s7+$0x0] =	vst.idx.add.f32.msk $0xffff, v0  }
0x181: {  	v1 =	vld [tilespmem:$0xE40];
	_ =	sdelay $0x7  }
0x182: {  	[tilespmem:v1+s7+$0x0] =	vst.idx.add.f32.msk $0xffff, v0  }
0x183: {  	v1 =	vld [tilespmem:$0xE50];
	_ =	sdelay $0x7  }
0x184: {  	[tilespmem:v1+s7+$0x0] =	vst.idx.add.f32.msk $0xffff, v0  }
0x185: {  	v1 =	vld [tilespmem:$0xE60];
	_ =	sdelay $0x7  }
0x186: {  	[tilespmem:v1+s7+$0x0] =	vst.idx.add.f32.msk $0xffff, v0  }
0x187: {  	v1 =	vld [tilespmem:$0xE70];
	_ =	sdelay $0x7  }
0x188: {  	[tilespmem:v1+s7+$0x0] =	vst.idx.add.f32.msk $0xffff, v0  }
0x189: {  	_ =	swait.ge [sflag:s15], $0x4000  }
0x18a: {  	[sflag:s15] =	ssyncset.done $0x0  }
0x18b: {  	[sflag:s15] =	ssyncadd.s32 $0xFFFFC000  }
0x18c: {  	_ =	swait.ge [sflag:s16], $0x4000  }
0x18d: {  	[sflag:s16] =	ssyncset.done $0x0  }
0x18e: {  	[sflag:s16] =	ssyncadd.s32 $0xFFFFC000  }
0x18f: {  	[tilespmem:s5], [sflag:$0x1] =	stream.indirect.gather [hbm4b:s11+s9], $0x80, s28, s9, $0xb8;
	[tilespmem:$0x1FC00] =	vst v63  }
0x190: {  	_ = 	snop  }
0x191: {  	[spmem:s2] =	stream.indirect.scatter.add.f32 [tilespmem:s14], [sflag:$0x4], $0x80, s29, s9, $0xb8;
	[tilespmem:$0x1FC00] =	vst v63  }
0x192: {  	v1 =	vld [tilespmem:$0xE80];
	_ =	sdelay $0x7  }
0x193: {  	[tilespmem:v1+s7+$0x0] =	vst.idx.add.f32.msk $0xffff, v0  }
0x194: {  	v1 =	vld [tilespmem:$0xE90];
	_ =	sdelay $0x7  }
0x195: {  	[tilespmem:v1+s7+$0x0] =	vst.idx.add.f32.msk $0xffff, v0  }
0x196: {  	v1 =	vld [tilespmem:$0xEA0];
	_ =	sdelay $0x7  }
0x197: {  	[tilespmem:v1+s7+$0x0] =	vst.idx.add.f32.msk $0xffff, v0  }
0x198: {  	v1 =	vld [tilespmem:$0xEB0];
	_ =	sdelay $0x7  }
0x199: {  	[tilespmem:v1+s7+$0x0] =	vst.idx.add.f32.msk $0xffff, v0  }
0x19a: {  	v1 =	vld [tilespmem:$0xEC0];
	_ =	sdelay $0x7  }
0x19b: {  	[tilespmem:v1+s7+$0x0] =	vst.idx.add.f32.msk $0xffff, v0  }
0x19c: {  	v1 =	vld [tilespmem:$0xED0];
	_ =	sdelay $0x7  }
0x19d: {  	[tilespmem:v1+s7+$0x0] =	vst.idx.add.f32.msk $0xffff, v0  }
0x19e: {  	v1 =	vld [tilespmem:$0xEE0];
	_ =	sdelay $0x7  }
0x19f: {  	[tilespmem:v1+s7+$0x0] =	vst.idx.add.f32.msk $0xffff, v0  }
0x1a0: {  	v1 =	vld [tilespmem:$0xEF0];
	_ =	sdelay $0x7  }
0x1a1: {  	[tilespmem:v1+s7+$0x0] =	vst.idx.add.f32.msk $0xffff, v0  }
0x1a2: {  	_ =	swait.ge [sflag:s13], $0x4000  }
0x1a3: {  	[sflag:s13] =	ssyncset.done $0x0  }
0x1a4: {  	[sflag:s13] =	ssyncadd.s32 $0xFFFFC000  }
0x1a5: {  	_ =	swait.ge [sflag:s17], $0x4000  }
0x1a6: {  	[sflag:s17] =	ssyncset.done $0x0  }
0x1a7: {  	[sflag:s17] =	ssyncadd.s32 $0xFFFFC000  }
0x1a8: {  	[tilespmem:s14], [sflag:$0x2] =	stream.indirect.gather [hbm4b:s11+s9], $0x80, s30, s9, $0xb8;
	[tilespmem:$0x1FC00] =	vst v63  }
0x1a9: {  	_ = 	snop  }
0x1aa: {  	[spmem:s2] =	stream.indirect.scatter.add.f32 [tilespmem:s5], [sflag:$0x3], $0x80, s31, s9, $0xb8;
	[tilespmem:$0x1FC00] =	vst v63  }
0x1ab: {  	v1 =	vld [tilespmem:$0xF00];
	_ =	sdelay $0x7  }
0x1ac: {  	[tilespmem:v1+s7+$0x0] =	vst.idx.add.f32.msk $0xffff, v0  }
0x1ad: {  	v1 =	vld [tilespmem:$0xF10];
	_ =	sdelay $0x7  }
0x1ae: {  	[tilespmem:v1+s7+$0x0] =	vst.idx.add.f32.msk $0xffff, v0  }
0x1af: {  	v1 =	vld [tilespmem:$0xF20];
	_ =	sdelay $0x7  }
0x1b0: {  	[tilespmem:v1+s7+$0x0] =	vst.idx.add.f32.msk $0xffff, v0  }
0x1b1: {  	v1 =	vld [tilespmem:$0xF30];
	_ =	sdelay $0x7  }
0x1b2: {  	[tilespmem:v1+s7+$0x0] =	vst.idx.add.f32.msk $0xffff, v0  }
0x1b3: {  	v1 =	vld [tilespmem:$0xF40];
	_ =	sdelay $0x7  }
0x1b4: {  	[tilespmem:v1+s7+$0x0] =	vst.idx.add.f32.msk $0xffff, v0  }
0x1b5: {  	v1 =	vld [tilespmem:$0xF50];
	_ =	sdelay $0x7  }
0x1b6: {  	[tilespmem:v1+s7+$0x0] =	vst.idx.add.f32.msk $0xffff, v0  }
0x1b7: {  	v1 =	vld [tilespmem:$0xF60];
	_ =	sdelay $0x7  }
0x1b8: {  	[tilespmem:v1+s7+$0x0] =	vst.idx.add.f32.msk $0xffff, v0  }
0x1b9: {  	v1 =	vld [tilespmem:$0xF70];
	_ =	sdelay $0x7  }
0x1ba: {  	[tilespmem:v1+s7+$0x0] =	vst.idx.add.f32.msk $0xffff, v0  }
0x1bb: {  	_ =	swait.ge [sflag:s15], $0x4000  }
0x1bc: {  	[sflag:s15] =	ssyncset.done $0x0  }
0x1bd: {  	[sflag:s15] =	ssyncadd.s32 $0xFFFFC000  }
0x1be: {  	[spmem:s2] =	stream.indirect.scatter.add.f32 [tilespmem:s14], [sflag:$0x4], $0x80, s0, s9, $0xb8;
	[tilespmem:$0x1FC00] =	vst v63  }
0x1bf: {  	v1 =	vld [tilespmem:$0xF80];
	_ =	sdelay $0x7  }
0x1c0: {  	[tilespmem:v1+s7+$0x0] =	vst.idx.add.f32.msk $0xffff, v0  }
0x1c1: {  	v1 =	vld [tilespmem:$0xF90];
	_ =	sdelay $0x7  }
0x1c2: {  	[tilespmem:v1+s7+$0x0] =	vst.idx.add.f32.msk $0xffff, v0  }
0x1c3: {  	v1 =	vld [tilespmem:$0xFA0];
	_ =	sdelay $0x7  }
0x1c4: {  	[tilespmem:v1+s7+$0x0] =	vst.idx.add.f32.msk $0xffff, v0  }
0x1c5: {  	v1 =	vld [tilespmem:$0xFB0];
	_ =	sdelay $0x7  }
0x1c6: {  	[tilespmem:v1+s7+$0x0] =	vst.idx.add.f32.msk $0xffff, v0  }
0x1c7: {  	v1 =	vld [tilespmem:$0xFC0];
	_ =	sdelay $0x7  }
0x1c8: {  	[tilespmem:v1+s7+$0x0] =	vst.idx.add.f32.msk $0xffff, v0  }
0x1c9: {  	v1 =	vld [tilespmem:$0xFD0];
	_ =	sdelay $0x7  }
0x1ca: {  	[tilespmem:v1+s7+$0x0] =	vst.idx.add.f32.msk $0xffff, v0  }
0x1cb: {  	v1 =	vld [tilespmem:$0xFE0];
	_ =	sdelay $0x7  }
0x1cc: {  	[tilespmem:v1+s7+$0x0] =	vst.idx.add.f32.msk $0xffff, v0  }
0x1cd: {  	v1 =	vld [tilespmem:$0xFF0];
	_ =	sdelay $0x7  }
0x1ce: {  	[tilespmem:v1+s7+$0x0] =	vst.idx.add.f32.msk $0xffff, v0  }
0x1cf: {  	p0 =	sne.s32 s8, $0x900;
	_ =	swait.ge [sflag:s16], $0x4000  }
.Ltmp0:
0x1d0: {  	[sflag:s16] =	ssyncset.done $0x0;
	(pc) =	sbr.rel @p0 .LBB2_1-.Ltmp0, $4  }
0x1d1: {  	[sflag:s16] =	ssyncadd.s32 $0xFFFFC000  }
0x1d2: {  	_ =	swait.ge [sflag:s17], $0x4000  }
0x1d3: {  	[sflag:s17] =	ssyncset.done $0x0  }
0x1d4: {  	s8 =	sadd.s32 $0x100, s8;
	[sflag:s17] =	ssyncadd.s32 $0xFFFFC000  }
0x1d5: {  	[bflag:$0x0] =	sbarrier.arrive $0xFFFF;
	s0 =	simm.s32 $0x80;
	s1 =	simm.s32 $0xB800  }
0x1d6: {  	s3 =	simm.s32 $0x1000;
	s17 =	simm.s32 $0x1;
	s9 =	stileid.u32  }
0x1d7: {  	[tilespmem:s3], [sflag:$0x1] =	stream.indirect.gather [spmem:s2], $0x80, s1, s0, $0xb8;
	[tilespmem:$0x1FC00] =	vst v63  }
0x1d8: {  	s4 =	smul.u32 $0x2800, s9;
	_ =	swait.ge [sflag:s17], $0x4000  }
0x1d9: {  	s5 =	simm.s32 $0x0;
	[sflag:s17] =	ssyncset.done $0x0  }
0x1da: {  	s18 =	simm.s32 $0x5;
	s4 =	sadd.s32 s10, s4;
	[sflag:s17] =	ssyncadd.s32 $0xFFFFC000  }
0x1db: {  	[hbm4b:s4+s5] =	stream.linear.scatter [tilespmem:s3], [sflag:$0x5], $0x4000, $0x38;
	[tilespmem:$0x1FC00] =	vst v63  }
0x1dc: {  	_ =	swait.ge [sflag:s18], $0x4000  }
0x1dd: {  	[sflag:s18] =	ssyncset.done $0x0  }
0x1de: {  	s7 =	simm.s32 $0xB880;
	s6 =	smul.u32 $0x14000, s9;
	[sflag:s18] =	ssyncadd.s32 $0xFFFFC000  }
0x1df: {  	[tilespmem:s3], [sflag:$0x1] =	stream.indirect.gather [spmem:s2], $0x80, s7, s0, $0xb8;
	[tilespmem:$0x1FC00] =	vst v63  }
0x1e0: {  	s6 =	sshrl.u32 s6, $0x3;
	_ =	swait.ge [sflag:s17], $0x4000  }
0x1e1: {  	s6 =	sadd.s32 s10, s6;
	[sflag:s17] =	ssyncset.done $0x0  }
0x1e2: {  	s19 =	sadd.s32 $0x800, s6;
	[sflag:s17] =	ssyncadd.s32 $0xFFFFC000  }
0x1e3: {  	[hbm4b:s19+s5] =	stream.linear.scatter [tilespmem:s3], [sflag:$0x5], $0x4000, $0x38;
	[tilespmem:$0x1FC00] =	vst v63  }
0x1e4: {  	_ =	swait.ge [sflag:s18], $0x4000  }
0x1e5: {  	[sflag:s18] =	ssyncset.done $0x0  }
0x1e6: {  	s20 =	simm.s32 $0xB900;
	[sflag:s18] =	ssyncadd.s32 $0xFFFFC000  }
0x1e7: {  	[tilespmem:s3], [sflag:$0x1] =	stream.indirect.gather [spmem:s2], $0x80, s20, s0, $0xb8;
	[tilespmem:$0x1FC00] =	vst v63  }
0x1e8: {  	_ =	swait.ge [sflag:s17], $0x4000  }
0x1e9: {  	[sflag:s17] =	ssyncset.done $0x0  }
0x1ea: {  	s21 =	sadd.s32 $0x1000, s6;
	[sflag:s17] =	ssyncadd.s32 $0xFFFFC000  }
0x1eb: {  	[hbm4b:s21+s5] =	stream.linear.scatter [tilespmem:s3], [sflag:$0x5], $0x4000, $0x38;
	[tilespmem:$0x1FC00] =	vst v63  }
0x1ec: {  	_ =	swait.ge [sflag:s18], $0x4000  }
0x1ed: {  	[sflag:s18] =	ssyncset.done $0x0  }
0x1ee: {  	s22 =	simm.s32 $0xB980;
	[sflag:s18] =	ssyncadd.s32 $0xFFFFC000  }
0x1ef: {  	[tilespmem:s3], [sflag:$0x1] =	stream.indirect.gather [spmem:s2], $0x80, s22, s0, $0xb8;
	[tilespmem:$0x1FC00] =	vst v63  }
0x1f0: {  	_ =	swait.ge [sflag:s17], $0x4000  }
0x1f1: {  	[sflag:s17] =	ssyncset.done $0x0  }
0x1f2: {  	s23 =	sadd.s32 $0x1800, s6;
	[sflag:s17] =	ssyncadd.s32 $0xFFFFC000  }
0x1f3: {  	[hbm4b:s23+s5] =	stream.linear.scatter [tilespmem:s3], [sflag:$0x5], $0x4000, $0x38;
	[tilespmem:$0x1FC00] =	vst v63  }
0x1f4: {  	_ =	swait.ge [sflag:s18], $0x4000  }
0x1f5: {  	[sflag:s18] =	ssyncset.done $0x0  }
0x1f6: {  	s8 =	simm.s32 $0xBA00;
	[sflag:s18] =	ssyncadd.s32 $0xFFFFC000  }
0x1f7: {  	[tilespmem:s3], [sflag:$0x1] =	stream.indirect.gather [spmem:s2], $0x80, s8, s0, $0xb8;
	[tilespmem:$0x1FC00] =	vst v63  }
0x1f8: {  	s24 =	sshrl.u32 s9, $0x3;
	_ =	swait.ge [sflag:s17], $0x4000  }
0x1f9: {  	s25 =	smul.u32 $0x14000, s24;
	s26 =	rddreg [dreg:$0x15];
	[sflag:s17] =	ssyncset.done $0x0  }
0x1fa: {  	s6 =	sadd.s32 $0x2000, s6;
	s7 =	sand.u32 $0x380, s26;
	[sflag:s17] =	ssyncadd.s32 $0xFFFFC000  }
0x1fb: {  	[hbm4b:s6+s5] =	stream.linear.scatter [tilespmem:s3], [sflag:$0x5], $0x4000, $0x38;
	[tilespmem:$0x1FC00] =	vst v63  }
0x1fc: {  	s30 =	simm.s32 $0x400;
	s2 =	sor.u32 s7, s25;
	_ =	swait.ge [sflag:s18], $0x4000  }
0x1fd: {  	s28 =	sshrl.u32 s2, $0x3;
	s29 =	rddreg [dreg:$0x16];
	[sflag:s18] =	ssyncset.done $0x0  }
0x1fe: {  	s31 =	simm.s32 $0x9000;
	s1 =	sadd.s32 s29, s28;
	[sflag:s18] =	ssyncadd.s32 $0xFFFFC000  }
0x1ff: {  	[hbm4b:s1+s0] =	stream.strided.scatter [tilespmem:s31], [sflag:$0x5], $0x2800, s30, s0, $0x38;
	[tilespmem:$0x1FC00] =	vst v63  }
0x200: {  	_ =	swait.ge [sflag:s18], $0x2800  }
0x201: {  	[sflag:s18] =	ssyncset.done $0x0  }
0x202: {  	[sflag:s18] =	ssyncadd.s32 $0xFFFFD800  }
0x203: {  	_ =	sfence.sel $0x180000  }
0x204: {  	[bflag:$0x0] =	sbarrier.arrive $0xFFFF  }
0x205: {  	_ =	strace $0x90000047  }
0x206: {  	[bflag:$0x2] =	sbarrier.arrive $0xFFFF  }
0x207: {  	p0 =	sne.s32 s9, $0x0;
	s0 =	rddreg [dreg:$0x3]  }
0x208: {  	s0 =	sadd.s32 @!p0 $0x100000, s0  }
0x209: {  	[sflag:s0] =	ssyncadd.tile.s32 @!p0 $0x1;
	_ =	shalt  }
.Lfunc_end2:
_tile_overlayer_lowered:
.L_overlay_start_2:
0x20a: {  	(tag) =	ssettag $0x2  }
0x20b: {  	s0 =	rddreg [dreg:$0x0];
	s2 =	stileid.u32  }
0x20c: {  	s1 =	rddreg [dreg:$0x1];
	p0 =	sne.s32 s2, $0x0  }
0x20d: {  	s3 =	rddreg [dreg:$0x2];
	[bflag:$0x3] =	sbarrier.arrive $0xFFFF;
	s2 =	simm.s32 @!p0 $0x1C05  }
0x20e: {  	[timem:s3], [sflag:s2] =	dma.local @!p0 [hbm:s0], s1  }
0x20f: {  	s0 =	simm.s32 @!p0 $0x5  }
0x210: {  	_ =	swait.ge @!p0 [sflag:s0], s1  }
0x211: {  	s1 =	ssub.s32 @!p0 $0x0, s1;
	[sflag:s0] =	ssyncset.done @!p0 $0x0  }
0x212: {  	[sflag:s0] =	ssyncadd.s32 @!p0 s1  }
0x213: {  	[bflag:$0x3] =	sbarrier.arrive $0xFFFF  }
0x214: {  	_ =	shalt  }

</sc_bundles>
